<compile_context>
chip_gen: v7x
topology: tpu7x:2x2x1
jax: 0.10.2.dev20260603
libtpu: 0.0.44.dev20260713+nightly
codegen_flags: <defaults>
</compile_context>

<pallas_src>
import functools

import jax
import jax.numpy as jnp
from jax import lax
from jax.experimental import pallas as pl
from jax.experimental.pallas import tpu as pltpu
from jax.experimental.pallas import tpu_sc as plsc

NC = 2
NS = 16
NW = NC * NS


def _sc_mesh():
    return plsc.VectorSubcoreMesh(
        core_axis_name="c", subcore_axis_name="s", num_cores=NC, num_subcores=NS
    )


def _make_deg_kernel(N, E, K):
    EB = E // NW
    NCH = EB // K
    NB = NCH // 2
    assert NCH % 2 == 1
    RPT = N // NS

    @functools.partial(
        pl.kernel,
        out_type=jax.ShapeDtypeStruct((NC, N, 128), jnp.float32),
        mesh=_sc_mesh(),
        scratch_types=[
            pltpu.VMEM((2, K), jnp.int32),
            pltpu.VMEM((2, K), jnp.int32),
            pltpu.VMEM((K, 128), jnp.float32),
            pltpu.VMEM((K, 128), jnp.float32),
            pltpu.VMEM_SHARED((N, 128), jnp.float32),
            pltpu.SemaphoreType.DMA,
            pltpu.SemaphoreType.DMA,
        ],
    )
    def deg_kernel(src_h, dst_h, ones_s_h, ones_d_h, zer_h, dg_out,
                   sidx, didx, ones_s, ones_d, dg_sh, sem_i0, sem_i1):
        c = lax.axis_index("c")
        s = lax.axis_index("s")
        wid = s * NC + c
        r0 = s * RPT
        pltpu.sync_copy(zer_h, dg_sh.at[pl.ds(r0, RPT)])
        pltpu.sync_copy(ones_s_h, ones_s)
        pltpu.sync_copy(ones_d_h, ones_d)
        plsc.subcore_barrier()
        base = wid * EB

        def fire_idx(i, slot, sem):
            off = pl.multiple_of(base + i * K, 8)
            pltpu.async_copy(src_h.at[pl.ds(off, K)], sidx.at[slot], sem)
            pltpu.async_copy(dst_h.at[pl.ds(off, K)], didx.at[slot], sem)

        def wait_idx(slot, sem):
            pltpu.make_async_copy(src_h.at[pl.ds(0, K)], sidx.at[slot], sem).wait()
            pltpu.make_async_copy(dst_h.at[pl.ds(0, K)], didx.at[slot], sem).wait()

        fire_idx(0, 0, sem_i0)
        fire_idx(1, 1, sem_i1)

        def body(t, carry):
            wait_idx(0, sem_i0)
            pltpu.sync_copy(ones_s, dg_sh.at[sidx.at[0]], add=True)
            pltpu.sync_copy(ones_d, dg_sh.at[didx.at[0]], add=True)
            fire_idx(2 * t + 2, 0, sem_i0)
            wait_idx(1, sem_i1)
            pltpu.sync_copy(ones_s, dg_sh.at[sidx.at[1]], add=True)
            pltpu.sync_copy(ones_d, dg_sh.at[didx.at[1]], add=True)

            @pl.when(t < NB - 1)
            def _():
                fire_idx(2 * t + 3, 1, sem_i1)

            return carry

        lax.fori_loop(0, NB, body, 0)
        wait_idx(0, sem_i0)
        pltpu.sync_copy(ones_s, dg_sh.at[sidx.at[0]], add=True)
        pltpu.sync_copy(ones_d, dg_sh.at[didx.at[0]], add=True)
        plsc.subcore_barrier()
        pltpu.sync_copy(dg_sh.at[pl.ds(r0, RPT)], dg_out.at[c, pl.ds(r0, RPT)])

    return deg_kernel


def _make_agg_kernel(N, E, D, K):
    EB = E // NW
    NCH = EB // K
    NB = NCH // 2
    RPT = N // NS

    @functools.partial(
        pl.kernel,
        out_type=jax.ShapeDtypeStruct((NC, N, D), jnp.float32),
        mesh=_sc_mesh(),
        scratch_types=[
            pltpu.VMEM((2, K), jnp.int32),
            pltpu.VMEM((2, K), jnp.int32),
            pltpu.VMEM((K, D), jnp.float32),
            pltpu.VMEM((K, D), jnp.float32),
            pltpu.VMEM_SHARED((N, D), jnp.float32),
            pltpu.SemaphoreType.DMA,
            pltpu.SemaphoreType.DMA,
            pltpu.SemaphoreType.DMA,
            pltpu.SemaphoreType.DMA,
        ],
    )
    def agg_kernel(hs_h, src_h, dst_h, zer_h, out_h,
                   sidx, didx, rows0, rows1, agg_sh,
                   sem_i0, sem_i1, sem_g0, sem_g1):
        c = lax.axis_index("c")
        s = lax.axis_index("s")
        wid = s * NC + c
        r0 = s * RPT
        pltpu.sync_copy(zer_h, agg_sh.at[pl.ds(r0, RPT)])
        plsc.subcore_barrier()
        base = wid * EB

        def fire_idx(i, slot, sem):
            off = pl.multiple_of(base + i * K, 8)
            pltpu.async_copy(src_h.at[pl.ds(off, K)], sidx.at[slot], sem)
            pltpu.async_copy(dst_h.at[pl.ds(off, K)], didx.at[slot], sem)

        def wait_idx(slot, sem):
            pltpu.make_async_copy(src_h.at[pl.ds(0, K)], sidx.at[slot], sem).wait()
            pltpu.make_async_copy(dst_h.at[pl.ds(0, K)], didx.at[slot], sem).wait()

        def fire_gather(slot_rows, slot, sem):
            pltpu.async_copy(hs_h.at[sidx.at[slot]], slot_rows, sem)

        def wait_gather(slot_rows, slot, sem):
            pltpu.make_async_copy(hs_h.at[sidx.at[slot]], slot_rows, sem).wait()

        fire_idx(0, 0, sem_i0)
        fire_idx(1, 1, sem_i1)
        wait_idx(0, sem_i0)
        fire_gather(rows0, 0, sem_g0)

        def body(t, carry):
            wait_idx(1, sem_i1)
            fire_gather(rows1, 1, sem_g1)
            wait_gather(rows0, 0, sem_g0)
            pltpu.sync_copy(rows0, agg_sh.at[didx.at[0]], add=True)
            fire_idx(2 * t + 2, 0, sem_i0)
            wait_idx(0, sem_i0)
            fire_gather(rows0, 0, sem_g0)
            wait_gather(rows1, 1, sem_g1)
            pltpu.sync_copy(rows1, agg_sh.at[didx.at[1]], add=True)

            @pl.when(t < NB - 1)
            def _():
                fire_idx(2 * t + 3, 1, sem_i1)

            return carry

        lax.fori_loop(0, NB, body, 0)
        wait_gather(rows0, 0, sem_g0)
        pltpu.sync_copy(rows0, agg_sh.at[didx.at[0]], add=True)
        plsc.subcore_barrier()
        pltpu.sync_copy(agg_sh.at[pl.ds(r0, RPT)], out_h.at[c, pl.ds(r0, RPT)])

    return agg_kernel


def _norms_from_deg(dg_block):
    d = dg_block[0] + dg_block[1]
    n_src = lax.rsqrt(jnp.maximum(d[:, 0:1], 1.0))
    n_dst = lax.rsqrt(jnp.maximum(d[:, 64:65], 1.0))
    return n_src, n_dst


def _tc_pre(x, W1, degp, BN):
    N, D = x.shape

    def body(x_ref, w_ref, dg_ref, o_ref):
        norm, _ = _norms_from_deg(dg_ref[...])
        o_ref[...] = (
            jnp.dot(x_ref[...], w_ref[...], preferred_element_type=jnp.float32)
            * norm
        )

    return pl.pallas_call(
        body,
        grid=(N // BN,),
        in_specs=[
            pl.BlockSpec((BN, D), lambda i: (i, 0)),
            pl.BlockSpec((D, D), lambda i: (0, 0)),
            pl.BlockSpec((2, BN, 128), lambda i: (0, i, 0)),
        ],
        out_specs=pl.BlockSpec((BN, D), lambda i: (i, 0)),
        out_shape=jax.ShapeDtypeStruct((N, D), jnp.float32),
    )(x, W1, degp)


def _tc_mid(aggp, degp, b1, W2, BN):
    _, N, D = aggp.shape

    def body(ag_ref, dg_ref, b_ref, w_ref, o_ref):
        agg = ag_ref[0] + ag_ref[1]
        n_src, n_dst = _norms_from_deg(dg_ref[...])
        h = jnp.maximum(agg * n_dst + b_ref[...], 0.0)
        o_ref[...] = (
            jnp.dot(h, w_ref[...], preferred_element_type=jnp.float32)
            * n_src
        )

    return pl.pallas_call(
        body,
        grid=(N // BN,),
        in_specs=[
            pl.BlockSpec((2, BN, D), lambda i: (0, i, 0)),
            pl.BlockSpec((2, BN, 128), lambda i: (0, i, 0)),
            pl.BlockSpec((1, D), lambda i: (0, 0)),
            pl.BlockSpec((D, D), lambda i: (0, 0)),
        ],
        out_specs=pl.BlockSpec((BN, D), lambda i: (i, 0)),
        out_shape=jax.ShapeDtypeStruct((N, D), jnp.float32),
    )(aggp, degp, b1, W2)


def _tc_final(aggp, degp, b2, Wl, bl, BN, Nvalid):
    _, N, D = aggp.shape
    Dout = Wl.shape[1]
    nsteps = N // BN

    def body(ag_ref, dg_ref, b_ref, wl_ref, bl_ref, o_ref, acc_ref):
        i = pl.program_id(0)
        agg = ag_ref[0] + ag_ref[1]
        _, n_dst = _norms_from_deg(dg_ref[...])
        h = jnp.maximum(agg * n_dst + b_ref[...], 0.0)
        row = i * BN + lax.broadcasted_iota(jnp.int32, (BN, 1), 0)
        h = jnp.where(row < Nvalid, h, 0.0)
        part = jnp.sum(h, axis=0, keepdims=True)

        @pl.when(i == 0)
        def _():
            acc_ref[...] = part

        @pl.when(i > 0)
        def _():
            acc_ref[...] += part

        @pl.when(i == nsteps - 1)
        def _():
            m = acc_ref[...] * jnp.float32(1.0 / Nvalid)
            o_ref[...] = jnp.maximum(
                jnp.dot(m, wl_ref[...], preferred_element_type=jnp.float32)
                + bl_ref[...],
                0.0,
            )

    return pl.pallas_call(
        body,
        grid=(nsteps,),
        in_specs=[
            pl.BlockSpec((2, BN, D), lambda i: (0, i, 0)),
            pl.BlockSpec((2, BN, 128), lambda i: (0, i, 0)),
            pl.BlockSpec((1, D), lambda i: (0, 0)),
            pl.BlockSpec((D, Dout), lambda i: (0, 0)),
            pl.BlockSpec((1, Dout), lambda i: (0, 0)),
        ],
        out_specs=pl.BlockSpec((1, Dout), lambda i: (0, 0)),
        out_shape=jax.ShapeDtypeStruct((1, Dout), jnp.float32),
        scratch_shapes=[pltpu.VMEM((1, D), jnp.float32)],
    )(aggp, degp, b2, Wl, bl)


def kernel(x, edge_index, W1, b1, W2, b2, Wl, bl):
    N, D = x.shape
    E = edge_index.shape[1]
    K = 80

    NP = -(-N // (NS * 8)) * (NS * 8)
    BN = NP // 16

    src = edge_index[0]
    dst = edge_index[1]
    xp = jnp.pad(x, ((0, NP - N), (0, 0)))
    col = jnp.arange(128) < 64
    ones_s = jnp.where(col, 1.0, 0.0)[None, :] * jnp.ones((K, 1), jnp.float32)
    ones_d = jnp.where(col, 0.0, 1.0)[None, :] * jnp.ones((K, 1), jnp.float32)
    zeros_d = jnp.zeros((NP // NS, 128), jnp.float32)
    zeros_a = jnp.zeros((NP // NS, D), jnp.float32)

    deg_kernel = _make_deg_kernel(NP, E, K)
    agg_kernel = _make_agg_kernel(NP, E, D, K)

    degp = deg_kernel(src, dst, ones_s, ones_d, zeros_d)
    hs1 = _tc_pre(xp, W1, degp, BN)
    aggp1 = agg_kernel(hs1, src, dst, zeros_a)
    hs2 = _tc_mid(aggp1, degp, b1.reshape(1, -1), W2, BN)
    aggp2 = agg_kernel(hs2, src, dst, zeros_a)
    return _tc_final(aggp2, degp, b2.reshape(1, -1), Wl, bl.reshape(1, -1), BN, N)

# --- scband reference (transcript-rebuilt; emitter-appended) ---
"""Pipeline reference for scband-gcn-16166256902985 (READ-ONLY COPY).

The authoritative reference and input builder live on the scoring server;
editing this copy changes nothing except your own understanding.
"""

import jax, jax.numpy as jnp
import numpy as np

N = 10000
E = 320000
D_IN = 128
D_HID = 128
D_OUT = 128


def setup_inputs(seed: int = 0) -> dict:
    key = jax.random.key(seed)
    ks = jax.random.split(key, 9)
    x = jax.random.normal(ks[0], (N, D_IN), dtype=jnp.float32)
    edge_index = jax.random.randint(ks[1], (2, E), 0, N, dtype=jnp.int32)
    W1 = jax.random.normal(ks[2], (D_IN, D_HID), dtype=jnp.float32) * (1.0 / np.sqrt(D_IN))
    b1 = jnp.zeros((D_HID,), dtype=jnp.float32)
    W2 = jax.random.normal(ks[3], (D_HID, D_HID), dtype=jnp.float32) * (1.0 / np.sqrt(D_HID))
    b2 = jnp.zeros((D_HID,), dtype=jnp.float32)
    Wl = jax.random.normal(ks[4], (D_HID, D_OUT), dtype=jnp.float32) * (1.0 / np.sqrt(D_HID))
    bl = jnp.zeros((D_OUT,), dtype=jnp.float32)
    return {"x": x, "edge_index": edge_index, "W1": W1, "b1": b1, "W2": W2, "b2": b2, "Wl": Wl, "bl": bl}


def _graph_conv(h, src, dst, norm_src, norm_dst, W, b):
    # DGL GraphConv with norm='both': D_out^{-1/2} gather -> sum scatter -> D_in^{-1/2}, then weight+bias
    h = h @ W
    h = h * norm_src[:, None]
    msg = jnp.take(h, src, axis=0)
    agg = jnp.zeros_like(h).at[dst].add(msg)
    agg = agg * norm_dst[:, None]
    return agg + b


def reference(x, edge_index, W1, b1, W2, b2, Wl, bl):
    src = edge_index[0]
    dst = edge_index[1]
    deg_out = jnp.clip(jnp.bincount(src, length=N), 1, None).astype(jnp.float32)
    deg_in = jnp.clip(jnp.bincount(dst, length=N), 1, None).astype(jnp.float32)
    norm_src = jax.lax.rsqrt(deg_out)
    norm_dst = jax.lax.rsqrt(deg_in)
    h = jax.nn.relu(_graph_conv(x, src, dst, norm_src, norm_dst, W1, b1))
    h = jax.nn.relu(_graph_conv(h, src, dst, norm_src, norm_dst, W2, b2))
    hg = jnp.mean(h, axis=0, keepdims=True)  # dgl.mean_nodes, single graph -> [1, d]
    return jax.nn.relu(hg @ Wl + bl)

if __name__ == "__main__":
    import jax
    _d = setup_inputs()
    print(jax.jit(kernel)(*tuple(_d.values())))

</pallas_src>

<mosaic_0001>
#map = affine_map<(d0, d1) -> (0)>
#map1 = affine_map<(d0, d1) -> (0, 0)>
#map2 = affine_map<(d0, d1) -> (0, 0, 0)>
module attributes {stable_mosaic.version = 14 : i64} {
  func.func @deg_kernel(%arg0: i32, %arg1: i32, %arg2: memref<320000xi32, #tpu.memory_space<hbm>>, %arg3: memref<320000xi32, #tpu.memory_space<hbm>>, %arg4: memref<80x128xf32, #tpu.memory_space<hbm>>, %arg5: memref<80x128xf32, #tpu.memory_space<hbm>>, %arg6: memref<632x128xf32, #tpu.memory_space<hbm>>, %arg7: memref<2x10112x128xf32, #tpu.memory_space<hbm>>, %arg8: memref<2x80xi32, #tpu.memory_space<vmem>>, %arg9: memref<2x80xi32, #tpu.memory_space<vmem>>, %arg10: memref<80x128xf32, #tpu.memory_space<vmem>>, %arg11: memref<80x128xf32, #tpu.memory_space<vmem>>, %arg12: memref<10112x128xf32, #tpu.memory_space<vmem_shared>>, %arg13: memref<!tpu.dma_semaphore, #tpu.memory_space<semaphore_mem>>, %arg14: memref<!tpu.dma_semaphore, #tpu.memory_space<semaphore_mem>>) attributes {dimension_semantics = [#tpu.dimension_semantics<core_parallel>, #tpu.dimension_semantics<subcore_parallel>], iteration_bounds = array<i64: 2, 16>, scalar_prefetch = 0 : i64, scratch_operands = 7 : i64, tpu.core_type = #tpu.core_type<sc_vector_subcore>, window_params = [{transform_indices = #map}, {transform_indices = #map}, {transform_indices = #map1}, {transform_indices = #map1}, {transform_indices = #map1}, {transform_indices = #map2}]} {
    %mul3A = arith.constant 2 : i32
    %mul3A_0 = arith.muli %arg1, %mul3A : i32
    %add3A = arith.addi %mul3A_0, %arg0 : i32
    %mul3A_1 = arith.constant 632 : i32
    %mul3A_2 = arith.muli %arg1, %mul3A_1 : i32
    "tpu.region"() ({
      %run_scoped3A_73 = tpu.sem_alloc : memref<!tpu.dma_semaphore, #tpu.memory_space<semaphore_mem>>
      %dma_start3A_74 = arith.constant 0 : i32
      %dma_start3A_75 = tpu.memref_slice %arg12[%mul3A_2, %dma_start3A_74] : memref<10112x128xf32, #tpu.memory_space<vmem_shared>> -> memref<632x128xf32, #tpu.memory_space<vmem_shared>>
      tpu.enqueue_dma source(%arg6 : memref<632x128xf32, #tpu.memory_space<hbm>>) target(%dma_start3A_75 : memref<632x128xf32, #tpu.memory_space<vmem_shared>>) target_semaphore(%run_scoped3A_73 : memref<!tpu.dma_semaphore, #tpu.memory_space<semaphore_mem>>)
      %dma_wait3A_76 = arith.constant 0 : i32
      %dma_wait3A_77 = tpu.memref_slice %arg12[%mul3A_2, %dma_wait3A_76] : memref<10112x128xf32, #tpu.memory_space<vmem_shared>> -> memref<632x128xf32, #tpu.memory_space<vmem_shared>>
      tpu.wait_dma2 semaphore(%run_scoped3A_73 : memref<!tpu.dma_semaphore, #tpu.memory_space<semaphore_mem>>) src(%arg6 : memref<632x128xf32, #tpu.memory_space<hbm>>) dst(%dma_wait3A_77 : memref<632x128xf32, #tpu.memory_space<vmem_shared>>)
      tpu.yield
    }) : () -> ()
    "tpu.region"() ({
      %run_scoped3A_73 = tpu.sem_alloc : memref<!tpu.dma_semaphore, #tpu.memory_space<semaphore_mem>>
      tpu.enqueue_dma source(%arg4 : memref<80x128xf32, #tpu.memory_space<hbm>>) target(%arg10 : memref<80x128xf32, #tpu.memory_space<vmem>>) target_semaphore(%run_scoped3A_73 : memref<!tpu.dma_semaphore, #tpu.memory_space<semaphore_mem>>)
      tpu.wait_dma2 semaphore(%run_scoped3A_73 : memref<!tpu.dma_semaphore, #tpu.memory_space<semaphore_mem>>) src(%arg4 : memref<80x128xf32, #tpu.memory_space<hbm>>) dst(%arg10 : memref<80x128xf32, #tpu.memory_space<vmem>>)
      tpu.yield
    }) : () -> ()
    "tpu.region"() ({
      %run_scoped3A_73 = tpu.sem_alloc : memref<!tpu.dma_semaphore, #tpu.memory_space<semaphore_mem>>
      tpu.enqueue_dma source(%arg5 : memref<80x128xf32, #tpu.memory_space<hbm>>) target(%arg11 : memref<80x128xf32, #tpu.memory_space<vmem>>) target_semaphore(%run_scoped3A_73 : memref<!tpu.dma_semaphore, #tpu.memory_space<semaphore_mem>>)
      tpu.wait_dma2 semaphore(%run_scoped3A_73 : memref<!tpu.dma_semaphore, #tpu.memory_space<semaphore_mem>>) src(%arg5 : memref<80x128xf32, #tpu.memory_space<hbm>>) dst(%arg11 : memref<80x128xf32, #tpu.memory_space<vmem>>)
      tpu.yield
    }) : () -> ()
    %barrier3A = arith.constant 0 : index
    tpu.barrier barrier_id(%barrier3A)
    %mul3A_3 = arith.constant 10000 : i32
    %mul3A_4 = arith.muli %add3A, %mul3A_3 : i32
    %add3A_5 = arith.constant 0 : i32
    %add3A_6 = arith.addi %mul3A_4, %add3A_5 : i32
    %multiple_of3A = tpu.assume_multiple %add3A_6, 8 : i32
    %dma_start3A = arith.constant 0 : i32
    %dma_start3A_7 = arith.constant 0 : i32
    %dma_start3A_8 = tpu.memref_slice %arg8[%dma_start3A, %dma_start3A_7] : memref<2x80xi32, #tpu.memory_space<vmem>> -> memref<1x80xi32, #tpu.memory_space<vmem>>
    %dma_start3A_9 = tpu.memref_squeeze %dma_start3A_8 : memref<1x80xi32, #tpu.memory_space<vmem>> -> memref<80xi32, #tpu.memory_space<vmem>>
    %dma_start3A_10 = tpu.memref_slice %arg2[%multiple_of3A] : memref<320000xi32, #tpu.memory_space<hbm>> -> memref<80xi32, #tpu.memory_space<hbm>>
    %dma_start3A_11 = arith.constant 0 : i32
    %dma_start3A_12 = tpu.memref_slice %arg8[%dma_start3A, %dma_start3A_11] : memref<2x80xi32, #tpu.memory_space<vmem>> -> memref<1x80xi32, #tpu.memory_space<vmem>>
    %dma_start3A_13 = tpu.memref_squeeze %dma_start3A_12 : memref<1x80xi32, #tpu.memory_space<vmem>> -> memref<80xi32, #tpu.memory_space<vmem>>
    %dma_start3A_14 = tpu.memref_slice %arg2[%multiple_of3A] : memref<320000xi32, #tpu.memory_space<hbm>> -> memref<80xi32, #tpu.memory_space<hbm>>
    tpu.enqueue_dma source(%dma_start3A_14 : memref<80xi32, #tpu.memory_space<hbm>>) target(%dma_start3A_13 : memref<80xi32, #tpu.memory_space<vmem>>) target_semaphore(%arg13 : memref<!tpu.dma_semaphore, #tpu.memory_space<semaphore_mem>>)
    %dma_start3A_15 = arith.constant 0 : i32
    %dma_start3A_16 = arith.constant 0 : i32
    %dma_start3A_17 = tpu.memref_slice %arg9[%dma_start3A_15, %dma_start3A_16] : memref<2x80xi32, #tpu.memory_space<vmem>> -> memref<1x80xi32, #tpu.memory_space<vmem>>
    %dma_start3A_18 = tpu.memref_squeeze %dma_start3A_17 : memref<1x80xi32, #tpu.memory_space<vmem>> -> memref<80xi32, #tpu.memory_space<vmem>>
    %dma_start3A_19 = tpu.memref_slice %arg3[%multiple_of3A] : memref<320000xi32, #tpu.memory_space<hbm>> -> memref<80xi32, #tpu.memory_space<hbm>>
    %dma_start3A_20 = arith.constant 0 : i32
    %dma_start3A_21 = tpu.memref_slice %arg9[%dma_start3A_15, %dma_start3A_20] : memref<2x80xi32, #tpu.memory_space<vmem>> -> memref<1x80xi32, #tpu.memory_space<vmem>>
    %dma_start3A_22 = tpu.memref_squeeze %dma_start3A_21 : memref<1x80xi32, #tpu.memory_space<vmem>> -> memref<80xi32, #tpu.memory_space<vmem>>
    %dma_start3A_23 = tpu.memref_slice %arg3[%multiple_of3A] : memref<320000xi32, #tpu.memory_space<hbm>> -> memref<80xi32, #tpu.memory_space<hbm>>
    tpu.enqueue_dma source(%dma_start3A_23 : memref<80xi32, #tpu.memory_space<hbm>>) target(%dma_start3A_22 : memref<80xi32, #tpu.memory_space<vmem>>) target_semaphore(%arg13 : memref<!tpu.dma_semaphore, #tpu.memory_space<semaphore_mem>>)
    %add3A_24 = arith.constant 80 : i32
    %add3A_25 = arith.addi %mul3A_4, %add3A_24 : i32
    %multiple_of3A_26 = tpu.assume_multiple %add3A_25, 8 : i32
    %dma_start3A_27 = arith.constant 1 : i32
    %dma_start3A_28 = arith.constant 0 : i32
    %dma_start3A_29 = tpu.memref_slice %arg8[%dma_start3A_27, %dma_start3A_28] : memref<2x80xi32, #tpu.memory_space<vmem>> -> memref<1x80xi32, #tpu.memory_space<vmem>>
    %dma_start3A_30 = tpu.memref_squeeze %dma_start3A_29 : memref<1x80xi32, #tpu.memory_space<vmem>> -> memref<80xi32, #tpu.memory_space<vmem>>
    %dma_start3A_31 = tpu.memref_slice %arg2[%multiple_of3A_26] : memref<320000xi32, #tpu.memory_space<hbm>> -> memref<80xi32, #tpu.memory_space<hbm>>
    %dma_start3A_32 = arith.constant 0 : i32
    %dma_start3A_33 = tpu.memref_slice %arg8[%dma_start3A_27, %dma_start3A_32] : memref<2x80xi32, #tpu.memory_space<vmem>> -> memref<1x80xi32, #tpu.memory_space<vmem>>
    %dma_start3A_34 = tpu.memref_squeeze %dma_start3A_33 : memref<1x80xi32, #tpu.memory_space<vmem>> -> memref<80xi32, #tpu.memory_space<vmem>>
    %dma_start3A_35 = tpu.memref_slice %arg2[%multiple_of3A_26] : memref<320000xi32, #tpu.memory_space<hbm>> -> memref<80xi32, #tpu.memory_space<hbm>>
    tpu.enqueue_dma source(%dma_start3A_35 : memref<80xi32, #tpu.memory_space<hbm>>) target(%dma_start3A_34 : memref<80xi32, #tpu.memory_space<vmem>>) target_semaphore(%arg14 : memref<!tpu.dma_semaphore, #tpu.memory_space<semaphore_mem>>)
    %dma_start3A_36 = arith.constant 1 : i32
    %dma_start3A_37 = arith.constant 0 : i32
    %dma_start3A_38 = tpu.memref_slice %arg9[%dma_start3A_36, %dma_start3A_37] : memref<2x80xi32, #tpu.memory_space<vmem>> -> memref<1x80xi32, #tpu.memory_space<vmem>>
    %dma_start3A_39 = tpu.memref_squeeze %dma_start3A_38 : memref<1x80xi32, #tpu.memory_space<vmem>> -> memref<80xi32, #tpu.memory_space<vmem>>
    %dma_start3A_40 = tpu.memref_slice %arg3[%multiple_of3A_26] : memref<320000xi32, #tpu.memory_space<hbm>> -> memref<80xi32, #tpu.memory_space<hbm>>
    %dma_start3A_41 = arith.constant 0 : i32
    %dma_start3A_42 = tpu.memref_slice %arg9[%dma_start3A_36, %dma_start3A_41] : memref<2x80xi32, #tpu.memory_space<vmem>> -> memref<1x80xi32, #tpu.memory_space<vmem>>
    %dma_start3A_43 = tpu.memref_squeeze %dma_start3A_42 : memref<1x80xi32, #tpu.memory_space<vmem>> -> memref<80xi32, #tpu.memory_space<vmem>>
    %dma_start3A_44 = tpu.memref_slice %arg3[%multiple_of3A_26] : memref<320000xi32, #tpu.memory_space<hbm>> -> memref<80xi32, #tpu.memory_space<hbm>>
    tpu.enqueue_dma source(%dma_start3A_44 : memref<80xi32, #tpu.memory_space<hbm>>) target(%dma_start3A_43 : memref<80xi32, #tpu.memory_space<vmem>>) target_semaphore(%arg14 : memref<!tpu.dma_semaphore, #tpu.memory_space<semaphore_mem>>)
    %scan3A = arith.constant 0 : i32
    %scan3A_45 = arith.constant 0 : i32
    %scan3A_46 = arith.constant 62 : i32
    %scan3A_47 = arith.addi %scan3A_45, %scan3A_46 : i32
    %scan3A_48 = arith.constant 1 : i32
    scf.for %scan3A_73 = %scan3A_45 to %scan3A_47 step %scan3A_48  : i32 {
      %dma_wait3A_74 = arith.constant 0 : i32
      %dma_wait3A_75 = arith.constant 0 : i32
      %dma_wait3A_76 = tpu.memref_slice %arg8[%dma_wait3A_74, %dma_wait3A_75] : memref<2x80xi32, #tpu.memory_space<vmem>> -> memref<1x80xi32, #tpu.memory_space<vmem>>
      %dma_wait3A_77 = tpu.memref_squeeze %dma_wait3A_76 : memref<1x80xi32, #tpu.memory_space<vmem>> -> memref<80xi32, #tpu.memory_space<vmem>>
      %dma_wait3A_78 = arith.constant 0 : i32
      %dma_wait3A_79 = tpu.memref_slice %arg2[%dma_wait3A_78] : memref<320000xi32, #tpu.memory_space<hbm>> -> memref<80xi32, #tpu.memory_space<hbm>>
      %dma_wait3A_80 = arith.constant 0 : i32
      %dma_wait3A_81 = tpu.memref_slice %arg8[%dma_wait3A_74, %dma_wait3A_80] : memref<2x80xi32, #tpu.memory_space<vmem>> -> memref<1x80xi32, #tpu.memory_space<vmem>>
      %dma_wait3A_82 = tpu.memref_squeeze %dma_wait3A_81 : memref<1x80xi32, #tpu.memory_space<vmem>> -> memref<80xi32, #tpu.memory_space<vmem>>
      %dma_wait3A_83 = arith.constant 0 : i32
      %dma_wait3A_84 = tpu.memref_slice %arg2[%dma_wait3A_83] : memref<320000xi32, #tpu.memory_space<hbm>> -> memref<80xi32, #tpu.memory_space<hbm>>
      tpu.wait_dma2 semaphore(%arg13 : memref<!tpu.dma_semaphore, #tpu.memory_space<semaphore_mem>>) src(%dma_wait3A_84 : memref<80xi32, #tpu.memory_space<hbm>>) dst(%dma_wait3A_82 : memref<80xi32, #tpu.memory_space<vmem>>)
      %dma_wait3A_85 = arith.constant 0 : i32
      %dma_wait3A_86 = arith.constant 0 : i32
      %dma_wait3A_87 = tpu.memref_slice %arg9[%dma_wait3A_85, %dma_wait3A_86] : memref<2x80xi32, #tpu.memory_space<vmem>> -> memref<1x80xi32, #tpu.memory_space<vmem>>
      %dma_wait3A_88 = tpu.memref_squeeze %dma_wait3A_87 : memref<1x80xi32, #tpu.memory_space<vmem>> -> memref<80xi32, #tpu.memory_space<vmem>>
      %dma_wait3A_89 = arith.constant 0 : i32
      %dma_wait3A_90 = tpu.memref_slice %arg3[%dma_wait3A_89] : memref<320000xi32, #tpu.memory_space<hbm>> -> memref<80xi32, #tpu.memory_space<hbm>>
      %dma_wait3A_91 = arith.constant 0 : i32
      %dma_wait3A_92 = tpu.memref_slice %arg9[%dma_wait3A_85, %dma_wait3A_91] : memref<2x80xi32, #tpu.memory_space<vmem>> -> memref<1x80xi32, #tpu.memory_space<vmem>>
      %dma_wait3A_93 = tpu.memref_squeeze %dma_wait3A_92 : memref<1x80xi32, #tpu.memory_space<vmem>> -> memref<80xi32, #tpu.memory_space<vmem>>
      %dma_wait3A_94 = arith.constant 0 : i32
      %dma_wait3A_95 = tpu.memref_slice %arg3[%dma_wait3A_94] : memref<320000xi32, #tpu.memory_space<hbm>> -> memref<80xi32, #tpu.memory_space<hbm>>
      tpu.wait_dma2 semaphore(%arg13 : memref<!tpu.dma_semaphore, #tpu.memory_space<semaphore_mem>>) src(%dma_wait3A_95 : memref<80xi32, #tpu.memory_space<hbm>>) dst(%dma_wait3A_93 : memref<80xi32, #tpu.memory_space<vmem>>)
      %run_scoped3A_96 = arith.constant 0 : i32
      "tpu.region"() ({
        %run_scoped3A_150 = tpu.sem_alloc : memref<!tpu.dma_semaphore, #tpu.memory_space<semaphore_mem>>
        %dma_start3A_151 = arith.constant 0 : i32
        %dma_start3A_152 = tpu.memref_slice %arg8[%run_scoped3A_96, %dma_start3A_151] : memref<2x80xi32, #tpu.memory_space<vmem>> -> memref<1x80xi32, #tpu.memory_space<vmem>>
        %dma_start3A_153 = tpu.memref_squeeze %dma_start3A_152 : memref<1x80xi32, #tpu.memory_space<vmem>> -> memref<80xi32, #tpu.memory_space<vmem>>
        %dma_start3A_154 = arith.constant 0 : i32
        %dma_start3A_155 = arith.constant 0 : i32
        %dma_start3A_156 = tpu.memref_slice %arg12[%dma_start3A_154, %dma_start3A_155] : memref<10112x128xf32, #tpu.memory_space<vmem_shared>> -> memref<10112x128xf32, #tpu.memory_space<vmem_shared>>
        tpu.enqueue_indirect_dma source(%arg10 : memref<80x128xf32, #tpu.memory_space<vmem>>) target(%dma_start3A_156 : memref<10112x128xf32, #tpu.memory_space<vmem_shared>>) offsets(%dma_start3A_153 : memref<80xi32, #tpu.memory_space<vmem>>) semaphore(%run_scoped3A_150 : memref<!tpu.dma_semaphore, #tpu.memory_space<semaphore_mem>>) {add = true}
        %dma_wait3A_157 = arith.constant 0 : i32
        %dma_wait3A_158 = tpu.memref_slice %arg8[%run_scoped3A_96, %dma_wait3A_157] : memref<2x80xi32, #tpu.memory_space<vmem>> -> memref<1x80xi32, #tpu.memory_space<vmem>>
        %dma_wait3A_159 = tpu.memref_squeeze %dma_wait3A_158 : memref<1x80xi32, #tpu.memory_space<vmem>> -> memref<80xi32, #tpu.memory_space<vmem>>
        %dma_wait3A_160 = arith.constant 0 : i32
        %dma_wait3A_161 = arith.constant 0 : i32
        %dma_wait3A_162 = tpu.memref_slice %arg12[%dma_wait3A_160, %dma_wait3A_161] : memref<10112x128xf32, #tpu.memory_space<vmem_shared>> -> memref<10112x128xf32, #tpu.memory_space<vmem_shared>>
        tpu.wait_indirect_dma semaphore(%run_scoped3A_150 : memref<!tpu.dma_semaphore, #tpu.memory_space<semaphore_mem>>) src(%arg10 : memref<80x128xf32, #tpu.memory_space<vmem>>) dst(%dma_wait3A_162 : memref<10112x128xf32, #tpu.memory_space<vmem_shared>>)
        tpu.yield
      }) : () -> ()
      %run_scoped3A_97 = arith.constant 0 : i32
      "tpu.region"() ({
        %run_scoped3A_150 = tpu.sem_alloc : memref<!tpu.dma_semaphore, #tpu.memory_space<semaphore_mem>>
        %dma_start3A_151 = arith.constant 0 : i32
        %dma_start3A_152 = tpu.memref_slice %arg9[%run_scoped3A_97, %dma_start3A_151] : memref<2x80xi32, #tpu.memory_space<vmem>> -> memref<1x80xi32, #tpu.memory_space<vmem>>
        %dma_start3A_153 = tpu.memref_squeeze %dma_start3A_152 : memref<1x80xi32, #tpu.memory_space<vmem>> -> memref<80xi32, #tpu.memory_space<vmem>>
        %dma_start3A_154 = arith.constant 0 : i32
        %dma_start3A_155 = arith.constant 0 : i32
        %dma_start3A_156 = tpu.memref_slice %arg12[%dma_start3A_154, %dma_start3A_155] : memref<10112x128xf32, #tpu.memory_space<vmem_shared>> -> memref<10112x128xf32, #tpu.memory_space<vmem_shared>>
        tpu.enqueue_indirect_dma source(%arg11 : memref<80x128xf32, #tpu.memory_space<vmem>>) target(%dma_start3A_156 : memref<10112x128xf32, #tpu.memory_space<vmem_shared>>) offsets(%dma_start3A_153 : memref<80xi32, #tpu.memory_space<vmem>>) semaphore(%run_scoped3A_150 : memref<!tpu.dma_semaphore, #tpu.memory_space<semaphore_mem>>) {add = true}
        %dma_wait3A_157 = arith.constant 0 : i32
        %dma_wait3A_158 = tpu.memref_slice %arg9[%run_scoped3A_97, %dma_wait3A_157] : memref<2x80xi32, #tpu.memory_space<vmem>> -> memref<1x80xi32, #tpu.memory_space<vmem>>
        %dma_wait3A_159 = tpu.memref_squeeze %dma_wait3A_158 : memref<1x80xi32, #tpu.memory_space<vmem>> -> memref<80xi32, #tpu.memory_space<vmem>>
        %dma_wait3A_160 = arith.constant 0 : i32
        %dma_wait3A_161 = arith.constant 0 : i32
        %dma_wait3A_162 = tpu.memref_slice %arg12[%dma_wait3A_160, %dma_wait3A_161] : memref<10112x128xf32, #tpu.memory_space<vmem_shared>> -> memref<10112x128xf32, #tpu.memory_space<vmem_shared>>
        tpu.wait_indirect_dma semaphore(%run_scoped3A_150 : memref<!tpu.dma_semaphore, #tpu.memory_space<semaphore_mem>>) src(%arg11 : memref<80x128xf32, #tpu.memory_space<vmem>>) dst(%dma_wait3A_162 : memref<10112x128xf32, #tpu.memory_space<vmem_shared>>)
        tpu.yield
      }) : () -> ()
      %mul3A_98 = arith.constant 2 : i32
      %mul3A_99 = arith.muli %mul3A_98, %scan3A_73 : i32
      %add3A_100 = arith.constant 2 : i32
      %add3A_101 = arith.addi %mul3A_99, %add3A_100 : i32
      %mul3A_102 = arith.constant 80 : i32
      %mul3A_103 = arith.muli %add3A_101, %mul3A_102 : i32
      %add3A_104 = arith.addi %mul3A_4, %mul3A_103 : i32
      %multiple_of3A_105 = tpu.assume_multiple %add3A_104, 8 : i32
      %dma_start3A_106 = arith.constant 0 : i32
      %dma_start3A_107 = arith.constant 0 : i32
      %dma_start3A_108 = tpu.memref_slice %arg8[%dma_start3A_106, %dma_start3A_107] : memref<2x80xi32, #tpu.memory_space<vmem>> -> memref<1x80xi32, #tpu.memory_space<vmem>>
      %dma_start3A_109 = tpu.memref_squeeze %dma_start3A_108 : memref<1x80xi32, #tpu.memory_space<vmem>> -> memref<80xi32, #tpu.memory_space<vmem>>
      %dma_start3A_110 = tpu.memref_slice %arg2[%multiple_of3A_105] : memref<320000xi32, #tpu.memory_space<hbm>> -> memref<80xi32, #tpu.memory_space<hbm>>
      %dma_start3A_111 = arith.constant 0 : i32
      %dma_start3A_112 = tpu.memref_slice %arg8[%dma_start3A_106, %dma_start3A_111] : memref<2x80xi32, #tpu.memory_space<vmem>> -> memref<1x80xi32, #tpu.memory_space<vmem>>
      %dma_start3A_113 = tpu.memref_squeeze %dma_start3A_112 : memref<1x80xi32, #tpu.memory_space<vmem>> -> memref<80xi32, #tpu.memory_space<vmem>>
      %dma_start3A_114 = tpu.memref_slice %arg2[%multiple_of3A_105] : memref<320000xi32, #tpu.memory_space<hbm>> -> memref<80xi32, #tpu.memory_space<hbm>>
      tpu.enqueue_dma source(%dma_start3A_114 : memref<80xi32, #tpu.memory_space<hbm>>) target(%dma_start3A_113 : memref<80xi32, #tpu.memory_space<vmem>>) target_semaphore(%arg13 : memref<!tpu.dma_semaphore, #tpu.memory_space<semaphore_mem>>)
      %dma_start3A_115 = arith.constant 0 : i32
      %dma_start3A_116 = arith.constant 0 : i32
      %dma_start3A_117 = tpu.memref_slice %arg9[%dma_start3A_115, %dma_start3A_116] : memref<2x80xi32, #tpu.memory_space<vmem>> -> memref<1x80xi32, #tpu.memory_space<vmem>>
      %dma_start3A_118 = tpu.memref_squeeze %dma_start3A_117 : memref<1x80xi32, #tpu.memory_space<vmem>> -> memref<80xi32, #tpu.memory_space<vmem>>
      %dma_start3A_119 = tpu.memref_slice %arg3[%multiple_of3A_105] : memref<320000xi32, #tpu.memory_space<hbm>> -> memref<80xi32, #tpu.memory_space<hbm>>
      %dma_start3A_120 = arith.constant 0 : i32
      %dma_start3A_121 = tpu.memref_slice %arg9[%dma_start3A_115, %dma_start3A_120] : memref<2x80xi32, #tpu.memory_space<vmem>> -> memref<1x80xi32, #tpu.memory_space<vmem>>
      %dma_start3A_122 = tpu.memref_squeeze %dma_start3A_121 : memref<1x80xi32, #tpu.memory_space<vmem>> -> memref<80xi32, #tpu.memory_space<vmem>>
      %dma_start3A_123 = tpu.memref_slice %arg3[%multiple_of3A_105] : memref<320000xi32, #tpu.memory_space<hbm>> -> memref<80xi32, #tpu.memory_space<hbm>>
      tpu.enqueue_dma source(%dma_start3A_123 : memref<80xi32, #tpu.memory_space<hbm>>) target(%dma_start3A_122 : memref<80xi32, #tpu.memory_space<vmem>>) target_semaphore(%arg13 : memref<!tpu.dma_semaphore, #tpu.memory_space<semaphore_mem>>)
      %dma_wait3A_124 = arith.constant 1 : i32
      %dma_wait3A_125 = arith.constant 0 : i32
      %dma_wait3A_126 = tpu.memref_slice %arg8[%dma_wait3A_124, %dma_wait3A_125] : memref<2x80xi32, #tpu.memory_space<vmem>> -> memref<1x80xi32, #tpu.memory_space<vmem>>
      %dma_wait3A_127 = tpu.memref_squeeze %dma_wait3A_126 : memref<1x80xi32, #tpu.memory_space<vmem>> -> memref<80xi32, #tpu.memory_space<vmem>>
      %dma_wait3A_128 = arith.constant 0 : i32
      %dma_wait3A_129 = tpu.memref_slice %arg2[%dma_wait3A_128] : memref<320000xi32, #tpu.memory_space<hbm>> -> memref<80xi32, #tpu.memory_space<hbm>>
      %dma_wait3A_130 = arith.constant 0 : i32
      %dma_wait3A_131 = tpu.memref_slice %arg8[%dma_wait3A_124, %dma_wait3A_130] : memref<2x80xi32, #tpu.memory_space<vmem>> -> memref<1x80xi32, #tpu.memory_space<vmem>>
      %dma_wait3A_132 = tpu.memref_squeeze %dma_wait3A_131 : memref<1x80xi32, #tpu.memory_space<vmem>> -> memref<80xi32, #tpu.memory_space<vmem>>
      %dma_wait3A_133 = arith.constant 0 : i32
      %dma_wait3A_134 = tpu.memref_slice %arg2[%dma_wait3A_133] : memref<320000xi32, #tpu.memory_space<hbm>> -> memref<80xi32, #tpu.memory_space<hbm>>
      tpu.wait_dma2 semaphore(%arg14 : memref<!tpu.dma_semaphore, #tpu.memory_space<semaphore_mem>>) src(%dma_wait3A_134 : memref<80xi32, #tpu.memory_space<hbm>>) dst(%dma_wait3A_132 : memref<80xi32, #tpu.memory_space<vmem>>)
      %dma_wait3A_135 = arith.constant 1 : i32
      %dma_wait3A_136 = arith.constant 0 : i32
      %dma_wait3A_137 = tpu.memref_slice %arg9[%dma_wait3A_135, %dma_wait3A_136] : memref<2x80xi32, #tpu.memory_space<vmem>> -> memref<1x80xi32, #tpu.memory_space<vmem>>
      %dma_wait3A_138 = tpu.memref_squeeze %dma_wait3A_137 : memref<1x80xi32, #tpu.memory_space<vmem>> -> memref<80xi32, #tpu.memory_space<vmem>>
      %dma_wait3A_139 = arith.constant 0 : i32
      %dma_wait3A_140 = tpu.memref_slice %arg3[%dma_wait3A_139] : memref<320000xi32, #tpu.memory_space<hbm>> -> memref<80xi32, #tpu.memory_space<hbm>>
      %dma_wait3A_141 = arith.constant 0 : i32
      %dma_wait3A_142 = tpu.memref_slice %arg9[%dma_wait3A_135, %dma_wait3A_141] : memref<2x80xi32, #tpu.memory_space<vmem>> -> memref<1x80xi32, #tpu.memory_space<vmem>>
      %dma_wait3A_143 = tpu.memref_squeeze %dma_wait3A_142 : memref<1x80xi32, #tpu.memory_space<vmem>> -> memref<80xi32, #tpu.memory_space<vmem>>
      %dma_wait3A_144 = arith.constant 0 : i32
      %dma_wait3A_145 = tpu.memref_slice %arg3[%dma_wait3A_144] : memref<320000xi32, #tpu.memory_space<hbm>> -> memref<80xi32, #tpu.memory_space<hbm>>
      tpu.wait_dma2 semaphore(%arg14 : memref<!tpu.dma_semaphore, #tpu.memory_space<semaphore_mem>>) src(%dma_wait3A_145 : memref<80xi32, #tpu.memory_space<hbm>>) dst(%dma_wait3A_143 : memref<80xi32, #tpu.memory_space<vmem>>)
      %run_scoped3A_146 = arith.constant 1 : i32
      "tpu.region"() ({
        %run_scoped3A_150 = tpu.sem_alloc : memref<!tpu.dma_semaphore, #tpu.memory_space<semaphore_mem>>
        %dma_start3A_151 = arith.constant 0 : i32
        %dma_start3A_152 = tpu.memref_slice %arg8[%run_scoped3A_146, %dma_start3A_151] : memref<2x80xi32, #tpu.memory_space<vmem>> -> memref<1x80xi32, #tpu.memory_space<vmem>>
        %dma_start3A_153 = tpu.memref_squeeze %dma_start3A_152 : memref<1x80xi32, #tpu.memory_space<vmem>> -> memref<80xi32, #tpu.memory_space<vmem>>
        %dma_start3A_154 = arith.constant 0 : i32
        %dma_start3A_155 = arith.constant 0 : i32
        %dma_start3A_156 = tpu.memref_slice %arg12[%dma_start3A_154, %dma_start3A_155] : memref<10112x128xf32, #tpu.memory_space<vmem_shared>> -> memref<10112x128xf32, #tpu.memory_space<vmem_shared>>
        tpu.enqueue_indirect_dma source(%arg10 : memref<80x128xf32, #tpu.memory_space<vmem>>) target(%dma_start3A_156 : memref<10112x128xf32, #tpu.memory_space<vmem_shared>>) offsets(%dma_start3A_153 : memref<80xi32, #tpu.memory_space<vmem>>) semaphore(%run_scoped3A_150 : memref<!tpu.dma_semaphore, #tpu.memory_space<semaphore_mem>>) {add = true}
        %dma_wait3A_157 = arith.constant 0 : i32
        %dma_wait3A_158 = tpu.memref_slice %arg8[%run_scoped3A_146, %dma_wait3A_157] : memref<2x80xi32, #tpu.memory_space<vmem>> -> memref<1x80xi32, #tpu.memory_space<vmem>>
        %dma_wait3A_159 = tpu.memref_squeeze %dma_wait3A_158 : memref<1x80xi32, #tpu.memory_space<vmem>> -> memref<80xi32, #tpu.memory_space<vmem>>
        %dma_wait3A_160 = arith.constant 0 : i32
        %dma_wait3A_161 = arith.constant 0 : i32
        %dma_wait3A_162 = tpu.memref_slice %arg12[%dma_wait3A_160, %dma_wait3A_161] : memref<10112x128xf32, #tpu.memory_space<vmem_shared>> -> memref<10112x128xf32, #tpu.memory_space<vmem_shared>>
        tpu.wait_indirect_dma semaphore(%run_scoped3A_150 : memref<!tpu.dma_semaphore, #tpu.memory_space<semaphore_mem>>) src(%arg10 : memref<80x128xf32, #tpu.memory_space<vmem>>) dst(%dma_wait3A_162 : memref<10112x128xf32, #tpu.memory_space<vmem_shared>>)
        tpu.yield
      }) : () -> ()
      %run_scoped3A_147 = arith.constant 1 : i32
      "tpu.region"() ({
        %run_scoped3A_150 = tpu.sem_alloc : memref<!tpu.dma_semaphore, #tpu.memory_space<semaphore_mem>>
        %dma_start3A_151 = arith.constant 0 : i32
        %dma_start3A_152 = tpu.memref_slice %arg9[%run_scoped3A_147, %dma_start3A_151] : memref<2x80xi32, #tpu.memory_space<vmem>> -> memref<1x80xi32, #tpu.memory_space<vmem>>
        %dma_start3A_153 = tpu.memref_squeeze %dma_start3A_152 : memref<1x80xi32, #tpu.memory_space<vmem>> -> memref<80xi32, #tpu.memory_space<vmem>>
        %dma_start3A_154 = arith.constant 0 : i32
        %dma_start3A_155 = arith.constant 0 : i32
        %dma_start3A_156 = tpu.memref_slice %arg12[%dma_start3A_154, %dma_start3A_155] : memref<10112x128xf32, #tpu.memory_space<vmem_shared>> -> memref<10112x128xf32, #tpu.memory_space<vmem_shared>>
        tpu.enqueue_indirect_dma source(%arg11 : memref<80x128xf32, #tpu.memory_space<vmem>>) target(%dma_start3A_156 : memref<10112x128xf32, #tpu.memory_space<vmem_shared>>) offsets(%dma_start3A_153 : memref<80xi32, #tpu.memory_space<vmem>>) semaphore(%run_scoped3A_150 : memref<!tpu.dma_semaphore, #tpu.memory_space<semaphore_mem>>) {add = true}
        %dma_wait3A_157 = arith.constant 0 : i32
        %dma_wait3A_158 = tpu.memref_slice %arg9[%run_scoped3A_147, %dma_wait3A_157] : memref<2x80xi32, #tpu.memory_space<vmem>> -> memref<1x80xi32, #tpu.memory_space<vmem>>
        %dma_wait3A_159 = tpu.memref_squeeze %dma_wait3A_158 : memref<1x80xi32, #tpu.memory_space<vmem>> -> memref<80xi32, #tpu.memory_space<vmem>>
        %dma_wait3A_160 = arith.constant 0 : i32
        %dma_wait3A_161 = arith.constant 0 : i32
        %dma_wait3A_162 = tpu.memref_slice %arg12[%dma_wait3A_160, %dma_wait3A_161] : memref<10112x128xf32, #tpu.memory_space<vmem_shared>> -> memref<10112x128xf32, #tpu.memory_space<vmem_shared>>
        tpu.wait_indirect_dma semaphore(%run_scoped3A_150 : memref<!tpu.dma_semaphore, #tpu.memory_space<semaphore_mem>>) src(%arg11 : memref<80x128xf32, #tpu.memory_space<vmem>>) dst(%dma_wait3A_162 : memref<10112x128xf32, #tpu.memory_space<vmem_shared>>)
        tpu.yield
      }) : () -> ()
      %lt3A = arith.constant 61 : i32
      %lt3A_148 = arith.cmpi slt, %scan3A_73, %lt3A : i32
      %convert_element_type3A = arith.extui %lt3A_148 : i1 to i32
      %cond3A = arith.constant 0 : i32
      %cond3A_149 = arith.cmpi ne, %convert_element_type3A, %cond3A : i32
      scf.if %cond3A_149 {
        %mul3A_150 = arith.constant 2 : i32
        %mul3A_151 = arith.muli %mul3A_150, %scan3A_73 : i32
        %add3A_152 = arith.constant 3 : i32
        %add3A_153 = arith.addi %mul3A_151, %add3A_152 : i32
        %mul3A_154 = arith.constant 80 : i32
        %mul3A_155 = arith.muli %add3A_153, %mul3A_154 : i32
        %add3A_156 = arith.addi %mul3A_4, %mul3A_155 : i32
        %multiple_of3A_157 = tpu.assume_multiple %add3A_156, 8 : i32
        %dma_start3A_158 = arith.constant 1 : i32
        %dma_start3A_159 = arith.constant 0 : i32
        %dma_start3A_160 = tpu.memref_slice %arg8[%dma_start3A_158, %dma_start3A_159] : memref<2x80xi32, #tpu.memory_space<vmem>> -> memref<1x80xi32, #tpu.memory_space<vmem>>
        %dma_start3A_161 = tpu.memref_squeeze %dma_start3A_160 : memref<1x80xi32, #tpu.memory_space<vmem>> -> memref<80xi32, #tpu.memory_space<vmem>>
        %dma_start3A_162 = tpu.memref_slice %arg2[%multiple_of3A_157] : memref<320000xi32, #tpu.memory_space<hbm>> -> memref<80xi32, #tpu.memory_space<hbm>>
        %dma_start3A_163 = arith.constant 0 : i32
        %dma_start3A_164 = tpu.memref_slice %arg8[%dma_start3A_158, %dma_start3A_163] : memref<2x80xi32, #tpu.memory_space<vmem>> -> memref<1x80xi32, #tpu.memory_space<vmem>>
        %dma_start3A_165 = tpu.memref_squeeze %dma_start3A_164 : memref<1x80xi32, #tpu.memory_space<vmem>> -> memref<80xi32, #tpu.memory_space<vmem>>
        %dma_start3A_166 = tpu.memref_slice %arg2[%multiple_of3A_157] : memref<320000xi32, #tpu.memory_space<hbm>> -> memref<80xi32, #tpu.memory_space<hbm>>
        tpu.enqueue_dma source(%dma_start3A_166 : memref<80xi32, #tpu.memory_space<hbm>>) target(%dma_start3A_165 : memref<80xi32, #tpu.memory_space<vmem>>) target_semaphore(%arg14 : memref<!tpu.dma_semaphore, #tpu.memory_space<semaphore_mem>>)
        %dma_start3A_167 = arith.constant 1 : i32
        %dma_start3A_168 = arith.constant 0 : i32
        %dma_start3A_169 = tpu.memref_slice %arg9[%dma_start3A_167, %dma_start3A_168] : memref<2x80xi32, #tpu.memory_space<vmem>> -> memref<1x80xi32, #tpu.memory_space<vmem>>
        %dma_start3A_170 = tpu.memref_squeeze %dma_start3A_169 : memref<1x80xi32, #tpu.memory_space<vmem>> -> memref<80xi32, #tpu.memory_space<vmem>>
        %dma_start3A_171 = tpu.memref_slice %arg3[%multiple_of3A_157] : memref<320000xi32, #tpu.memory_space<hbm>> -> memref<80xi32, #tpu.memory_space<hbm>>
        %dma_start3A_172 = arith.constant 0 : i32
        %dma_start3A_173 = tpu.memref_slice %arg9[%dma_start3A_167, %dma_start3A_172] : memref<2x80xi32, #tpu.memory_space<vmem>> -> memref<1x80xi32, #tpu.memory_space<vmem>>
        %dma_start3A_174 = tpu.memref_squeeze %dma_start3A_173 : memref<1x80xi32, #tpu.memory_space<vmem>> -> memref<80xi32, #tpu.memory_space<vmem>>
        %dma_start3A_175 = tpu.memref_slice %arg3[%multiple_of3A_157] : memref<320000xi32, #tpu.memory_space<hbm>> -> memref<80xi32, #tpu.memory_space<hbm>>
        tpu.enqueue_dma source(%dma_start3A_175 : memref<80xi32, #tpu.memory_space<hbm>>) target(%dma_start3A_174 : memref<80xi32, #tpu.memory_space<vmem>>) target_semaphore(%arg14 : memref<!tpu.dma_semaphore, #tpu.memory_space<semaphore_mem>>)
      } else {
      }
    }
    %scan3A_49 = arith.constant 62 : i32
    %dma_wait3A = arith.constant 0 : i32
    %dma_wait3A_50 = arith.constant 0 : i32
    %dma_wait3A_51 = tpu.memref_slice %arg8[%dma_wait3A, %dma_wait3A_50] : memref<2x80xi32, #tpu.memory_space<vmem>> -> memref<1x80xi32, #tpu.memory_space<vmem>>
    %dma_wait3A_52 = tpu.memref_squeeze %dma_wait3A_51 : memref<1x80xi32, #tpu.memory_space<vmem>> -> memref<80xi32, #tpu.memory_space<vmem>>
    %dma_wait3A_53 = arith.constant 0 : i32
    %dma_wait3A_54 = tpu.memref_slice %arg2[%dma_wait3A_53] : memref<320000xi32, #tpu.memory_space<hbm>> -> memref<80xi32, #tpu.memory_space<hbm>>
    %dma_wait3A_55 = arith.constant 0 : i32
    %dma_wait3A_56 = tpu.memref_slice %arg8[%dma_wait3A, %dma_wait3A_55] : memref<2x80xi32, #tpu.memory_space<vmem>> -> memref<1x80xi32, #tpu.memory_space<vmem>>
    %dma_wait3A_57 = tpu.memref_squeeze %dma_wait3A_56 : memref<1x80xi32, #tpu.memory_space<vmem>> -> memref<80xi32, #tpu.memory_space<vmem>>
    %dma_wait3A_58 = arith.constant 0 : i32
    %dma_wait3A_59 = tpu.memref_slice %arg2[%dma_wait3A_58] : memref<320000xi32, #tpu.memory_space<hbm>> -> memref<80xi32, #tpu.memory_space<hbm>>
    tpu.wait_dma2 semaphore(%arg13 : memref<!tpu.dma_semaphore, #tpu.memory_space<semaphore_mem>>) src(%dma_wait3A_59 : memref<80xi32, #tpu.memory_space<hbm>>) dst(%dma_wait3A_57 : memref<80xi32, #tpu.memory_space<vmem>>)
    %dma_wait3A_60 = arith.constant 0 : i32
    %dma_wait3A_61 = arith.constant 0 : i32
    %dma_wait3A_62 = tpu.memref_slice %arg9[%dma_wait3A_60, %dma_wait3A_61] : memref<2x80xi32, #tpu.memory_space<vmem>> -> memref<1x80xi32, #tpu.memory_space<vmem>>
    %dma_wait3A_63 = tpu.memref_squeeze %dma_wait3A_62 : memref<1x80xi32, #tpu.memory_space<vmem>> -> memref<80xi32, #tpu.memory_space<vmem>>
    %dma_wait3A_64 = arith.constant 0 : i32
    %dma_wait3A_65 = tpu.memref_slice %arg3[%dma_wait3A_64] : memref<320000xi32, #tpu.memory_space<hbm>> -> memref<80xi32, #tpu.memory_space<hbm>>
    %dma_wait3A_66 = arith.constant 0 : i32
    %dma_wait3A_67 = tpu.memref_slice %arg9[%dma_wait3A_60, %dma_wait3A_66] : memref<2x80xi32, #tpu.memory_space<vmem>> -> memref<1x80xi32, #tpu.memory_space<vmem>>
    %dma_wait3A_68 = tpu.memref_squeeze %dma_wait3A_67 : memref<1x80xi32, #tpu.memory_space<vmem>> -> memref<80xi32, #tpu.memory_space<vmem>>
    %dma_wait3A_69 = arith.constant 0 : i32
    %dma_wait3A_70 = tpu.memref_slice %arg3[%dma_wait3A_69] : memref<320000xi32, #tpu.memory_space<hbm>> -> memref<80xi32, #tpu.memory_space<hbm>>
    tpu.wait_dma2 semaphore(%arg13 : memref<!tpu.dma_semaphore, #tpu.memory_space<semaphore_mem>>) src(%dma_wait3A_70 : memref<80xi32, #tpu.memory_space<hbm>>) dst(%dma_wait3A_68 : memref<80xi32, #tpu.memory_space<vmem>>)
    %run_scoped3A = arith.constant 0 : i32
    "tpu.region"() ({
      %run_scoped3A_73 = tpu.sem_alloc : memref<!tpu.dma_semaphore, #tpu.memory_space<semaphore_mem>>
      %dma_start3A_74 = arith.constant 0 : i32
      %dma_start3A_75 = tpu.memref_slice %arg8[%run_scoped3A, %dma_start3A_74] : memref<2x80xi32, #tpu.memory_space<vmem>> -> memref<1x80xi32, #tpu.memory_space<vmem>>
      %dma_start3A_76 = tpu.memref_squeeze %dma_start3A_75 : memref<1x80xi32, #tpu.memory_space<vmem>> -> memref<80xi32, #tpu.memory_space<vmem>>
      %dma_start3A_77 = arith.constant 0 : i32
      %dma_start3A_78 = arith.constant 0 : i32
      %dma_start3A_79 = tpu.memref_slice %arg12[%dma_start3A_77, %dma_start3A_78] : memref<10112x128xf32, #tpu.memory_space<vmem_shared>> -> memref<10112x128xf32, #tpu.memory_space<vmem_shared>>
      tpu.enqueue_indirect_dma source(%arg10 : memref<80x128xf32, #tpu.memory_space<vmem>>) target(%dma_start3A_79 : memref<10112x128xf32, #tpu.memory_space<vmem_shared>>) offsets(%dma_start3A_76 : memref<80xi32, #tpu.memory_space<vmem>>) semaphore(%run_scoped3A_73 : memref<!tpu.dma_semaphore, #tpu.memory_space<semaphore_mem>>) {add = true}
      %dma_wait3A_80 = arith.constant 0 : i32
      %dma_wait3A_81 = tpu.memref_slice %arg8[%run_scoped3A, %dma_wait3A_80] : memref<2x80xi32, #tpu.memory_space<vmem>> -> memref<1x80xi32, #tpu.memory_space<vmem>>
      %dma_wait3A_82 = tpu.memref_squeeze %dma_wait3A_81 : memref<1x80xi32, #tpu.memory_space<vmem>> -> memref<80xi32, #tpu.memory_space<vmem>>
      %dma_wait3A_83 = arith.constant 0 : i32
      %dma_wait3A_84 = arith.constant 0 : i32
      %dma_wait3A_85 = tpu.memref_slice %arg12[%dma_wait3A_83, %dma_wait3A_84] : memref<10112x128xf32, #tpu.memory_space<vmem_shared>> -> memref<10112x128xf32, #tpu.memory_space<vmem_shared>>
      tpu.wait_indirect_dma semaphore(%run_scoped3A_73 : memref<!tpu.dma_semaphore, #tpu.memory_space<semaphore_mem>>) src(%arg10 : memref<80x128xf32, #tpu.memory_space<vmem>>) dst(%dma_wait3A_85 : memref<10112x128xf32, #tpu.memory_space<vmem_shared>>)
      tpu.yield
    }) : () -> ()
    %run_scoped3A_71 = arith.constant 0 : i32
    "tpu.region"() ({
      %run_scoped3A_73 = tpu.sem_alloc : memref<!tpu.dma_semaphore, #tpu.memory_space<semaphore_mem>>
      %dma_start3A_74 = arith.constant 0 : i32
      %dma_start3A_75 = tpu.memref_slice %arg9[%run_scoped3A_71, %dma_start3A_74] : memref<2x80xi32, #tpu.memory_space<vmem>> -> memref<1x80xi32, #tpu.memory_space<vmem>>
      %dma_start3A_76 = tpu.memref_squeeze %dma_start3A_75 : memref<1x80xi32, #tpu.memory_space<vmem>> -> memref<80xi32, #tpu.memory_space<vmem>>
      %dma_start3A_77 = arith.constant 0 : i32
      %dma_start3A_78 = arith.constant 0 : i32
      %dma_start3A_79 = tpu.memref_slice %arg12[%dma_start3A_77, %dma_start3A_78] : memref<10112x128xf32, #tpu.memory_space<vmem_shared>> -> memref<10112x128xf32, #tpu.memory_space<vmem_shared>>
      tpu.enqueue_indirect_dma source(%arg11 : memref<80x128xf32, #tpu.memory_space<vmem>>) target(%dma_start3A_79 : memref<10112x128xf32, #tpu.memory_space<vmem_shared>>) offsets(%dma_start3A_76 : memref<80xi32, #tpu.memory_space<vmem>>) semaphore(%run_scoped3A_73 : memref<!tpu.dma_semaphore, #tpu.memory_space<semaphore_mem>>) {add = true}
      %dma_wait3A_80 = arith.constant 0 : i32
      %dma_wait3A_81 = tpu.memref_slice %arg9[%run_scoped3A_71, %dma_wait3A_80] : memref<2x80xi32, #tpu.memory_space<vmem>> -> memref<1x80xi32, #tpu.memory_space<vmem>>
      %dma_wait3A_82 = tpu.memref_squeeze %dma_wait3A_81 : memref<1x80xi32, #tpu.memory_space<vmem>> -> memref<80xi32, #tpu.memory_space<vmem>>
      %dma_wait3A_83 = arith.constant 0 : i32
      %dma_wait3A_84 = arith.constant 0 : i32
      %dma_wait3A_85 = tpu.memref_slice %arg12[%dma_wait3A_83, %dma_wait3A_84] : memref<10112x128xf32, #tpu.memory_space<vmem_shared>> -> memref<10112x128xf32, #tpu.memory_space<vmem_shared>>
      tpu.wait_indirect_dma semaphore(%run_scoped3A_73 : memref<!tpu.dma_semaphore, #tpu.memory_space<semaphore_mem>>) src(%arg11 : memref<80x128xf32, #tpu.memory_space<vmem>>) dst(%dma_wait3A_85 : memref<10112x128xf32, #tpu.memory_space<vmem_shared>>)
      tpu.yield
    }) : () -> ()
    %barrier3A_72 = arith.constant 0 : index
    tpu.barrier barrier_id(%barrier3A_72)
    "tpu.region"() ({
      %run_scoped3A_73 = tpu.sem_alloc : memref<!tpu.dma_semaphore, #tpu.memory_space<semaphore_mem>>
      %dma_start3A_74 = arith.constant 0 : i32
      %dma_start3A_75 = tpu.memref_slice %arg7[%arg0, %mul3A_2, %dma_start3A_74] : memref<2x10112x128xf32, #tpu.memory_space<hbm>> -> memref<1x632x128xf32, #tpu.memory_space<hbm>>
      %dma_start3A_76 = tpu.memref_squeeze %dma_start3A_75 : memref<1x632x128xf32, #tpu.memory_space<hbm>> -> memref<632x128xf32, #tpu.memory_space<hbm>>
      %dma_start3A_77 = arith.constant 0 : i32
      %dma_start3A_78 = tpu.memref_slice %arg12[%mul3A_2, %dma_start3A_77] : memref<10112x128xf32, #tpu.memory_space<vmem_shared>> -> memref<632x128xf32, #tpu.memory_space<vmem_shared>>
      tpu.enqueue_dma source(%dma_start3A_78 : memref<632x128xf32, #tpu.memory_space<vmem_shared>>) target(%dma_start3A_76 : memref<632x128xf32, #tpu.memory_space<hbm>>) target_semaphore(%run_scoped3A_73 : memref<!tpu.dma_semaphore, #tpu.memory_space<semaphore_mem>>)
      %dma_wait3A_79 = arith.constant 0 : i32
      %dma_wait3A_80 = tpu.memref_slice %arg7[%arg0, %mul3A_2, %dma_wait3A_79] : memref<2x10112x128xf32, #tpu.memory_space<hbm>> -> memref<1x632x128xf32, #tpu.memory_space<hbm>>
      %dma_wait3A_81 = tpu.memref_squeeze %dma_wait3A_80 : memref<1x632x128xf32, #tpu.memory_space<hbm>> -> memref<632x128xf32, #tpu.memory_space<hbm>>
      %dma_wait3A_82 = arith.constant 0 : i32
      %dma_wait3A_83 = tpu.memref_slice %arg12[%mul3A_2, %dma_wait3A_82] : memref<10112x128xf32, #tpu.memory_space<vmem_shared>> -> memref<632x128xf32, #tpu.memory_space<vmem_shared>>
      tpu.wait_dma2 semaphore(%run_scoped3A_73 : memref<!tpu.dma_semaphore, #tpu.memory_space<semaphore_mem>>) src(%dma_wait3A_83 : memref<632x128xf32, #tpu.memory_space<vmem_shared>>) dst(%dma_wait3A_81 : memref<632x128xf32, #tpu.memory_space<hbm>>)
      tpu.yield
    }) : () -> ()
    return
  }
}

#map = affine_map<(d0, d1) -> (0, 0)>
#map1 = affine_map<(d0, d1) -> (0)>
#map2 = affine_map<(d0, d1) -> (0, 0, 0)>
module attributes {stable_mosaic.version = 14 : i64} {
  func.func @agg_kernel(%arg0: i32, %arg1: i32, %arg2: memref<10112x128xf32, #tpu.memory_space<hbm>>, %arg3: memref<320000xi32, #tpu.memory_space<hbm>>, %arg4: memref<320000xi32, #tpu.memory_space<hbm>>, %arg5: memref<632x128xf32, #tpu.memory_space<hbm>>, %arg6: memref<2x10112x128xf32, #tpu.memory_space<hbm>>, %arg7: memref<2x80xi32, #tpu.memory_space<vmem>>, %arg8: memref<2x80xi32, #tpu.memory_space<vmem>>, %arg9: memref<80x128xf32, #tpu.memory_space<vmem>>, %arg10: memref<80x128xf32, #tpu.memory_space<vmem>>, %arg11: memref<10112x128xf32, #tpu.memory_space<vmem_shared>>, %arg12: memref<!tpu.dma_semaphore, #tpu.memory_space<semaphore_mem>>, %arg13: memref<!tpu.dma_semaphore, #tpu.memory_space<semaphore_mem>>, %arg14: memref<!tpu.dma_semaphore, #tpu.memory_space<semaphore_mem>>, %arg15: memref<!tpu.dma_semaphore, #tpu.memory_space<semaphore_mem>>) attributes {dimension_semantics = [#tpu.dimension_semantics<core_parallel>, #tpu.dimension_semantics<subcore_parallel>], iteration_bounds = array<i64: 2, 16>, scalar_prefetch = 0 : i64, scratch_operands = 9 : i64, tpu.core_type = #tpu.core_type<sc_vector_subcore>, window_params = [{transform_indices = #map}, {transform_indices = #map1}, {transform_indices = #map1}, {transform_indices = #map}, {transform_indices = #map2}]} {
    %mul3A = arith.constant 2 : i32
    %mul3A_0 = arith.muli %arg1, %mul3A : i32
    %add3A = arith.addi %mul3A_0, %arg0 : i32
    %mul3A_1 = arith.constant 632 : i32
    %mul3A_2 = arith.muli %arg1, %mul3A_1 : i32
    "tpu.region"() ({
      %run_scoped3A_86 = tpu.sem_alloc : memref<!tpu.dma_semaphore, #tpu.memory_space<semaphore_mem>>
      %dma_start3A_87 = arith.constant 0 : i32
      %dma_start3A_88 = tpu.memref_slice %arg11[%mul3A_2, %dma_start3A_87] : memref<10112x128xf32, #tpu.memory_space<vmem_shared>> -> memref<632x128xf32, #tpu.memory_space<vmem_shared>>
      tpu.enqueue_dma source(%arg5 : memref<632x128xf32, #tpu.memory_space<hbm>>) target(%dma_start3A_88 : memref<632x128xf32, #tpu.memory_space<vmem_shared>>) target_semaphore(%run_scoped3A_86 : memref<!tpu.dma_semaphore, #tpu.memory_space<semaphore_mem>>)
      %dma_wait3A_89 = arith.constant 0 : i32
      %dma_wait3A_90 = tpu.memref_slice %arg11[%mul3A_2, %dma_wait3A_89] : memref<10112x128xf32, #tpu.memory_space<vmem_shared>> -> memref<632x128xf32, #tpu.memory_space<vmem_shared>>
      tpu.wait_dma2 semaphore(%run_scoped3A_86 : memref<!tpu.dma_semaphore, #tpu.memory_space<semaphore_mem>>) src(%arg5 : memref<632x128xf32, #tpu.memory_space<hbm>>) dst(%dma_wait3A_90 : memref<632x128xf32, #tpu.memory_space<vmem_shared>>)
      tpu.yield
    }) : () -> ()
    %barrier3A = arith.constant 0 : index
    tpu.barrier barrier_id(%barrier3A)
    %mul3A_3 = arith.constant 10000 : i32
    %mul3A_4 = arith.muli %add3A, %mul3A_3 : i32
    %add3A_5 = arith.constant 0 : i32
    %add3A_6 = arith.addi %mul3A_4, %add3A_5 : i32
    %multiple_of3A = tpu.assume_multiple %add3A_6, 8 : i32
    %dma_start3A = arith.constant 0 : i32
    %dma_start3A_7 = arith.constant 0 : i32
    %dma_start3A_8 = tpu.memref_slice %arg7[%dma_start3A, %dma_start3A_7] : memref<2x80xi32, #tpu.memory_space<vmem>> -> memref<1x80xi32, #tpu.memory_space<vmem>>
    %dma_start3A_9 = tpu.memref_squeeze %dma_start3A_8 : memref<1x80xi32, #tpu.memory_space<vmem>> -> memref<80xi32, #tpu.memory_space<vmem>>
    %dma_start3A_10 = tpu.memref_slice %arg3[%multiple_of3A] : memref<320000xi32, #tpu.memory_space<hbm>> -> memref<80xi32, #tpu.memory_space<hbm>>
    %dma_start3A_11 = arith.constant 0 : i32
    %dma_start3A_12 = tpu.memref_slice %arg7[%dma_start3A, %dma_start3A_11] : memref<2x80xi32, #tpu.memory_space<vmem>> -> memref<1x80xi32, #tpu.memory_space<vmem>>
    %dma_start3A_13 = tpu.memref_squeeze %dma_start3A_12 : memref<1x80xi32, #tpu.memory_space<vmem>> -> memref<80xi32, #tpu.memory_space<vmem>>
    %dma_start3A_14 = tpu.memref_slice %arg3[%multiple_of3A] : memref<320000xi32, #tpu.memory_space<hbm>> -> memref<80xi32, #tpu.memory_space<hbm>>
    tpu.enqueue_dma source(%dma_start3A_14 : memref<80xi32, #tpu.memory_space<hbm>>) target(%dma_start3A_13 : memref<80xi32, #tpu.memory_space<vmem>>) target_semaphore(%arg12 : memref<!tpu.dma_semaphore, #tpu.memory_space<semaphore_mem>>)
    %dma_start3A_15 = arith.constant 0 : i32
    %dma_start3A_16 = arith.constant 0 : i32
    %dma_start3A_17 = tpu.memref_slice %arg8[%dma_start3A_15, %dma_start3A_16] : memref<2x80xi32, #tpu.memory_space<vmem>> -> memref<1x80xi32, #tpu.memory_space<vmem>>
    %dma_start3A_18 = tpu.memref_squeeze %dma_start3A_17 : memref<1x80xi32, #tpu.memory_space<vmem>> -> memref<80xi32, #tpu.memory_space<vmem>>
    %dma_start3A_19 = tpu.memref_slice %arg4[%multiple_of3A] : memref<320000xi32, #tpu.memory_space<hbm>> -> memref<80xi32, #tpu.memory_space<hbm>>
    %dma_start3A_20 = arith.constant 0 : i32
    %dma_start3A_21 = tpu.memref_slice %arg8[%dma_start3A_15, %dma_start3A_20] : memref<2x80xi32, #tpu.memory_space<vmem>> -> memref<1x80xi32, #tpu.memory_space<vmem>>
    %dma_start3A_22 = tpu.memref_squeeze %dma_start3A_21 : memref<1x80xi32, #tpu.memory_space<vmem>> -> memref<80xi32, #tpu.memory_space<vmem>>
    %dma_start3A_23 = tpu.memref_slice %arg4[%multiple_of3A] : memref<320000xi32, #tpu.memory_space<hbm>> -> memref<80xi32, #tpu.memory_space<hbm>>
    tpu.enqueue_dma source(%dma_start3A_23 : memref<80xi32, #tpu.memory_space<hbm>>) target(%dma_start3A_22 : memref<80xi32, #tpu.memory_space<vmem>>) target_semaphore(%arg12 : memref<!tpu.dma_semaphore, #tpu.memory_space<semaphore_mem>>)
    %add3A_24 = arith.constant 80 : i32
    %add3A_25 = arith.addi %mul3A_4, %add3A_24 : i32
    %multiple_of3A_26 = tpu.assume_multiple %add3A_25, 8 : i32
    %dma_start3A_27 = arith.constant 1 : i32
    %dma_start3A_28 = arith.constant 0 : i32
    %dma_start3A_29 = tpu.memref_slice %arg7[%dma_start3A_27, %dma_start3A_28] : memref<2x80xi32, #tpu.memory_space<vmem>> -> memref<1x80xi32, #tpu.memory_space<vmem>>
    %dma_start3A_30 = tpu.memref_squeeze %dma_start3A_29 : memref<1x80xi32, #tpu.memory_space<vmem>> -> memref<80xi32, #tpu.memory_space<vmem>>
    %dma_start3A_31 = tpu.memref_slice %arg3[%multiple_of3A_26] : memref<320000xi32, #tpu.memory_space<hbm>> -> memref<80xi32, #tpu.memory_space<hbm>>
    %dma_start3A_32 = arith.constant 0 : i32
    %dma_start3A_33 = tpu.memref_slice %arg7[%dma_start3A_27, %dma_start3A_32] : memref<2x80xi32, #tpu.memory_space<vmem>> -> memref<1x80xi32, #tpu.memory_space<vmem>>
    %dma_start3A_34 = tpu.memref_squeeze %dma_start3A_33 : memref<1x80xi32, #tpu.memory_space<vmem>> -> memref<80xi32, #tpu.memory_space<vmem>>
    %dma_start3A_35 = tpu.memref_slice %arg3[%multiple_of3A_26] : memref<320000xi32, #tpu.memory_space<hbm>> -> memref<80xi32, #tpu.memory_space<hbm>>
    tpu.enqueue_dma source(%dma_start3A_35 : memref<80xi32, #tpu.memory_space<hbm>>) target(%dma_start3A_34 : memref<80xi32, #tpu.memory_space<vmem>>) target_semaphore(%arg13 : memref<!tpu.dma_semaphore, #tpu.memory_space<semaphore_mem>>)
    %dma_start3A_36 = arith.constant 1 : i32
    %dma_start3A_37 = arith.constant 0 : i32
    %dma_start3A_38 = tpu.memref_slice %arg8[%dma_start3A_36, %dma_start3A_37] : memref<2x80xi32, #tpu.memory_space<vmem>> -> memref<1x80xi32, #tpu.memory_space<vmem>>
    %dma_start3A_39 = tpu.memref_squeeze %dma_start3A_38 : memref<1x80xi32, #tpu.memory_space<vmem>> -> memref<80xi32, #tpu.memory_space<vmem>>
    %dma_start3A_40 = tpu.memref_slice %arg4[%multiple_of3A_26] : memref<320000xi32, #tpu.memory_space<hbm>> -> memref<80xi32, #tpu.memory_space<hbm>>
    %dma_start3A_41 = arith.constant 0 : i32
    %dma_start3A_42 = tpu.memref_slice %arg8[%dma_start3A_36, %dma_start3A_41] : memref<2x80xi32, #tpu.memory_space<vmem>> -> memref<1x80xi32, #tpu.memory_space<vmem>>
    %dma_start3A_43 = tpu.memref_squeeze %dma_start3A_42 : memref<1x80xi32, #tpu.memory_space<vmem>> -> memref<80xi32, #tpu.memory_space<vmem>>
    %dma_start3A_44 = tpu.memref_slice %arg4[%multiple_of3A_26] : memref<320000xi32, #tpu.memory_space<hbm>> -> memref<80xi32, #tpu.memory_space<hbm>>
    tpu.enqueue_dma source(%dma_start3A_44 : memref<80xi32, #tpu.memory_space<hbm>>) target(%dma_start3A_43 : memref<80xi32, #tpu.memory_space<vmem>>) target_semaphore(%arg13 : memref<!tpu.dma_semaphore, #tpu.memory_space<semaphore_mem>>)
    %dma_wait3A = arith.constant 0 : i32
    %dma_wait3A_45 = arith.constant 0 : i32
    %dma_wait3A_46 = tpu.memref_slice %arg7[%dma_wait3A, %dma_wait3A_45] : memref<2x80xi32, #tpu.memory_space<vmem>> -> memref<1x80xi32, #tpu.memory_space<vmem>>
    %dma_wait3A_47 = tpu.memref_squeeze %dma_wait3A_46 : memref<1x80xi32, #tpu.memory_space<vmem>> -> memref<80xi32, #tpu.memory_space<vmem>>
    %dma_wait3A_48 = arith.constant 0 : i32
    %dma_wait3A_49 = tpu.memref_slice %arg3[%dma_wait3A_48] : memref<320000xi32, #tpu.memory_space<hbm>> -> memref<80xi32, #tpu.memory_space<hbm>>
    %dma_wait3A_50 = arith.constant 0 : i32
    %dma_wait3A_51 = tpu.memref_slice %arg7[%dma_wait3A, %dma_wait3A_50] : memref<2x80xi32, #tpu.memory_space<vmem>> -> memref<1x80xi32, #tpu.memory_space<vmem>>
    %dma_wait3A_52 = tpu.memref_squeeze %dma_wait3A_51 : memref<1x80xi32, #tpu.memory_space<vmem>> -> memref<80xi32, #tpu.memory_space<vmem>>
    %dma_wait3A_53 = arith.constant 0 : i32
    %dma_wait3A_54 = tpu.memref_slice %arg3[%dma_wait3A_53] : memref<320000xi32, #tpu.memory_space<hbm>> -> memref<80xi32, #tpu.memory_space<hbm>>
    tpu.wait_dma2 semaphore(%arg12 : memref<!tpu.dma_semaphore, #tpu.memory_space<semaphore_mem>>) src(%dma_wait3A_54 : memref<80xi32, #tpu.memory_space<hbm>>) dst(%dma_wait3A_52 : memref<80xi32, #tpu.memory_space<vmem>>)
    %dma_wait3A_55 = arith.constant 0 : i32
    %dma_wait3A_56 = arith.constant 0 : i32
    %dma_wait3A_57 = tpu.memref_slice %arg8[%dma_wait3A_55, %dma_wait3A_56] : memref<2x80xi32, #tpu.memory_space<vmem>> -> memref<1x80xi32, #tpu.memory_space<vmem>>
    %dma_wait3A_58 = tpu.memref_squeeze %dma_wait3A_57 : memref<1x80xi32, #tpu.memory_space<vmem>> -> memref<80xi32, #tpu.memory_space<vmem>>
    %dma_wait3A_59 = arith.constant 0 : i32
    %dma_wait3A_60 = tpu.memref_slice %arg4[%dma_wait3A_59] : memref<320000xi32, #tpu.memory_space<hbm>> -> memref<80xi32, #tpu.memory_space<hbm>>
    %dma_wait3A_61 = arith.constant 0 : i32
    %dma_wait3A_62 = tpu.memref_slice %arg8[%dma_wait3A_55, %dma_wait3A_61] : memref<2x80xi32, #tpu.memory_space<vmem>> -> memref<1x80xi32, #tpu.memory_space<vmem>>
    %dma_wait3A_63 = tpu.memref_squeeze %dma_wait3A_62 : memref<1x80xi32, #tpu.memory_space<vmem>> -> memref<80xi32, #tpu.memory_space<vmem>>
    %dma_wait3A_64 = arith.constant 0 : i32
    %dma_wait3A_65 = tpu.memref_slice %arg4[%dma_wait3A_64] : memref<320000xi32, #tpu.memory_space<hbm>> -> memref<80xi32, #tpu.memory_space<hbm>>
    tpu.wait_dma2 semaphore(%arg12 : memref<!tpu.dma_semaphore, #tpu.memory_space<semaphore_mem>>) src(%dma_wait3A_65 : memref<80xi32, #tpu.memory_space<hbm>>) dst(%dma_wait3A_63 : memref<80xi32, #tpu.memory_space<vmem>>)
    %dma_start3A_66 = arith.constant 0 : i32
    %dma_start3A_67 = arith.constant 0 : i32
    %dma_start3A_68 = tpu.memref_slice %arg7[%dma_start3A_66, %dma_start3A_67] : memref<2x80xi32, #tpu.memory_space<vmem>> -> memref<1x80xi32, #tpu.memory_space<vmem>>
    %dma_start3A_69 = tpu.memref_squeeze %dma_start3A_68 : memref<1x80xi32, #tpu.memory_space<vmem>> -> memref<80xi32, #tpu.memory_space<vmem>>
    %dma_start3A_70 = arith.constant 0 : i32
    %dma_start3A_71 = arith.constant 0 : i32
    %dma_start3A_72 = tpu.memref_slice %arg2[%dma_start3A_70, %dma_start3A_71] : memref<10112x128xf32, #tpu.memory_space<hbm>> -> memref<10112x128xf32, #tpu.memory_space<hbm>>
    tpu.enqueue_indirect_dma source(%dma_start3A_72 : memref<10112x128xf32, #tpu.memory_space<hbm>>) target(%arg9 : memref<80x128xf32, #tpu.memory_space<vmem>>) offsets(%dma_start3A_69 : memref<80xi32, #tpu.memory_space<vmem>>) semaphore(%arg14 : memref<!tpu.dma_semaphore, #tpu.memory_space<semaphore_mem>>)
    %scan3A = arith.constant 0 : i32
    %scan3A_73 = arith.constant 0 : i32
    %scan3A_74 = arith.constant 62 : i32
    %scan3A_75 = arith.addi %scan3A_73, %scan3A_74 : i32
    %scan3A_76 = arith.constant 1 : i32
    scf.for %scan3A_86 = %scan3A_73 to %scan3A_75 step %scan3A_76  : i32 {
      %dma_wait3A_87 = arith.constant 1 : i32
      %dma_wait3A_88 = arith.constant 0 : i32
      %dma_wait3A_89 = tpu.memref_slice %arg7[%dma_wait3A_87, %dma_wait3A_88] : memref<2x80xi32, #tpu.memory_space<vmem>> -> memref<1x80xi32, #tpu.memory_space<vmem>>
      %dma_wait3A_90 = tpu.memref_squeeze %dma_wait3A_89 : memref<1x80xi32, #tpu.memory_space<vmem>> -> memref<80xi32, #tpu.memory_space<vmem>>
      %dma_wait3A_91 = arith.constant 0 : i32
      %dma_wait3A_92 = tpu.memref_slice %arg3[%dma_wait3A_91] : memref<320000xi32, #tpu.memory_space<hbm>> -> memref<80xi32, #tpu.memory_space<hbm>>
      %dma_wait3A_93 = arith.constant 0 : i32
      %dma_wait3A_94 = tpu.memref_slice %arg7[%dma_wait3A_87, %dma_wait3A_93] : memref<2x80xi32, #tpu.memory_space<vmem>> -> memref<1x80xi32, #tpu.memory_space<vmem>>
      %dma_wait3A_95 = tpu.memref_squeeze %dma_wait3A_94 : memref<1x80xi32, #tpu.memory_space<vmem>> -> memref<80xi32, #tpu.memory_space<vmem>>
      %dma_wait3A_96 = arith.constant 0 : i32
      %dma_wait3A_97 = tpu.memref_slice %arg3[%dma_wait3A_96] : memref<320000xi32, #tpu.memory_space<hbm>> -> memref<80xi32, #tpu.memory_space<hbm>>
      tpu.wait_dma2 semaphore(%arg13 : memref<!tpu.dma_semaphore, #tpu.memory_space<semaphore_mem>>) src(%dma_wait3A_97 : memref<80xi32, #tpu.memory_space<hbm>>) dst(%dma_wait3A_95 : memref<80xi32, #tpu.memory_space<vmem>>)
      %dma_wait3A_98 = arith.constant 1 : i32
      %dma_wait3A_99 = arith.constant 0 : i32
      %dma_wait3A_100 = tpu.memref_slice %arg8[%dma_wait3A_98, %dma_wait3A_99] : memref<2x80xi32, #tpu.memory_space<vmem>> -> memref<1x80xi32, #tpu.memory_space<vmem>>
      %dma_wait3A_101 = tpu.memref_squeeze %dma_wait3A_100 : memref<1x80xi32, #tpu.memory_space<vmem>> -> memref<80xi32, #tpu.memory_space<vmem>>
      %dma_wait3A_102 = arith.constant 0 : i32
      %dma_wait3A_103 = tpu.memref_slice %arg4[%dma_wait3A_102] : memref<320000xi32, #tpu.memory_space<hbm>> -> memref<80xi32, #tpu.memory_space<hbm>>
      %dma_wait3A_104 = arith.constant 0 : i32
      %dma_wait3A_105 = tpu.memref_slice %arg8[%dma_wait3A_98, %dma_wait3A_104] : memref<2x80xi32, #tpu.memory_space<vmem>> -> memref<1x80xi32, #tpu.memory_space<vmem>>
      %dma_wait3A_106 = tpu.memref_squeeze %dma_wait3A_105 : memref<1x80xi32, #tpu.memory_space<vmem>> -> memref<80xi32, #tpu.memory_space<vmem>>
      %dma_wait3A_107 = arith.constant 0 : i32
      %dma_wait3A_108 = tpu.memref_slice %arg4[%dma_wait3A_107] : memref<320000xi32, #tpu.memory_space<hbm>> -> memref<80xi32, #tpu.memory_space<hbm>>
      tpu.wait_dma2 semaphore(%arg13 : memref<!tpu.dma_semaphore, #tpu.memory_space<semaphore_mem>>) src(%dma_wait3A_108 : memref<80xi32, #tpu.memory_space<hbm>>) dst(%dma_wait3A_106 : memref<80xi32, #tpu.memory_space<vmem>>)
      %dma_start3A_109 = arith.constant 1 : i32
      %dma_start3A_110 = arith.constant 0 : i32
      %dma_start3A_111 = tpu.memref_slice %arg7[%dma_start3A_109, %dma_start3A_110] : memref<2x80xi32, #tpu.memory_space<vmem>> -> memref<1x80xi32, #tpu.memory_space<vmem>>
      %dma_start3A_112 = tpu.memref_squeeze %dma_start3A_111 : memref<1x80xi32, #tpu.memory_space<vmem>> -> memref<80xi32, #tpu.memory_space<vmem>>
      %dma_start3A_113 = arith.constant 0 : i32
      %dma_start3A_114 = arith.constant 0 : i32
      %dma_start3A_115 = tpu.memref_slice %arg2[%dma_start3A_113, %dma_start3A_114] : memref<10112x128xf32, #tpu.memory_space<hbm>> -> memref<10112x128xf32, #tpu.memory_space<hbm>>
      tpu.enqueue_indirect_dma source(%dma_start3A_115 : memref<10112x128xf32, #tpu.memory_space<hbm>>) target(%arg10 : memref<80x128xf32, #tpu.memory_space<vmem>>) offsets(%dma_start3A_112 : memref<80xi32, #tpu.memory_space<vmem>>) semaphore(%arg15 : memref<!tpu.dma_semaphore, #tpu.memory_space<semaphore_mem>>)
      %dma_wait3A_116 = arith.constant 0 : i32
      %dma_wait3A_117 = arith.constant 0 : i32
      %dma_wait3A_118 = tpu.memref_slice %arg7[%dma_wait3A_116, %dma_wait3A_117] : memref<2x80xi32, #tpu.memory_space<vmem>> -> memref<1x80xi32, #tpu.memory_space<vmem>>
      %dma_wait3A_119 = tpu.memref_squeeze %dma_wait3A_118 : memref<1x80xi32, #tpu.memory_space<vmem>> -> memref<80xi32, #tpu.memory_space<vmem>>
      %dma_wait3A_120 = arith.constant 0 : i32
      %dma_wait3A_121 = arith.constant 0 : i32
      %dma_wait3A_122 = tpu.memref_slice %arg2[%dma_wait3A_120, %dma_wait3A_121] : memref<10112x128xf32, #tpu.memory_space<hbm>> -> memref<10112x128xf32, #tpu.memory_space<hbm>>
      tpu.wait_indirect_dma semaphore(%arg14 : memref<!tpu.dma_semaphore, #tpu.memory_space<semaphore_mem>>) src(%dma_wait3A_122 : memref<10112x128xf32, #tpu.memory_space<hbm>>) dst(%arg9 : memref<80x128xf32, #tpu.memory_space<vmem>>)
      %run_scoped3A_123 = arith.constant 0 : i32
      "tpu.region"() ({
        %run_scoped3A_189 = tpu.sem_alloc : memref<!tpu.dma_semaphore, #tpu.memory_space<semaphore_mem>>
        %dma_start3A_190 = arith.constant 0 : i32
        %dma_start3A_191 = tpu.memref_slice %arg8[%run_scoped3A_123, %dma_start3A_190] : memref<2x80xi32, #tpu.memory_space<vmem>> -> memref<1x80xi32, #tpu.memory_space<vmem>>
        %dma_start3A_192 = tpu.memref_squeeze %dma_start3A_191 : memref<1x80xi32, #tpu.memory_space<vmem>> -> memref<80xi32, #tpu.memory_space<vmem>>
        %dma_start3A_193 = arith.constant 0 : i32
        %dma_start3A_194 = arith.constant 0 : i32
        %dma_start3A_195 = tpu.memref_slice %arg11[%dma_start3A_193, %dma_start3A_194] : memref<10112x128xf32, #tpu.memory_space<vmem_shared>> -> memref<10112x128xf32, #tpu.memory_space<vmem_shared>>
        tpu.enqueue_indirect_dma source(%arg9 : memref<80x128xf32, #tpu.memory_space<vmem>>) target(%dma_start3A_195 : memref<10112x128xf32, #tpu.memory_space<vmem_shared>>) offsets(%dma_start3A_192 : memref<80xi32, #tpu.memory_space<vmem>>) semaphore(%run_scoped3A_189 : memref<!tpu.dma_semaphore, #tpu.memory_space<semaphore_mem>>) {add = true}
        %dma_wait3A_196 = arith.constant 0 : i32
        %dma_wait3A_197 = tpu.memref_slice %arg8[%run_scoped3A_123, %dma_wait3A_196] : memref<2x80xi32, #tpu.memory_space<vmem>> -> memref<1x80xi32, #tpu.memory_space<vmem>>
        %dma_wait3A_198 = tpu.memref_squeeze %dma_wait3A_197 : memref<1x80xi32, #tpu.memory_space<vmem>> -> memref<80xi32, #tpu.memory_space<vmem>>
        %dma_wait3A_199 = arith.constant 0 : i32
        %dma_wait3A_200 = arith.constant 0 : i32
        %dma_wait3A_201 = tpu.memref_slice %arg11[%dma_wait3A_199, %dma_wait3A_200] : memref<10112x128xf32, #tpu.memory_space<vmem_shared>> -> memref<10112x128xf32, #tpu.memory_space<vmem_shared>>
        tpu.wait_indirect_dma semaphore(%run_scoped3A_189 : memref<!tpu.dma_semaphore, #tpu.memory_space<semaphore_mem>>) src(%arg9 : memref<80x128xf32, #tpu.memory_space<vmem>>) dst(%dma_wait3A_201 : memref<10112x128xf32, #tpu.memory_space<vmem_shared>>)
        tpu.yield
      }) : () -> ()
      %mul3A_124 = arith.constant 2 : i32
      %mul3A_125 = arith.muli %mul3A_124, %scan3A_86 : i32
      %add3A_126 = arith.constant 2 : i32
      %add3A_127 = arith.addi %mul3A_125, %add3A_126 : i32
      %mul3A_128 = arith.constant 80 : i32
      %mul3A_129 = arith.muli %add3A_127, %mul3A_128 : i32
      %add3A_130 = arith.addi %mul3A_4, %mul3A_129 : i32
      %multiple_of3A_131 = tpu.assume_multiple %add3A_130, 8 : i32
      %dma_start3A_132 = arith.constant 0 : i32
      %dma_start3A_133 = arith.constant 0 : i32
      %dma_start3A_134 = tpu.memref_slice %arg7[%dma_start3A_132, %dma_start3A_133] : memref<2x80xi32, #tpu.memory_space<vmem>> -> memref<1x80xi32, #tpu.memory_space<vmem>>
      %dma_start3A_135 = tpu.memref_squeeze %dma_start3A_134 : memref<1x80xi32, #tpu.memory_space<vmem>> -> memref<80xi32, #tpu.memory_space<vmem>>
      %dma_start3A_136 = tpu.memref_slice %arg3[%multiple_of3A_131] : memref<320000xi32, #tpu.memory_space<hbm>> -> memref<80xi32, #tpu.memory_space<hbm>>
      %dma_start3A_137 = arith.constant 0 : i32
      %dma_start3A_138 = tpu.memref_slice %arg7[%dma_start3A_132, %dma_start3A_137] : memref<2x80xi32, #tpu.memory_space<vmem>> -> memref<1x80xi32, #tpu.memory_space<vmem>>
      %dma_start3A_139 = tpu.memref_squeeze %dma_start3A_138 : memref<1x80xi32, #tpu.memory_space<vmem>> -> memref<80xi32, #tpu.memory_space<vmem>>
      %dma_start3A_140 = tpu.memref_slice %arg3[%multiple_of3A_131] : memref<320000xi32, #tpu.memory_space<hbm>> -> memref<80xi32, #tpu.memory_space<hbm>>
      tpu.enqueue_dma source(%dma_start3A_140 : memref<80xi32, #tpu.memory_space<hbm>>) target(%dma_start3A_139 : memref<80xi32, #tpu.memory_space<vmem>>) target_semaphore(%arg12 : memref<!tpu.dma_semaphore, #tpu.memory_space<semaphore_mem>>)
      %dma_start3A_141 = arith.constant 0 : i32
      %dma_start3A_142 = arith.constant 0 : i32
      %dma_start3A_143 = tpu.memref_slice %arg8[%dma_start3A_141, %dma_start3A_142] : memref<2x80xi32, #tpu.memory_space<vmem>> -> memref<1x80xi32, #tpu.memory_space<vmem>>
      %dma_start3A_144 = tpu.memref_squeeze %dma_start3A_143 : memref<1x80xi32, #tpu.memory_space<vmem>> -> memref<80xi32, #tpu.memory_space<vmem>>
      %dma_start3A_145 = tpu.memref_slice %arg4[%multiple_of3A_131] : memref<320000xi32, #tpu.memory_space<hbm>> -> memref<80xi32, #tpu.memory_space<hbm>>
      %dma_start3A_146 = arith.constant 0 : i32
      %dma_start3A_147 = tpu.memref_slice %arg8[%dma_start3A_141, %dma_start3A_146] : memref<2x80xi32, #tpu.memory_space<vmem>> -> memref<1x80xi32, #tpu.memory_space<vmem>>
      %dma_start3A_148 = tpu.memref_squeeze %dma_start3A_147 : memref<1x80xi32, #tpu.memory_space<vmem>> -> memref<80xi32, #tpu.memory_space<vmem>>
      %dma_start3A_149 = tpu.memref_slice %arg4[%multiple_of3A_131] : memref<320000xi32, #tpu.memory_space<hbm>> -> memref<80xi32, #tpu.memory_space<hbm>>
      tpu.enqueue_dma source(%dma_start3A_149 : memref<80xi32, #tpu.memory_space<hbm>>) target(%dma_start3A_148 : memref<80xi32, #tpu.memory_space<vmem>>) target_semaphore(%arg12 : memref<!tpu.dma_semaphore, #tpu.memory_space<semaphore_mem>>)
      %dma_wait3A_150 = arith.constant 0 : i32
      %dma_wait3A_151 = arith.constant 0 : i32
      %dma_wait3A_152 = tpu.memref_slice %arg7[%dma_wait3A_150, %dma_wait3A_151] : memref<2x80xi32, #tpu.memory_space<vmem>> -> memref<1x80xi32, #tpu.memory_space<vmem>>
      %dma_wait3A_153 = tpu.memref_squeeze %dma_wait3A_152 : memref<1x80xi32, #tpu.memory_space<vmem>> -> memref<80xi32, #tpu.memory_space<vmem>>
      %dma_wait3A_154 = arith.constant 0 : i32
      %dma_wait3A_155 = tpu.memref_slice %arg3[%dma_wait3A_154] : memref<320000xi32, #tpu.memory_space<hbm>> -> memref<80xi32, #tpu.memory_space<hbm>>
      %dma_wait3A_156 = arith.constant 0 : i32
      %dma_wait3A_157 = tpu.memref_slice %arg7[%dma_wait3A_150, %dma_wait3A_156] : memref<2x80xi32, #tpu.memory_space<vmem>> -> memref<1x80xi32, #tpu.memory_space<vmem>>
      %dma_wait3A_158 = tpu.memref_squeeze %dma_wait3A_157 : memref<1x80xi32, #tpu.memory_space<vmem>> -> memref<80xi32, #tpu.memory_space<vmem>>
      %dma_wait3A_159 = arith.constant 0 : i32
      %dma_wait3A_160 = tpu.memref_slice %arg3[%dma_wait3A_159] : memref<320000xi32, #tpu.memory_space<hbm>> -> memref<80xi32, #tpu.memory_space<hbm>>
      tpu.wait_dma2 semaphore(%arg12 : memref<!tpu.dma_semaphore, #tpu.memory_space<semaphore_mem>>) src(%dma_wait3A_160 : memref<80xi32, #tpu.memory_space<hbm>>) dst(%dma_wait3A_158 : memref<80xi32, #tpu.memory_space<vmem>>)
      %dma_wait3A_161 = arith.constant 0 : i32
      %dma_wait3A_162 = arith.constant 0 : i32
      %dma_wait3A_163 = tpu.memref_slice %arg8[%dma_wait3A_161, %dma_wait3A_162] : memref<2x80xi32, #tpu.memory_space<vmem>> -> memref<1x80xi32, #tpu.memory_space<vmem>>
      %dma_wait3A_164 = tpu.memref_squeeze %dma_wait3A_163 : memref<1x80xi32, #tpu.memory_space<vmem>> -> memref<80xi32, #tpu.memory_space<vmem>>
      %dma_wait3A_165 = arith.constant 0 : i32
      %dma_wait3A_166 = tpu.memref_slice %arg4[%dma_wait3A_165] : memref<320000xi32, #tpu.memory_space<hbm>> -> memref<80xi32, #tpu.memory_space<hbm>>
      %dma_wait3A_167 = arith.constant 0 : i32
      %dma_wait3A_168 = tpu.memref_slice %arg8[%dma_wait3A_161, %dma_wait3A_167] : memref<2x80xi32, #tpu.memory_space<vmem>> -> memref<1x80xi32, #tpu.memory_space<vmem>>
      %dma_wait3A_169 = tpu.memref_squeeze %dma_wait3A_168 : memref<1x80xi32, #tpu.memory_space<vmem>> -> memref<80xi32, #tpu.memory_space<vmem>>
      %dma_wait3A_170 = arith.constant 0 : i32
      %dma_wait3A_171 = tpu.memref_slice %arg4[%dma_wait3A_170] : memref<320000xi32, #tpu.memory_space<hbm>> -> memref<80xi32, #tpu.memory_space<hbm>>
      tpu.wait_dma2 semaphore(%arg12 : memref<!tpu.dma_semaphore, #tpu.memory_space<semaphore_mem>>) src(%dma_wait3A_171 : memref<80xi32, #tpu.memory_space<hbm>>) dst(%dma_wait3A_169 : memref<80xi32, #tpu.memory_space<vmem>>)
      %dma_start3A_172 = arith.constant 0 : i32
      %dma_start3A_173 = arith.constant 0 : i32
      %dma_start3A_174 = tpu.memref_slice %arg7[%dma_start3A_172, %dma_start3A_173] : memref<2x80xi32, #tpu.memory_space<vmem>> -> memref<1x80xi32, #tpu.memory_space<vmem>>
      %dma_start3A_175 = tpu.memref_squeeze %dma_start3A_174 : memref<1x80xi32, #tpu.memory_space<vmem>> -> memref<80xi32, #tpu.memory_space<vmem>>
      %dma_start3A_176 = arith.constant 0 : i32
      %dma_start3A_177 = arith.constant 0 : i32
      %dma_start3A_178 = tpu.memref_slice %arg2[%dma_start3A_176, %dma_start3A_177] : memref<10112x128xf32, #tpu.memory_space<hbm>> -> memref<10112x128xf32, #tpu.memory_space<hbm>>
      tpu.enqueue_indirect_dma source(%dma_start3A_178 : memref<10112x128xf32, #tpu.memory_space<hbm>>) target(%arg9 : memref<80x128xf32, #tpu.memory_space<vmem>>) offsets(%dma_start3A_175 : memref<80xi32, #tpu.memory_space<vmem>>) semaphore(%arg14 : memref<!tpu.dma_semaphore, #tpu.memory_space<semaphore_mem>>)
      %dma_wait3A_179 = arith.constant 1 : i32
      %dma_wait3A_180 = arith.constant 0 : i32
      %dma_wait3A_181 = tpu.memref_slice %arg7[%dma_wait3A_179, %dma_wait3A_180] : memref<2x80xi32, #tpu.memory_space<vmem>> -> memref<1x80xi32, #tpu.memory_space<vmem>>
      %dma_wait3A_182 = tpu.memref_squeeze %dma_wait3A_181 : memref<1x80xi32, #tpu.memory_space<vmem>> -> memref<80xi32, #tpu.memory_space<vmem>>
      %dma_wait3A_183 = arith.constant 0 : i32
      %dma_wait3A_184 = arith.constant 0 : i32
      %dma_wait3A_185 = tpu.memref_slice %arg2[%dma_wait3A_183, %dma_wait3A_184] : memref<10112x128xf32, #tpu.memory_space<hbm>> -> memref<10112x128xf32, #tpu.memory_space<hbm>>
      tpu.wait_indirect_dma semaphore(%arg15 : memref<!tpu.dma_semaphore, #tpu.memory_space<semaphore_mem>>) src(%dma_wait3A_185 : memref<10112x128xf32, #tpu.memory_space<hbm>>) dst(%arg10 : memref<80x128xf32, #tpu.memory_space<vmem>>)
      %run_scoped3A_186 = arith.constant 1 : i32
      "tpu.region"() ({
        %run_scoped3A_189 = tpu.sem_alloc : memref<!tpu.dma_semaphore, #tpu.memory_space<semaphore_mem>>
        %dma_start3A_190 = arith.constant 0 : i32
        %dma_start3A_191 = tpu.memref_slice %arg8[%run_scoped3A_186, %dma_start3A_190] : memref<2x80xi32, #tpu.memory_space<vmem>> -> memref<1x80xi32, #tpu.memory_space<vmem>>
        %dma_start3A_192 = tpu.memref_squeeze %dma_start3A_191 : memref<1x80xi32, #tpu.memory_space<vmem>> -> memref<80xi32, #tpu.memory_space<vmem>>
        %dma_start3A_193 = arith.constant 0 : i32
        %dma_start3A_194 = arith.constant 0 : i32
        %dma_start3A_195 = tpu.memref_slice %arg11[%dma_start3A_193, %dma_start3A_194] : memref<10112x128xf32, #tpu.memory_space<vmem_shared>> -> memref<10112x128xf32, #tpu.memory_space<vmem_shared>>
        tpu.enqueue_indirect_dma source(%arg10 : memref<80x128xf32, #tpu.memory_space<vmem>>) target(%dma_start3A_195 : memref<10112x128xf32, #tpu.memory_space<vmem_shared>>) offsets(%dma_start3A_192 : memref<80xi32, #tpu.memory_space<vmem>>) semaphore(%run_scoped3A_189 : memref<!tpu.dma_semaphore, #tpu.memory_space<semaphore_mem>>) {add = true}
        %dma_wait3A_196 = arith.constant 0 : i32
        %dma_wait3A_197 = tpu.memref_slice %arg8[%run_scoped3A_186, %dma_wait3A_196] : memref<2x80xi32, #tpu.memory_space<vmem>> -> memref<1x80xi32, #tpu.memory_space<vmem>>
        %dma_wait3A_198 = tpu.memref_squeeze %dma_wait3A_197 : memref<1x80xi32, #tpu.memory_space<vmem>> -> memref<80xi32, #tpu.memory_space<vmem>>
        %dma_wait3A_199 = arith.constant 0 : i32
        %dma_wait3A_200 = arith.constant 0 : i32
        %dma_wait3A_201 = tpu.memref_slice %arg11[%dma_wait3A_199, %dma_wait3A_200] : memref<10112x128xf32, #tpu.memory_space<vmem_shared>> -> memref<10112x128xf32, #tpu.memory_space<vmem_shared>>
        tpu.wait_indirect_dma semaphore(%run_scoped3A_189 : memref<!tpu.dma_semaphore, #tpu.memory_space<semaphore_mem>>) src(%arg10 : memref<80x128xf32, #tpu.memory_space<vmem>>) dst(%dma_wait3A_201 : memref<10112x128xf32, #tpu.memory_space<vmem_shared>>)
        tpu.yield
      }) : () -> ()
      %lt3A = arith.constant 61 : i32
      %lt3A_187 = arith.cmpi slt, %scan3A_86, %lt3A : i32
      %convert_element_type3A = arith.extui %lt3A_187 : i1 to i32
      %cond3A = arith.constant 0 : i32
      %cond3A_188 = arith.cmpi ne, %convert_element_type3A, %cond3A : i32
      scf.if %cond3A_188 {
        %mul3A_189 = arith.constant 2 : i32
        %mul3A_190 = arith.muli %mul3A_189, %scan3A_86 : i32
        %add3A_191 = arith.constant 3 : i32
        %add3A_192 = arith.addi %mul3A_190, %add3A_191 : i32
        %mul3A_193 = arith.constant 80 : i32
        %mul3A_194 = arith.muli %add3A_192, %mul3A_193 : i32
        %add3A_195 = arith.addi %mul3A_4, %mul3A_194 : i32
        %multiple_of3A_196 = tpu.assume_multiple %add3A_195, 8 : i32
        %dma_start3A_197 = arith.constant 1 : i32
        %dma_start3A_198 = arith.constant 0 : i32
        %dma_start3A_199 = tpu.memref_slice %arg7[%dma_start3A_197, %dma_start3A_198] : memref<2x80xi32, #tpu.memory_space<vmem>> -> memref<1x80xi32, #tpu.memory_space<vmem>>
        %dma_start3A_200 = tpu.memref_squeeze %dma_start3A_199 : memref<1x80xi32, #tpu.memory_space<vmem>> -> memref<80xi32, #tpu.memory_space<vmem>>
        %dma_start3A_201 = tpu.memref_slice %arg3[%multiple_of3A_196] : memref<320000xi32, #tpu.memory_space<hbm>> -> memref<80xi32, #tpu.memory_space<hbm>>
        %dma_start3A_202 = arith.constant 0 : i32
        %dma_start3A_203 = tpu.memref_slice %arg7[%dma_start3A_197, %dma_start3A_202] : memref<2x80xi32, #tpu.memory_space<vmem>> -> memref<1x80xi32, #tpu.memory_space<vmem>>
        %dma_start3A_204 = tpu.memref_squeeze %dma_start3A_203 : memref<1x80xi32, #tpu.memory_space<vmem>> -> memref<80xi32, #tpu.memory_space<vmem>>
        %dma_start3A_205 = tpu.memref_slice %arg3[%multiple_of3A_196] : memref<320000xi32, #tpu.memory_space<hbm>> -> memref<80xi32, #tpu.memory_space<hbm>>
        tpu.enqueue_dma source(%dma_start3A_205 : memref<80xi32, #tpu.memory_space<hbm>>) target(%dma_start3A_204 : memref<80xi32, #tpu.memory_space<vmem>>) target_semaphore(%arg13 : memref<!tpu.dma_semaphore, #tpu.memory_space<semaphore_mem>>)
        %dma_start3A_206 = arith.constant 1 : i32
        %dma_start3A_207 = arith.constant 0 : i32
        %dma_start3A_208 = tpu.memref_slice %arg8[%dma_start3A_206, %dma_start3A_207] : memref<2x80xi32, #tpu.memory_space<vmem>> -> memref<1x80xi32, #tpu.memory_space<vmem>>
        %dma_start3A_209 = tpu.memref_squeeze %dma_start3A_208 : memref<1x80xi32, #tpu.memory_space<vmem>> -> memref<80xi32, #tpu.memory_space<vmem>>
        %dma_start3A_210 = tpu.memref_slice %arg4[%multiple_of3A_196] : memref<320000xi32, #tpu.memory_space<hbm>> -> memref<80xi32, #tpu.memory_space<hbm>>
        %dma_start3A_211 = arith.constant 0 : i32
        %dma_start3A_212 = tpu.memref_slice %arg8[%dma_start3A_206, %dma_start3A_211] : memref<2x80xi32, #tpu.memory_space<vmem>> -> memref<1x80xi32, #tpu.memory_space<vmem>>
        %dma_start3A_213 = tpu.memref_squeeze %dma_start3A_212 : memref<1x80xi32, #tpu.memory_space<vmem>> -> memref<80xi32, #tpu.memory_space<vmem>>
        %dma_start3A_214 = tpu.memref_slice %arg4[%multiple_of3A_196] : memref<320000xi32, #tpu.memory_space<hbm>> -> memref<80xi32, #tpu.memory_space<hbm>>
        tpu.enqueue_dma source(%dma_start3A_214 : memref<80xi32, #tpu.memory_space<hbm>>) target(%dma_start3A_213 : memref<80xi32, #tpu.memory_space<vmem>>) target_semaphore(%arg13 : memref<!tpu.dma_semaphore, #tpu.memory_space<semaphore_mem>>)
      } else {
      }
    }
    %scan3A_77 = arith.constant 62 : i32
    %dma_wait3A_78 = arith.constant 0 : i32
    %dma_wait3A_79 = arith.constant 0 : i32
    %dma_wait3A_80 = tpu.memref_slice %arg7[%dma_wait3A_78, %dma_wait3A_79] : memref<2x80xi32, #tpu.memory_space<vmem>> -> memref<1x80xi32, #tpu.memory_space<vmem>>
    %dma_wait3A_81 = tpu.memref_squeeze %dma_wait3A_80 : memref<1x80xi32, #tpu.memory_space<vmem>> -> memref<80xi32, #tpu.memory_space<vmem>>
    %dma_wait3A_82 = arith.constant 0 : i32
    %dma_wait3A_83 = arith.constant 0 : i32
    %dma_wait3A_84 = tpu.memref_slice %arg2[%dma_wait3A_82, %dma_wait3A_83] : memref<10112x128xf32, #tpu.memory_space<hbm>> -> memref<10112x128xf32, #tpu.memory_space<hbm>>
    tpu.wait_indirect_dma semaphore(%arg14 : memref<!tpu.dma_semaphore, #tpu.memory_space<semaphore_mem>>) src(%dma_wait3A_84 : memref<10112x128xf32, #tpu.memory_space<hbm>>) dst(%arg9 : memref<80x128xf32, #tpu.memory_space<vmem>>)
    %run_scoped3A = arith.constant 0 : i32
    "tpu.region"() ({
      %run_scoped3A_86 = tpu.sem_alloc : memref<!tpu.dma_semaphore, #tpu.memory_space<semaphore_mem>>
      %dma_start3A_87 = arith.constant 0 : i32
      %dma_start3A_88 = tpu.memref_slice %arg8[%run_scoped3A, %dma_start3A_87] : memref<2x80xi32, #tpu.memory_space<vmem>> -> memref<1x80xi32, #tpu.memory_space<vmem>>
      %dma_start3A_89 = tpu.memref_squeeze %dma_start3A_88 : memref<1x80xi32, #tpu.memory_space<vmem>> -> memref<80xi32, #tpu.memory_space<vmem>>
      %dma_start3A_90 = arith.constant 0 : i32
      %dma_start3A_91 = arith.constant 0 : i32
      %dma_start3A_92 = tpu.memref_slice %arg11[%dma_start3A_90, %dma_start3A_91] : memref<10112x128xf32, #tpu.memory_space<vmem_shared>> -> memref<10112x128xf32, #tpu.memory_space<vmem_shared>>
      tpu.enqueue_indirect_dma source(%arg9 : memref<80x128xf32, #tpu.memory_space<vmem>>) target(%dma_start3A_92 : memref<10112x128xf32, #tpu.memory_space<vmem_shared>>) offsets(%dma_start3A_89 : memref<80xi32, #tpu.memory_space<vmem>>) semaphore(%run_scoped3A_86 : memref<!tpu.dma_semaphore, #tpu.memory_space<semaphore_mem>>) {add = true}
      %dma_wait3A_93 = arith.constant 0 : i32
      %dma_wait3A_94 = tpu.memref_slice %arg8[%run_scoped3A, %dma_wait3A_93] : memref<2x80xi32, #tpu.memory_space<vmem>> -> memref<1x80xi32, #tpu.memory_space<vmem>>
      %dma_wait3A_95 = tpu.memref_squeeze %dma_wait3A_94 : memref<1x80xi32, #tpu.memory_space<vmem>> -> memref<80xi32, #tpu.memory_space<vmem>>
      %dma_wait3A_96 = arith.constant 0 : i32
      %dma_wait3A_97 = arith.constant 0 : i32
      %dma_wait3A_98 = tpu.memref_slice %arg11[%dma_wait3A_96, %dma_wait3A_97] : memref<10112x128xf32, #tpu.memory_space<vmem_shared>> -> memref<10112x128xf32, #tpu.memory_space<vmem_shared>>
      tpu.wait_indirect_dma semaphore(%run_scoped3A_86 : memref<!tpu.dma_semaphore, #tpu.memory_space<semaphore_mem>>) src(%arg9 : memref<80x128xf32, #tpu.memory_space<vmem>>) dst(%dma_wait3A_98 : memref<10112x128xf32, #tpu.memory_space<vmem_shared>>)
      tpu.yield
    }) : () -> ()
    %barrier3A_85 = arith.constant 0 : index
    tpu.barrier barrier_id(%barrier3A_85)
    "tpu.region"() ({
      %run_scoped3A_86 = tpu.sem_alloc : memref<!tpu.dma_semaphore, #tpu.memory_space<semaphore_mem>>
      %dma_start3A_87 = arith.constant 0 : i32
      %dma_start3A_88 = tpu.memref_slice %arg6[%arg0, %mul3A_2, %dma_start3A_87] : memref<2x10112x128xf32, #tpu.memory_space<hbm>> -> memref<1x632x128xf32, #tpu.memory_space<hbm>>
      %dma_start3A_89 = tpu.memref_squeeze %dma_start3A_88 : memref<1x632x128xf32, #tpu.memory_space<hbm>> -> memref<632x128xf32, #tpu.memory_space<hbm>>
      %dma_start3A_90 = arith.constant 0 : i32
      %dma_start3A_91 = tpu.memref_slice %arg11[%mul3A_2, %dma_start3A_90] : memref<10112x128xf32, #tpu.memory_space<vmem_shared>> -> memref<632x128xf32, #tpu.memory_space<vmem_shared>>
      tpu.enqueue_dma source(%dma_start3A_91 : memref<632x128xf32, #tpu.memory_space<vmem_shared>>) target(%dma_start3A_89 : memref<632x128xf32, #tpu.memory_space<hbm>>) target_semaphore(%run_scoped3A_86 : memref<!tpu.dma_semaphore, #tpu.memory_space<semaphore_mem>>)
      %dma_wait3A_92 = arith.constant 0 : i32
      %dma_wait3A_93 = tpu.memref_slice %arg6[%arg0, %mul3A_2, %dma_wait3A_92] : memref<2x10112x128xf32, #tpu.memory_space<hbm>> -> memref<1x632x128xf32, #tpu.memory_space<hbm>>
      %dma_wait3A_94 = tpu.memref_squeeze %dma_wait3A_93 : memref<1x632x128xf32, #tpu.memory_space<hbm>> -> memref<632x128xf32, #tpu.memory_space<hbm>>
      %dma_wait3A_95 = arith.constant 0 : i32
      %dma_wait3A_96 = tpu.memref_slice %arg11[%mul3A_2, %dma_wait3A_95] : memref<10112x128xf32, #tpu.memory_space<vmem_shared>> -> memref<632x128xf32, #tpu.memory_space<vmem_shared>>
      tpu.wait_dma2 semaphore(%run_scoped3A_86 : memref<!tpu.dma_semaphore, #tpu.memory_space<semaphore_mem>>) src(%dma_wait3A_96 : memref<632x128xf32, #tpu.memory_space<vmem_shared>>) dst(%dma_wait3A_94 : memref<632x128xf32, #tpu.memory_space<hbm>>)
      tpu.yield
    }) : () -> ()
    return
  }
}

#map = affine_map<(d0, d1) -> (0, 0)>
#map1 = affine_map<(d0, d1) -> (0)>
#map2 = affine_map<(d0, d1) -> (0, 0, 0)>
module attributes {stable_mosaic.version = 14 : i64} {
  func.func @agg_kernel(%arg0: i32, %arg1: i32, %arg2: memref<10112x128xf32, #tpu.memory_space<hbm>>, %arg3: memref<320000xi32, #tpu.memory_space<hbm>>, %arg4: memref<320000xi32, #tpu.memory_space<hbm>>, %arg5: memref<632x128xf32, #tpu.memory_space<hbm>>, %arg6: memref<2x10112x128xf32, #tpu.memory_space<hbm>>, %arg7: memref<2x80xi32, #tpu.memory_space<vmem>>, %arg8: memref<2x80xi32, #tpu.memory_space<vmem>>, %arg9: memref<80x128xf32, #tpu.memory_space<vmem>>, %arg10: memref<80x128xf32, #tpu.memory_space<vmem>>, %arg11: memref<10112x128xf32, #tpu.memory_space<vmem_shared>>, %arg12: memref<!tpu.dma_semaphore, #tpu.memory_space<semaphore_mem>>, %arg13: memref<!tpu.dma_semaphore, #tpu.memory_space<semaphore_mem>>, %arg14: memref<!tpu.dma_semaphore, #tpu.memory_space<semaphore_mem>>, %arg15: memref<!tpu.dma_semaphore, #tpu.memory_space<semaphore_mem>>) attributes {dimension_semantics = [#tpu.dimension_semantics<core_parallel>, #tpu.dimension_semantics<subcore_parallel>], iteration_bounds = array<i64: 2, 16>, scalar_prefetch = 0 : i64, scratch_operands = 9 : i64, tpu.core_type = #tpu.core_type<sc_vector_subcore>, window_params = [{transform_indices = #map}, {transform_indices = #map1}, {transform_indices = #map1}, {transform_indices = #map}, {transform_indices = #map2}]} {
    %mul3A = arith.constant 2 : i32
    %mul3A_0 = arith.muli %arg1, %mul3A : i32
    %add3A = arith.addi %mul3A_0, %arg0 : i32
    %mul3A_1 = arith.constant 632 : i32
    %mul3A_2 = arith.muli %arg1, %mul3A_1 : i32
    "tpu.region"() ({
      %run_scoped3A_86 = tpu.sem_alloc : memref<!tpu.dma_semaphore, #tpu.memory_space<semaphore_mem>>
      %dma_start3A_87 = arith.constant 0 : i32
      %dma_start3A_88 = tpu.memref_slice %arg11[%mul3A_2, %dma_start3A_87] : memref<10112x128xf32, #tpu.memory_space<vmem_shared>> -> memref<632x128xf32, #tpu.memory_space<vmem_shared>>
      tpu.enqueue_dma source(%arg5 : memref<632x128xf32, #tpu.memory_space<hbm>>) target(%dma_start3A_88 : memref<632x128xf32, #tpu.memory_space<vmem_shared>>) target_semaphore(%run_scoped3A_86 : memref<!tpu.dma_semaphore, #tpu.memory_space<semaphore_mem>>)
      %dma_wait3A_89 = arith.constant 0 : i32
      %dma_wait3A_90 = tpu.memref_slice %arg11[%mul3A_2, %dma_wait3A_89] : memref<10112x128xf32, #tpu.memory_space<vmem_shared>> -> memref<632x128xf32, #tpu.memory_space<vmem_shared>>
      tpu.wait_dma2 semaphore(%run_scoped3A_86 : memref<!tpu.dma_semaphore, #tpu.memory_space<semaphore_mem>>) src(%arg5 : memref<632x128xf32, #tpu.memory_space<hbm>>) dst(%dma_wait3A_90 : memref<632x128xf32, #tpu.memory_space<vmem_shared>>)
      tpu.yield
    }) : () -> ()
    %barrier3A = arith.constant 0 : index
    tpu.barrier barrier_id(%barrier3A)
    %mul3A_3 = arith.constant 10000 : i32
    %mul3A_4 = arith.muli %add3A, %mul3A_3 : i32
    %add3A_5 = arith.constant 0 : i32
    %add3A_6 = arith.addi %mul3A_4, %add3A_5 : i32
    %multiple_of3A = tpu.assume_multiple %add3A_6, 8 : i32
    %dma_start3A = arith.constant 0 : i32
    %dma_start3A_7 = arith.constant 0 : i32
    %dma_start3A_8 = tpu.memref_slice %arg7[%dma_start3A, %dma_start3A_7] : memref<2x80xi32, #tpu.memory_space<vmem>> -> memref<1x80xi32, #tpu.memory_space<vmem>>
    %dma_start3A_9 = tpu.memref_squeeze %dma_start3A_8 : memref<1x80xi32, #tpu.memory_space<vmem>> -> memref<80xi32, #tpu.memory_space<vmem>>
    %dma_start3A_10 = tpu.memref_slice %arg3[%multiple_of3A] : memref<320000xi32, #tpu.memory_space<hbm>> -> memref<80xi32, #tpu.memory_space<hbm>>
    %dma_start3A_11 = arith.constant 0 : i32
    %dma_start3A_12 = tpu.memref_slice %arg7[%dma_start3A, %dma_start3A_11] : memref<2x80xi32, #tpu.memory_space<vmem>> -> memref<1x80xi32, #tpu.memory_space<vmem>>
    %dma_start3A_13 = tpu.memref_squeeze %dma_start3A_12 : memref<1x80xi32, #tpu.memory_space<vmem>> -> memref<80xi32, #tpu.memory_space<vmem>>
    %dma_start3A_14 = tpu.memref_slice %arg3[%multiple_of3A] : memref<320000xi32, #tpu.memory_space<hbm>> -> memref<80xi32, #tpu.memory_space<hbm>>
    tpu.enqueue_dma source(%dma_start3A_14 : memref<80xi32, #tpu.memory_space<hbm>>) target(%dma_start3A_13 : memref<80xi32, #tpu.memory_space<vmem>>) target_semaphore(%arg12 : memref<!tpu.dma_semaphore, #tpu.memory_space<semaphore_mem>>)
    %dma_start3A_15 = arith.constant 0 : i32
    %dma_start3A_16 = arith.constant 0 : i32
    %dma_start3A_17 = tpu.memref_slice %arg8[%dma_start3A_15, %dma_start3A_16] : memref<2x80xi32, #tpu.memory_space<vmem>> -> memref<1x80xi32, #tpu.memory_space<vmem>>
    %dma_start3A_18 = tpu.memref_squeeze %dma_start3A_17 : memref<1x80xi32, #tpu.memory_space<vmem>> -> memref<80xi32, #tpu.memory_space<vmem>>
    %dma_start3A_19 = tpu.memref_slice %arg4[%multiple_of3A] : memref<320000xi32, #tpu.memory_space<hbm>> -> memref<80xi32, #tpu.memory_space<hbm>>
    %dma_start3A_20 = arith.constant 0 : i32
    %dma_start3A_21 = tpu.memref_slice %arg8[%dma_start3A_15, %dma_start3A_20] : memref<2x80xi32, #tpu.memory_space<vmem>> -> memref<1x80xi32, #tpu.memory_space<vmem>>
    %dma_start3A_22 = tpu.memref_squeeze %dma_start3A_21 : memref<1x80xi32, #tpu.memory_space<vmem>> -> memref<80xi32, #tpu.memory_space<vmem>>
    %dma_start3A_23 = tpu.memref_slice %arg4[%multiple_of3A] : memref<320000xi32, #tpu.memory_space<hbm>> -> memref<80xi32, #tpu.memory_space<hbm>>
    tpu.enqueue_dma source(%dma_start3A_23 : memref<80xi32, #tpu.memory_space<hbm>>) target(%dma_start3A_22 : memref<80xi32, #tpu.memory_space<vmem>>) target_semaphore(%arg12 : memref<!tpu.dma_semaphore, #tpu.memory_space<semaphore_mem>>)
    %add3A_24 = arith.constant 80 : i32
    %add3A_25 = arith.addi %mul3A_4, %add3A_24 : i32
    %multiple_of3A_26 = tpu.assume_multiple %add3A_25, 8 : i32
    %dma_start3A_27 = arith.constant 1 : i32
    %dma_start3A_28 = arith.constant 0 : i32
    %dma_start3A_29 = tpu.memref_slice %arg7[%dma_start3A_27, %dma_start3A_28] : memref<2x80xi32, #tpu.memory_space<vmem>> -> memref<1x80xi32, #tpu.memory_space<vmem>>
    %dma_start3A_30 = tpu.memref_squeeze %dma_start3A_29 : memref<1x80xi32, #tpu.memory_space<vmem>> -> memref<80xi32, #tpu.memory_space<vmem>>
    %dma_start3A_31 = tpu.memref_slice %arg3[%multiple_of3A_26] : memref<320000xi32, #tpu.memory_space<hbm>> -> memref<80xi32, #tpu.memory_space<hbm>>
    %dma_start3A_32 = arith.constant 0 : i32
    %dma_start3A_33 = tpu.memref_slice %arg7[%dma_start3A_27, %dma_start3A_32] : memref<2x80xi32, #tpu.memory_space<vmem>> -> memref<1x80xi32, #tpu.memory_space<vmem>>
    %dma_start3A_34 = tpu.memref_squeeze %dma_start3A_33 : memref<1x80xi32, #tpu.memory_space<vmem>> -> memref<80xi32, #tpu.memory_space<vmem>>
    %dma_start3A_35 = tpu.memref_slice %arg3[%multiple_of3A_26] : memref<320000xi32, #tpu.memory_space<hbm>> -> memref<80xi32, #tpu.memory_space<hbm>>
    tpu.enqueue_dma source(%dma_start3A_35 : memref<80xi32, #tpu.memory_space<hbm>>) target(%dma_start3A_34 : memref<80xi32, #tpu.memory_space<vmem>>) target_semaphore(%arg13 : memref<!tpu.dma_semaphore, #tpu.memory_space<semaphore_mem>>)
    %dma_start3A_36 = arith.constant 1 : i32
    %dma_start3A_37 = arith.constant 0 : i32
    %dma_start3A_38 = tpu.memref_slice %arg8[%dma_start3A_36, %dma_start3A_37] : memref<2x80xi32, #tpu.memory_space<vmem>> -> memref<1x80xi32, #tpu.memory_space<vmem>>
    %dma_start3A_39 = tpu.memref_squeeze %dma_start3A_38 : memref<1x80xi32, #tpu.memory_space<vmem>> -> memref<80xi32, #tpu.memory_space<vmem>>
    %dma_start3A_40 = tpu.memref_slice %arg4[%multiple_of3A_26] : memref<320000xi32, #tpu.memory_space<hbm>> -> memref<80xi32, #tpu.memory_space<hbm>>
    %dma_start3A_41 = arith.constant 0 : i32
    %dma_start3A_42 = tpu.memref_slice %arg8[%dma_start3A_36, %dma_start3A_41] : memref<2x80xi32, #tpu.memory_space<vmem>> -> memref<1x80xi32, #tpu.memory_space<vmem>>
    %dma_start3A_43 = tpu.memref_squeeze %dma_start3A_42 : memref<1x80xi32, #tpu.memory_space<vmem>> -> memref<80xi32, #tpu.memory_space<vmem>>
    %dma_start3A_44 = tpu.memref_slice %arg4[%multiple_of3A_26] : memref<320000xi32, #tpu.memory_space<hbm>> -> memref<80xi32, #tpu.memory_space<hbm>>
    tpu.enqueue_dma source(%dma_start3A_44 : memref<80xi32, #tpu.memory_space<hbm>>) target(%dma_start3A_43 : memref<80xi32, #tpu.memory_space<vmem>>) target_semaphore(%arg13 : memref<!tpu.dma_semaphore, #tpu.memory_space<semaphore_mem>>)
    %dma_wait3A = arith.constant 0 : i32
    %dma_wait3A_45 = arith.constant 0 : i32
    %dma_wait3A_46 = tpu.memref_slice %arg7[%dma_wait3A, %dma_wait3A_45] : memref<2x80xi32, #tpu.memory_space<vmem>> -> memref<1x80xi32, #tpu.memory_space<vmem>>
    %dma_wait3A_47 = tpu.memref_squeeze %dma_wait3A_46 : memref<1x80xi32, #tpu.memory_space<vmem>> -> memref<80xi32, #tpu.memory_space<vmem>>
    %dma_wait3A_48 = arith.constant 0 : i32
    %dma_wait3A_49 = tpu.memref_slice %arg3[%dma_wait3A_48] : memref<320000xi32, #tpu.memory_space<hbm>> -> memref<80xi32, #tpu.memory_space<hbm>>
    %dma_wait3A_50 = arith.constant 0 : i32
    %dma_wait3A_51 = tpu.memref_slice %arg7[%dma_wait3A, %dma_wait3A_50] : memref<2x80xi32, #tpu.memory_space<vmem>> -> memref<1x80xi32, #tpu.memory_space<vmem>>
    %dma_wait3A_52 = tpu.memref_squeeze %dma_wait3A_51 : memref<1x80xi32, #tpu.memory_space<vmem>> -> memref<80xi32, #tpu.memory_space<vmem>>
    %dma_wait3A_53 = arith.constant 0 : i32
    %dma_wait3A_54 = tpu.memref_slice %arg3[%dma_wait3A_53] : memref<320000xi32, #tpu.memory_space<hbm>> -> memref<80xi32, #tpu.memory_space<hbm>>
    tpu.wait_dma2 semaphore(%arg12 : memref<!tpu.dma_semaphore, #tpu.memory_space<semaphore_mem>>) src(%dma_wait3A_54 : memref<80xi32, #tpu.memory_space<hbm>>) dst(%dma_wait3A_52 : memref<80xi32, #tpu.memory_space<vmem>>)
    %dma_wait3A_55 = arith.constant 0 : i32
    %dma_wait3A_56 = arith.constant 0 : i32
    %dma_wait3A_57 = tpu.memref_slice %arg8[%dma_wait3A_55, %dma_wait3A_56] : memref<2x80xi32, #tpu.memory_space<vmem>> -> memref<1x80xi32, #tpu.memory_space<vmem>>
    %dma_wait3A_58 = tpu.memref_squeeze %dma_wait3A_57 : memref<1x80xi32, #tpu.memory_space<vmem>> -> memref<80xi32, #tpu.memory_space<vmem>>
    %dma_wait3A_59 = arith.constant 0 : i32
    %dma_wait3A_60 = tpu.memref_slice %arg4[%dma_wait3A_59] : memref<320000xi32, #tpu.memory_space<hbm>> -> memref<80xi32, #tpu.memory_space<hbm>>
    %dma_wait3A_61 = arith.constant 0 : i32
    %dma_wait3A_62 = tpu.memref_slice %arg8[%dma_wait3A_55, %dma_wait3A_61] : memref<2x80xi32, #tpu.memory_space<vmem>> -> memref<1x80xi32, #tpu.memory_space<vmem>>
    %dma_wait3A_63 = tpu.memref_squeeze %dma_wait3A_62 : memref<1x80xi32, #tpu.memory_space<vmem>> -> memref<80xi32, #tpu.memory_space<vmem>>
    %dma_wait3A_64 = arith.constant 0 : i32
    %dma_wait3A_65 = tpu.memref_slice %arg4[%dma_wait3A_64] : memref<320000xi32, #tpu.memory_space<hbm>> -> memref<80xi32, #tpu.memory_space<hbm>>
    tpu.wait_dma2 semaphore(%arg12 : memref<!tpu.dma_semaphore, #tpu.memory_space<semaphore_mem>>) src(%dma_wait3A_65 : memref<80xi32, #tpu.memory_space<hbm>>) dst(%dma_wait3A_63 : memref<80xi32, #tpu.memory_space<vmem>>)
    %dma_start3A_66 = arith.constant 0 : i32
    %dma_start3A_67 = arith.constant 0 : i32
    %dma_start3A_68 = tpu.memref_slice %arg7[%dma_start3A_66, %dma_start3A_67] : memref<2x80xi32, #tpu.memory_space<vmem>> -> memref<1x80xi32, #tpu.memory_space<vmem>>
    %dma_start3A_69 = tpu.memref_squeeze %dma_start3A_68 : memref<1x80xi32, #tpu.memory_space<vmem>> -> memref<80xi32, #tpu.memory_space<vmem>>
    %dma_start3A_70 = arith.constant 0 : i32
    %dma_start3A_71 = arith.constant 0 : i32
    %dma_start3A_72 = tpu.memref_slice %arg2[%dma_start3A_70, %dma_start3A_71] : memref<10112x128xf32, #tpu.memory_space<hbm>> -> memref<10112x128xf32, #tpu.memory_space<hbm>>
    tpu.enqueue_indirect_dma source(%dma_start3A_72 : memref<10112x128xf32, #tpu.memory_space<hbm>>) target(%arg9 : memref<80x128xf32, #tpu.memory_space<vmem>>) offsets(%dma_start3A_69 : memref<80xi32, #tpu.memory_space<vmem>>) semaphore(%arg14 : memref<!tpu.dma_semaphore, #tpu.memory_space<semaphore_mem>>)
    %scan3A = arith.constant 0 : i32
    %scan3A_73 = arith.constant 0 : i32
    %scan3A_74 = arith.constant 62 : i32
    %scan3A_75 = arith.addi %scan3A_73, %scan3A_74 : i32
    %scan3A_76 = arith.constant 1 : i32
    scf.for %scan3A_86 = %scan3A_73 to %scan3A_75 step %scan3A_76  : i32 {
      %dma_wait3A_87 = arith.constant 1 : i32
      %dma_wait3A_88 = arith.constant 0 : i32
      %dma_wait3A_89 = tpu.memref_slice %arg7[%dma_wait3A_87, %dma_wait3A_88] : memref<2x80xi32, #tpu.memory_space<vmem>> -> memref<1x80xi32, #tpu.memory_space<vmem>>
      %dma_wait3A_90 = tpu.memref_squeeze %dma_wait3A_89 : memref<1x80xi32, #tpu.memory_space<vmem>> -> memref<80xi32, #tpu.memory_space<vmem>>
      %dma_wait3A_91 = arith.constant 0 : i32
      %dma_wait3A_92 = tpu.memref_slice %arg3[%dma_wait3A_91] : memref<320000xi32, #tpu.memory_space<hbm>> -> memref<80xi32, #tpu.memory_space<hbm>>
      %dma_wait3A_93 = arith.constant 0 : i32
      %dma_wait3A_94 = tpu.memref_slice %arg7[%dma_wait3A_87, %dma_wait3A_93] : memref<2x80xi32, #tpu.memory_space<vmem>> -> memref<1x80xi32, #tpu.memory_space<vmem>>
      %dma_wait3A_95 = tpu.memref_squeeze %dma_wait3A_94 : memref<1x80xi32, #tpu.memory_space<vmem>> -> memref<80xi32, #tpu.memory_space<vmem>>
      %dma_wait3A_96 = arith.constant 0 : i32
      %dma_wait3A_97 = tpu.memref_slice %arg3[%dma_wait3A_96] : memref<320000xi32, #tpu.memory_space<hbm>> -> memref<80xi32, #tpu.memory_space<hbm>>
      tpu.wait_dma2 semaphore(%arg13 : memref<!tpu.dma_semaphore, #tpu.memory_space<semaphore_mem>>) src(%dma_wait3A_97 : memref<80xi32, #tpu.memory_space<hbm>>) dst(%dma_wait3A_95 : memref<80xi32, #tpu.memory_space<vmem>>)
      %dma_wait3A_98 = arith.constant 1 : i32
      %dma_wait3A_99 = arith.constant 0 : i32
      %dma_wait3A_100 = tpu.memref_slice %arg8[%dma_wait3A_98, %dma_wait3A_99] : memref<2x80xi32, #tpu.memory_space<vmem>> -> memref<1x80xi32, #tpu.memory_space<vmem>>
      %dma_wait3A_101 = tpu.memref_squeeze %dma_wait3A_100 : memref<1x80xi32, #tpu.memory_space<vmem>> -> memref<80xi32, #tpu.memory_space<vmem>>
      %dma_wait3A_102 = arith.constant 0 : i32
      %dma_wait3A_103 = tpu.memref_slice %arg4[%dma_wait3A_102] : memref<320000xi32, #tpu.memory_space<hbm>> -> memref<80xi32, #tpu.memory_space<hbm>>
      %dma_wait3A_104 = arith.constant 0 : i32
      %dma_wait3A_105 = tpu.memref_slice %arg8[%dma_wait3A_98, %dma_wait3A_104] : memref<2x80xi32, #tpu.memory_space<vmem>> -> memref<1x80xi32, #tpu.memory_space<vmem>>
      %dma_wait3A_106 = tpu.memref_squeeze %dma_wait3A_105 : memref<1x80xi32, #tpu.memory_space<vmem>> -> memref<80xi32, #tpu.memory_space<vmem>>
      %dma_wait3A_107 = arith.constant 0 : i32
      %dma_wait3A_108 = tpu.memref_slice %arg4[%dma_wait3A_107] : memref<320000xi32, #tpu.memory_space<hbm>> -> memref<80xi32, #tpu.memory_space<hbm>>
      tpu.wait_dma2 semaphore(%arg13 : memref<!tpu.dma_semaphore, #tpu.memory_space<semaphore_mem>>) src(%dma_wait3A_108 : memref<80xi32, #tpu.memory_space<hbm>>) dst(%dma_wait3A_106 : memref<80xi32, #tpu.memory_space<vmem>>)
      %dma_start3A_109 = arith.constant 1 : i32
      %dma_start3A_110 = arith.constant 0 : i32
      %dma_start3A_111 = tpu.memref_slice %arg7[%dma_start3A_109, %dma_start3A_110] : memref<2x80xi32, #tpu.memory_space<vmem>> -> memref<1x80xi32, #tpu.memory_space<vmem>>
      %dma_start3A_112 = tpu.memref_squeeze %dma_start3A_111 : memref<1x80xi32, #tpu.memory_space<vmem>> -> memref<80xi32, #tpu.memory_space<vmem>>
      %dma_start3A_113 = arith.constant 0 : i32
      %dma_start3A_114 = arith.constant 0 : i32
      %dma_start3A_115 = tpu.memref_slice %arg2[%dma_start3A_113, %dma_start3A_114] : memref<10112x128xf32, #tpu.memory_space<hbm>> -> memref<10112x128xf32, #tpu.memory_space<hbm>>
      tpu.enqueue_indirect_dma source(%dma_start3A_115 : memref<10112x128xf32, #tpu.memory_space<hbm>>) target(%arg10 : memref<80x128xf32, #tpu.memory_space<vmem>>) offsets(%dma_start3A_112 : memref<80xi32, #tpu.memory_space<vmem>>) semaphore(%arg15 : memref<!tpu.dma_semaphore, #tpu.memory_space<semaphore_mem>>)
      %dma_wait3A_116 = arith.constant 0 : i32
      %dma_wait3A_117 = arith.constant 0 : i32
      %dma_wait3A_118 = tpu.memref_slice %arg7[%dma_wait3A_116, %dma_wait3A_117] : memref<2x80xi32, #tpu.memory_space<vmem>> -> memref<1x80xi32, #tpu.memory_space<vmem>>
      %dma_wait3A_119 = tpu.memref_squeeze %dma_wait3A_118 : memref<1x80xi32, #tpu.memory_space<vmem>> -> memref<80xi32, #tpu.memory_space<vmem>>
      %dma_wait3A_120 = arith.constant 0 : i32
      %dma_wait3A_121 = arith.constant 0 : i32
      %dma_wait3A_122 = tpu.memref_slice %arg2[%dma_wait3A_120, %dma_wait3A_121] : memref<10112x128xf32, #tpu.memory_space<hbm>> -> memref<10112x128xf32, #tpu.memory_space<hbm>>
      tpu.wait_indirect_dma semaphore(%arg14 : memref<!tpu.dma_semaphore, #tpu.memory_space<semaphore_mem>>) src(%dma_wait3A_122 : memref<10112x128xf32, #tpu.memory_space<hbm>>) dst(%arg9 : memref<80x128xf32, #tpu.memory_space<vmem>>)
      %run_scoped3A_123 = arith.constant 0 : i32
      "tpu.region"() ({
        %run_scoped3A_189 = tpu.sem_alloc : memref<!tpu.dma_semaphore, #tpu.memory_space<semaphore_mem>>
        %dma_start3A_190 = arith.constant 0 : i32
        %dma_start3A_191 = tpu.memref_slice %arg8[%run_scoped3A_123, %dma_start3A_190] : memref<2x80xi32, #tpu.memory_space<vmem>> -> memref<1x80xi32, #tpu.memory_space<vmem>>
        %dma_start3A_192 = tpu.memref_squeeze %dma_start3A_191 : memref<1x80xi32, #tpu.memory_space<vmem>> -> memref<80xi32, #tpu.memory_space<vmem>>
        %dma_start3A_193 = arith.constant 0 : i32
        %dma_start3A_194 = arith.constant 0 : i32
        %dma_start3A_195 = tpu.memref_slice %arg11[%dma_start3A_193, %dma_start3A_194] : memref<10112x128xf32, #tpu.memory_space<vmem_shared>> -> memref<10112x128xf32, #tpu.memory_space<vmem_shared>>
        tpu.enqueue_indirect_dma source(%arg9 : memref<80x128xf32, #tpu.memory_space<vmem>>) target(%dma_start3A_195 : memref<10112x128xf32, #tpu.memory_space<vmem_shared>>) offsets(%dma_start3A_192 : memref<80xi32, #tpu.memory_space<vmem>>) semaphore(%run_scoped3A_189 : memref<!tpu.dma_semaphore, #tpu.memory_space<semaphore_mem>>) {add = true}
        %dma_wait3A_196 = arith.constant 0 : i32
        %dma_wait3A_197 = tpu.memref_slice %arg8[%run_scoped3A_123, %dma_wait3A_196] : memref<2x80xi32, #tpu.memory_space<vmem>> -> memref<1x80xi32, #tpu.memory_space<vmem>>
        %dma_wait3A_198 = tpu.memref_squeeze %dma_wait3A_197 : memref<1x80xi32, #tpu.memory_space<vmem>> -> memref<80xi32, #tpu.memory_space<vmem>>
        %dma_wait3A_199 = arith.constant 0 : i32
        %dma_wait3A_200 = arith.constant 0 : i32
        %dma_wait3A_201 = tpu.memref_slice %arg11[%dma_wait3A_199, %dma_wait3A_200] : memref<10112x128xf32, #tpu.memory_space<vmem_shared>> -> memref<10112x128xf32, #tpu.memory_space<vmem_shared>>
        tpu.wait_indirect_dma semaphore(%run_scoped3A_189 : memref<!tpu.dma_semaphore, #tpu.memory_space<semaphore_mem>>) src(%arg9 : memref<80x128xf32, #tpu.memory_space<vmem>>) dst(%dma_wait3A_201 : memref<10112x128xf32, #tpu.memory_space<vmem_shared>>)
        tpu.yield
      }) : () -> ()
      %mul3A_124 = arith.constant 2 : i32
      %mul3A_125 = arith.muli %mul3A_124, %scan3A_86 : i32
      %add3A_126 = arith.constant 2 : i32
      %add3A_127 = arith.addi %mul3A_125, %add3A_126 : i32
      %mul3A_128 = arith.constant 80 : i32
      %mul3A_129 = arith.muli %add3A_127, %mul3A_128 : i32
      %add3A_130 = arith.addi %mul3A_4, %mul3A_129 : i32
      %multiple_of3A_131 = tpu.assume_multiple %add3A_130, 8 : i32
      %dma_start3A_132 = arith.constant 0 : i32
      %dma_start3A_133 = arith.constant 0 : i32
      %dma_start3A_134 = tpu.memref_slice %arg7[%dma_start3A_132, %dma_start3A_133] : memref<2x80xi32, #tpu.memory_space<vmem>> -> memref<1x80xi32, #tpu.memory_space<vmem>>
      %dma_start3A_135 = tpu.memref_squeeze %dma_start3A_134 : memref<1x80xi32, #tpu.memory_space<vmem>> -> memref<80xi32, #tpu.memory_space<vmem>>
      %dma_start3A_136 = tpu.memref_slice %arg3[%multiple_of3A_131] : memref<320000xi32, #tpu.memory_space<hbm>> -> memref<80xi32, #tpu.memory_space<hbm>>
      %dma_start3A_137 = arith.constant 0 : i32
      %dma_start3A_138 = tpu.memref_slice %arg7[%dma_start3A_132, %dma_start3A_137] : memref<2x80xi32, #tpu.memory_space<vmem>> -> memref<1x80xi32, #tpu.memory_space<vmem>>
      %dma_start3A_139 = tpu.memref_squeeze %dma_start3A_138 : memref<1x80xi32, #tpu.memory_space<vmem>> -> memref<80xi32, #tpu.memory_space<vmem>>
      %dma_start3A_140 = tpu.memref_slice %arg3[%multiple_of3A_131] : memref<320000xi32, #tpu.memory_space<hbm>> -> memref<80xi32, #tpu.memory_space<hbm>>
      tpu.enqueue_dma source(%dma_start3A_140 : memref<80xi32, #tpu.memory_space<hbm>>) target(%dma_start3A_139 : memref<80xi32, #tpu.memory_space<vmem>>) target_semaphore(%arg12 : memref<!tpu.dma_semaphore, #tpu.memory_space<semaphore_mem>>)
      %dma_start3A_141 = arith.constant 0 : i32
      %dma_start3A_142 = arith.constant 0 : i32
      %dma_start3A_143 = tpu.memref_slice %arg8[%dma_start3A_141, %dma_start3A_142] : memref<2x80xi32, #tpu.memory_space<vmem>> -> memref<1x80xi32, #tpu.memory_space<vmem>>
      %dma_start3A_144 = tpu.memref_squeeze %dma_start3A_143 : memref<1x80xi32, #tpu.memory_space<vmem>> -> memref<80xi32, #tpu.memory_space<vmem>>
      %dma_start3A_145 = tpu.memref_slice %arg4[%multiple_of3A_131] : memref<320000xi32, #tpu.memory_space<hbm>> -> memref<80xi32, #tpu.memory_space<hbm>>
      %dma_start3A_146 = arith.constant 0 : i32
      %dma_start3A_147 = tpu.memref_slice %arg8[%dma_start3A_141, %dma_start3A_146] : memref<2x80xi32, #tpu.memory_space<vmem>> -> memref<1x80xi32, #tpu.memory_space<vmem>>
      %dma_start3A_148 = tpu.memref_squeeze %dma_start3A_147 : memref<1x80xi32, #tpu.memory_space<vmem>> -> memref<80xi32, #tpu.memory_space<vmem>>
      %dma_start3A_149 = tpu.memref_slice %arg4[%multiple_of3A_131] : memref<320000xi32, #tpu.memory_space<hbm>> -> memref<80xi32, #tpu.memory_space<hbm>>
      tpu.enqueue_dma source(%dma_start3A_149 : memref<80xi32, #tpu.memory_space<hbm>>) target(%dma_start3A_148 : memref<80xi32, #tpu.memory_space<vmem>>) target_semaphore(%arg12 : memref<!tpu.dma_semaphore, #tpu.memory_space<semaphore_mem>>)
      %dma_wait3A_150 = arith.constant 0 : i32
      %dma_wait3A_151 = arith.constant 0 : i32
      %dma_wait3A_152 = tpu.memref_slice %arg7[%dma_wait3A_150, %dma_wait3A_151] : memref<2x80xi32, #tpu.memory_space<vmem>> -> memref<1x80xi32, #tpu.memory_space<vmem>>
      %dma_wait3A_153 = tpu.memref_squeeze %dma_wait3A_152 : memref<1x80xi32, #tpu.memory_space<vmem>> -> memref<80xi32, #tpu.memory_space<vmem>>
      %dma_wait3A_154 = arith.constant 0 : i32
      %dma_wait3A_155 = tpu.memref_slice %arg3[%dma_wait3A_154] : memref<320000xi32, #tpu.memory_space<hbm>> -> memref<80xi32, #tpu.memory_space<hbm>>
      %dma_wait3A_156 = arith.constant 0 : i32
      %dma_wait3A_157 = tpu.memref_slice %arg7[%dma_wait3A_150, %dma_wait3A_156] : memref<2x80xi32, #tpu.memory_space<vmem>> -> memref<1x80xi32, #tpu.memory_space<vmem>>
      %dma_wait3A_158 = tpu.memref_squeeze %dma_wait3A_157 : memref<1x80xi32, #tpu.memory_space<vmem>> -> memref<80xi32, #tpu.memory_space<vmem>>
      %dma_wait3A_159 = arith.constant 0 : i32
      %dma_wait3A_160 = tpu.memref_slice %arg3[%dma_wait3A_159] : memref<320000xi32, #tpu.memory_space<hbm>> -> memref<80xi32, #tpu.memory_space<hbm>>
      tpu.wait_dma2 semaphore(%arg12 : memref<!tpu.dma_semaphore, #tpu.memory_space<semaphore_mem>>) src(%dma_wait3A_160 : memref<80xi32, #tpu.memory_space<hbm>>) dst(%dma_wait3A_158 : memref<80xi32, #tpu.memory_space<vmem>>)
      %dma_wait3A_161 = arith.constant 0 : i32
      %dma_wait3A_162 = arith.constant 0 : i32
      %dma_wait3A_163 = tpu.memref_slice %arg8[%dma_wait3A_161, %dma_wait3A_162] : memref<2x80xi32, #tpu.memory_space<vmem>> -> memref<1x80xi32, #tpu.memory_space<vmem>>
      %dma_wait3A_164 = tpu.memref_squeeze %dma_wait3A_163 : memref<1x80xi32, #tpu.memory_space<vmem>> -> memref<80xi32, #tpu.memory_space<vmem>>
      %dma_wait3A_165 = arith.constant 0 : i32
      %dma_wait3A_166 = tpu.memref_slice %arg4[%dma_wait3A_165] : memref<320000xi32, #tpu.memory_space<hbm>> -> memref<80xi32, #tpu.memory_space<hbm>>
      %dma_wait3A_167 = arith.constant 0 : i32
      %dma_wait3A_168 = tpu.memref_slice %arg8[%dma_wait3A_161, %dma_wait3A_167] : memref<2x80xi32, #tpu.memory_space<vmem>> -> memref<1x80xi32, #tpu.memory_space<vmem>>
      %dma_wait3A_169 = tpu.memref_squeeze %dma_wait3A_168 : memref<1x80xi32, #tpu.memory_space<vmem>> -> memref<80xi32, #tpu.memory_space<vmem>>
      %dma_wait3A_170 = arith.constant 0 : i32
      %dma_wait3A_171 = tpu.memref_slice %arg4[%dma_wait3A_170] : memref<320000xi32, #tpu.memory_space<hbm>> -> memref<80xi32, #tpu.memory_space<hbm>>
      tpu.wait_dma2 semaphore(%arg12 : memref<!tpu.dma_semaphore, #tpu.memory_space<semaphore_mem>>) src(%dma_wait3A_171 : memref<80xi32, #tpu.memory_space<hbm>>) dst(%dma_wait3A_169 : memref<80xi32, #tpu.memory_space<vmem>>)
      %dma_start3A_172 = arith.constant 0 : i32
      %dma_start3A_173 = arith.constant 0 : i32
      %dma_start3A_174 = tpu.memref_slice %arg7[%dma_start3A_172, %dma_start3A_173] : memref<2x80xi32, #tpu.memory_space<vmem>> -> memref<1x80xi32, #tpu.memory_space<vmem>>
      %dma_start3A_175 = tpu.memref_squeeze %dma_start3A_174 : memref<1x80xi32, #tpu.memory_space<vmem>> -> memref<80xi32, #tpu.memory_space<vmem>>
      %dma_start3A_176 = arith.constant 0 : i32
      %dma_start3A_177 = arith.constant 0 : i32
      %dma_start3A_178 = tpu.memref_slice %arg2[%dma_start3A_176, %dma_start3A_177] : memref<10112x128xf32, #tpu.memory_space<hbm>> -> memref<10112x128xf32, #tpu.memory_space<hbm>>
      tpu.enqueue_indirect_dma source(%dma_start3A_178 : memref<10112x128xf32, #tpu.memory_space<hbm>>) target(%arg9 : memref<80x128xf32, #tpu.memory_space<vmem>>) offsets(%dma_start3A_175 : memref<80xi32, #tpu.memory_space<vmem>>) semaphore(%arg14 : memref<!tpu.dma_semaphore, #tpu.memory_space<semaphore_mem>>)
      %dma_wait3A_179 = arith.constant 1 : i32
      %dma_wait3A_180 = arith.constant 0 : i32
      %dma_wait3A_181 = tpu.memref_slice %arg7[%dma_wait3A_179, %dma_wait3A_180] : memref<2x80xi32, #tpu.memory_space<vmem>> -> memref<1x80xi32, #tpu.memory_space<vmem>>
      %dma_wait3A_182 = tpu.memref_squeeze %dma_wait3A_181 : memref<1x80xi32, #tpu.memory_space<vmem>> -> memref<80xi32, #tpu.memory_space<vmem>>
      %dma_wait3A_183 = arith.constant 0 : i32
      %dma_wait3A_184 = arith.constant 0 : i32
      %dma_wait3A_185 = tpu.memref_slice %arg2[%dma_wait3A_183, %dma_wait3A_184] : memref<10112x128xf32, #tpu.memory_space<hbm>> -> memref<10112x128xf32, #tpu.memory_space<hbm>>
      tpu.wait_indirect_dma semaphore(%arg15 : memref<!tpu.dma_semaphore, #tpu.memory_space<semaphore_mem>>) src(%dma_wait3A_185 : memref<10112x128xf32, #tpu.memory_space<hbm>>) dst(%arg10 : memref<80x128xf32, #tpu.memory_space<vmem>>)
      %run_scoped3A_186 = arith.constant 1 : i32
      "tpu.region"() ({
        %run_scoped3A_189 = tpu.sem_alloc : memref<!tpu.dma_semaphore, #tpu.memory_space<semaphore_mem>>
        %dma_start3A_190 = arith.constant 0 : i32
        %dma_start3A_191 = tpu.memref_slice %arg8[%run_scoped3A_186, %dma_start3A_190] : memref<2x80xi32, #tpu.memory_space<vmem>> -> memref<1x80xi32, #tpu.memory_space<vmem>>
        %dma_start3A_192 = tpu.memref_squeeze %dma_start3A_191 : memref<1x80xi32, #tpu.memory_space<vmem>> -> memref<80xi32, #tpu.memory_space<vmem>>
        %dma_start3A_193 = arith.constant 0 : i32
        %dma_start3A_194 = arith.constant 0 : i32
        %dma_start3A_195 = tpu.memref_slice %arg11[%dma_start3A_193, %dma_start3A_194] : memref<10112x128xf32, #tpu.memory_space<vmem_shared>> -> memref<10112x128xf32, #tpu.memory_space<vmem_shared>>
        tpu.enqueue_indirect_dma source(%arg10 : memref<80x128xf32, #tpu.memory_space<vmem>>) target(%dma_start3A_195 : memref<10112x128xf32, #tpu.memory_space<vmem_shared>>) offsets(%dma_start3A_192 : memref<80xi32, #tpu.memory_space<vmem>>) semaphore(%run_scoped3A_189 : memref<!tpu.dma_semaphore, #tpu.memory_space<semaphore_mem>>) {add = true}
        %dma_wait3A_196 = arith.constant 0 : i32
        %dma_wait3A_197 = tpu.memref_slice %arg8[%run_scoped3A_186, %dma_wait3A_196] : memref<2x80xi32, #tpu.memory_space<vmem>> -> memref<1x80xi32, #tpu.memory_space<vmem>>
        %dma_wait3A_198 = tpu.memref_squeeze %dma_wait3A_197 : memref<1x80xi32, #tpu.memory_space<vmem>> -> memref<80xi32, #tpu.memory_space<vmem>>
        %dma_wait3A_199 = arith.constant 0 : i32
        %dma_wait3A_200 = arith.constant 0 : i32
        %dma_wait3A_201 = tpu.memref_slice %arg11[%dma_wait3A_199, %dma_wait3A_200] : memref<10112x128xf32, #tpu.memory_space<vmem_shared>> -> memref<10112x128xf32, #tpu.memory_space<vmem_shared>>
        tpu.wait_indirect_dma semaphore(%run_scoped3A_189 : memref<!tpu.dma_semaphore, #tpu.memory_space<semaphore_mem>>) src(%arg10 : memref<80x128xf32, #tpu.memory_space<vmem>>) dst(%dma_wait3A_201 : memref<10112x128xf32, #tpu.memory_space<vmem_shared>>)
        tpu.yield
      }) : () -> ()
      %lt3A = arith.constant 61 : i32
      %lt3A_187 = arith.cmpi slt, %scan3A_86, %lt3A : i32
      %convert_element_type3A = arith.extui %lt3A_187 : i1 to i32
      %cond3A = arith.constant 0 : i32
      %cond3A_188 = arith.cmpi ne, %convert_element_type3A, %cond3A : i32
      scf.if %cond3A_188 {
        %mul3A_189 = arith.constant 2 : i32
        %mul3A_190 = arith.muli %mul3A_189, %scan3A_86 : i32
        %add3A_191 = arith.constant 3 : i32
        %add3A_192 = arith.addi %mul3A_190, %add3A_191 : i32
        %mul3A_193 = arith.constant 80 : i32
        %mul3A_194 = arith.muli %add3A_192, %mul3A_193 : i32
        %add3A_195 = arith.addi %mul3A_4, %mul3A_194 : i32
        %multiple_of3A_196 = tpu.assume_multiple %add3A_195, 8 : i32
        %dma_start3A_197 = arith.constant 1 : i32
        %dma_start3A_198 = arith.constant 0 : i32
        %dma_start3A_199 = tpu.memref_slice %arg7[%dma_start3A_197, %dma_start3A_198] : memref<2x80xi32, #tpu.memory_space<vmem>> -> memref<1x80xi32, #tpu.memory_space<vmem>>
        %dma_start3A_200 = tpu.memref_squeeze %dma_start3A_199 : memref<1x80xi32, #tpu.memory_space<vmem>> -> memref<80xi32, #tpu.memory_space<vmem>>
        %dma_start3A_201 = tpu.memref_slice %arg3[%multiple_of3A_196] : memref<320000xi32, #tpu.memory_space<hbm>> -> memref<80xi32, #tpu.memory_space<hbm>>
        %dma_start3A_202 = arith.constant 0 : i32
        %dma_start3A_203 = tpu.memref_slice %arg7[%dma_start3A_197, %dma_start3A_202] : memref<2x80xi32, #tpu.memory_space<vmem>> -> memref<1x80xi32, #tpu.memory_space<vmem>>
        %dma_start3A_204 = tpu.memref_squeeze %dma_start3A_203 : memref<1x80xi32, #tpu.memory_space<vmem>> -> memref<80xi32, #tpu.memory_space<vmem>>
        %dma_start3A_205 = tpu.memref_slice %arg3[%multiple_of3A_196] : memref<320000xi32, #tpu.memory_space<hbm>> -> memref<80xi32, #tpu.memory_space<hbm>>
        tpu.enqueue_dma source(%dma_start3A_205 : memref<80xi32, #tpu.memory_space<hbm>>) target(%dma_start3A_204 : memref<80xi32, #tpu.memory_space<vmem>>) target_semaphore(%arg13 : memref<!tpu.dma_semaphore, #tpu.memory_space<semaphore_mem>>)
        %dma_start3A_206 = arith.constant 1 : i32
        %dma_start3A_207 = arith.constant 0 : i32
        %dma_start3A_208 = tpu.memref_slice %arg8[%dma_start3A_206, %dma_start3A_207] : memref<2x80xi32, #tpu.memory_space<vmem>> -> memref<1x80xi32, #tpu.memory_space<vmem>>
        %dma_start3A_209 = tpu.memref_squeeze %dma_start3A_208 : memref<1x80xi32, #tpu.memory_space<vmem>> -> memref<80xi32, #tpu.memory_space<vmem>>
        %dma_start3A_210 = tpu.memref_slice %arg4[%multiple_of3A_196] : memref<320000xi32, #tpu.memory_space<hbm>> -> memref<80xi32, #tpu.memory_space<hbm>>
        %dma_start3A_211 = arith.constant 0 : i32
        %dma_start3A_212 = tpu.memref_slice %arg8[%dma_start3A_206, %dma_start3A_211] : memref<2x80xi32, #tpu.memory_space<vmem>> -> memref<1x80xi32, #tpu.memory_space<vmem>>
        %dma_start3A_213 = tpu.memref_squeeze %dma_start3A_212 : memref<1x80xi32, #tpu.memory_space<vmem>> -> memref<80xi32, #tpu.memory_space<vmem>>
        %dma_start3A_214 = tpu.memref_slice %arg4[%multiple_of3A_196] : memref<320000xi32, #tpu.memory_space<hbm>> -> memref<80xi32, #tpu.memory_space<hbm>>
        tpu.enqueue_dma source(%dma_start3A_214 : memref<80xi32, #tpu.memory_space<hbm>>) target(%dma_start3A_213 : memref<80xi32, #tpu.memory_space<vmem>>) target_semaphore(%arg13 : memref<!tpu.dma_semaphore, #tpu.memory_space<semaphore_mem>>)
      } else {
      }
    }
    %scan3A_77 = arith.constant 62 : i32
    %dma_wait3A_78 = arith.constant 0 : i32
    %dma_wait3A_79 = arith.constant 0 : i32
    %dma_wait3A_80 = tpu.memref_slice %arg7[%dma_wait3A_78, %dma_wait3A_79] : memref<2x80xi32, #tpu.memory_space<vmem>> -> memref<1x80xi32, #tpu.memory_space<vmem>>
    %dma_wait3A_81 = tpu.memref_squeeze %dma_wait3A_80 : memref<1x80xi32, #tpu.memory_space<vmem>> -> memref<80xi32, #tpu.memory_space<vmem>>
    %dma_wait3A_82 = arith.constant 0 : i32
    %dma_wait3A_83 = arith.constant 0 : i32
    %dma_wait3A_84 = tpu.memref_slice %arg2[%dma_wait3A_82, %dma_wait3A_83] : memref<10112x128xf32, #tpu.memory_space<hbm>> -> memref<10112x128xf32, #tpu.memory_space<hbm>>
    tpu.wait_indirect_dma semaphore(%arg14 : memref<!tpu.dma_semaphore, #tpu.memory_space<semaphore_mem>>) src(%dma_wait3A_84 : memref<10112x128xf32, #tpu.memory_space<hbm>>) dst(%arg9 : memref<80x128xf32, #tpu.memory_space<vmem>>)
    %run_scoped3A = arith.constant 0 : i32
    "tpu.region"() ({
      %run_scoped3A_86 = tpu.sem_alloc : memref<!tpu.dma_semaphore, #tpu.memory_space<semaphore_mem>>
      %dma_start3A_87 = arith.constant 0 : i32
      %dma_start3A_88 = tpu.memref_slice %arg8[%run_scoped3A, %dma_start3A_87] : memref<2x80xi32, #tpu.memory_space<vmem>> -> memref<1x80xi32, #tpu.memory_space<vmem>>
      %dma_start3A_89 = tpu.memref_squeeze %dma_start3A_88 : memref<1x80xi32, #tpu.memory_space<vmem>> -> memref<80xi32, #tpu.memory_space<vmem>>
      %dma_start3A_90 = arith.constant 0 : i32
      %dma_start3A_91 = arith.constant 0 : i32
      %dma_start3A_92 = tpu.memref_slice %arg11[%dma_start3A_90, %dma_start3A_91] : memref<10112x128xf32, #tpu.memory_space<vmem_shared>> -> memref<10112x128xf32, #tpu.memory_space<vmem_shared>>
      tpu.enqueue_indirect_dma source(%arg9 : memref<80x128xf32, #tpu.memory_space<vmem>>) target(%dma_start3A_92 : memref<10112x128xf32, #tpu.memory_space<vmem_shared>>) offsets(%dma_start3A_89 : memref<80xi32, #tpu.memory_space<vmem>>) semaphore(%run_scoped3A_86 : memref<!tpu.dma_semaphore, #tpu.memory_space<semaphore_mem>>) {add = true}
      %dma_wait3A_93 = arith.constant 0 : i32
      %dma_wait3A_94 = tpu.memref_slice %arg8[%run_scoped3A, %dma_wait3A_93] : memref<2x80xi32, #tpu.memory_space<vmem>> -> memref<1x80xi32, #tpu.memory_space<vmem>>
      %dma_wait3A_95 = tpu.memref_squeeze %dma_wait3A_94 : memref<1x80xi32, #tpu.memory_space<vmem>> -> memref<80xi32, #tpu.memory_space<vmem>>
      %dma_wait3A_96 = arith.constant 0 : i32
      %dma_wait3A_97 = arith.constant 0 : i32
      %dma_wait3A_98 = tpu.memref_slice %arg11[%dma_wait3A_96, %dma_wait3A_97] : memref<10112x128xf32, #tpu.memory_space<vmem_shared>> -> memref<10112x128xf32, #tpu.memory_space<vmem_shared>>
      tpu.wait_indirect_dma semaphore(%run_scoped3A_86 : memref<!tpu.dma_semaphore, #tpu.memory_space<semaphore_mem>>) src(%arg9 : memref<80x128xf32, #tpu.memory_space<vmem>>) dst(%dma_wait3A_98 : memref<10112x128xf32, #tpu.memory_space<vmem_shared>>)
      tpu.yield
    }) : () -> ()
    %barrier3A_85 = arith.constant 0 : index
    tpu.barrier barrier_id(%barrier3A_85)
    "tpu.region"() ({
      %run_scoped3A_86 = tpu.sem_alloc : memref<!tpu.dma_semaphore, #tpu.memory_space<semaphore_mem>>
      %dma_start3A_87 = arith.constant 0 : i32
      %dma_start3A_88 = tpu.memref_slice %arg6[%arg0, %mul3A_2, %dma_start3A_87] : memref<2x10112x128xf32, #tpu.memory_space<hbm>> -> memref<1x632x128xf32, #tpu.memory_space<hbm>>
      %dma_start3A_89 = tpu.memref_squeeze %dma_start3A_88 : memref<1x632x128xf32, #tpu.memory_space<hbm>> -> memref<632x128xf32, #tpu.memory_space<hbm>>
      %dma_start3A_90 = arith.constant 0 : i32
      %dma_start3A_91 = tpu.memref_slice %arg11[%mul3A_2, %dma_start3A_90] : memref<10112x128xf32, #tpu.memory_space<vmem_shared>> -> memref<632x128xf32, #tpu.memory_space<vmem_shared>>
      tpu.enqueue_dma source(%dma_start3A_91 : memref<632x128xf32, #tpu.memory_space<vmem_shared>>) target(%dma_start3A_89 : memref<632x128xf32, #tpu.memory_space<hbm>>) target_semaphore(%run_scoped3A_86 : memref<!tpu.dma_semaphore, #tpu.memory_space<semaphore_mem>>)
      %dma_wait3A_92 = arith.constant 0 : i32
      %dma_wait3A_93 = tpu.memref_slice %arg6[%arg0, %mul3A_2, %dma_wait3A_92] : memref<2x10112x128xf32, #tpu.memory_space<hbm>> -> memref<1x632x128xf32, #tpu.memory_space<hbm>>
      %dma_wait3A_94 = tpu.memref_squeeze %dma_wait3A_93 : memref<1x632x128xf32, #tpu.memory_space<hbm>> -> memref<632x128xf32, #tpu.memory_space<hbm>>
      %dma_wait3A_95 = arith.constant 0 : i32
      %dma_wait3A_96 = tpu.memref_slice %arg11[%mul3A_2, %dma_wait3A_95] : memref<10112x128xf32, #tpu.memory_space<vmem_shared>> -> memref<632x128xf32, #tpu.memory_space<vmem_shared>>
      tpu.wait_dma2 semaphore(%run_scoped3A_86 : memref<!tpu.dma_semaphore, #tpu.memory_space<semaphore_mem>>) src(%dma_wait3A_96 : memref<632x128xf32, #tpu.memory_space<vmem_shared>>) dst(%dma_wait3A_94 : memref<632x128xf32, #tpu.memory_space<hbm>>)
      tpu.yield
    }) : () -> ()
    return
  }
}

module attributes {stable_mosaic.version = 14 : i64} {
  func.func @body(%arg0: i32, %arg1: memref<632x128xf32, #tpu.memory_space<vmem>>, %arg2: memref<128x128xf32, #tpu.memory_space<vmem>>, %arg3: memref<2x632x128xf32, #tpu.memory_space<vmem>>, %arg4: memref<632x128xf32, #tpu.memory_space<vmem>>) attributes {dimension_semantics = [#tpu.dimension_semantics<arbitrary>], iteration_bounds = array<i64: 16>, scalar_prefetch = 0 : i64, scratch_operands = 0 : i64, tpu.core_type = #tpu.core_type<tc>, window_params = [{transform_indices = @transform_0, window_bounds = array<i64: 632, 128>}, {pipeline_mode = #tpu.pipeline_mode<synchronous>, transform_indices = @transform_1, window_bounds = array<i64: 128, 128>}, {transform_indices = @transform_2, window_bounds = array<i64: 2, 632, 128>}, {transform_indices = @transform_3, window_bounds = array<i64: 632, 128>}]} {
    %get3A = arith.constant 0 : index
    %get3A_0 = arith.constant 0 : index
    %get3A_1 = arith.constant 0 : index
    %get3A_2 = vector.load %arg3[%get3A, %get3A_0, %get3A_1] : memref<2x632x128xf32, #tpu.memory_space<vmem>>, vector<2x632x128xf32>
    %slice3A = vector.extract_strided_slice %get3A_2 {offsets = [0, 0, 0], sizes = [1, 632, 128], strides = [1, 1, 1]} : vector<2x632x128xf32> to vector<1x632x128xf32>
    %squeeze3A = vector.shape_cast %slice3A : vector<1x632x128xf32> to vector<632x128xf32>
    %slice3A_3 = vector.extract_strided_slice %get3A_2 {offsets = [1, 0, 0], sizes = [1, 632, 128], strides = [1, 1, 1]} : vector<2x632x128xf32> to vector<1x632x128xf32>
    %squeeze3A_4 = vector.shape_cast %slice3A_3 : vector<1x632x128xf32> to vector<632x128xf32>
    %add3A = arith.addf %squeeze3A, %squeeze3A_4 : vector<632x128xf32>
    %slice3A_5 = vector.extract_strided_slice %add3A {offsets = [0, 0], sizes = [632, 1], strides = [1, 1]} : vector<632x128xf32> to vector<632x1xf32>
    %max3A = arith.constant 1.000000e+00 : f32
    %max3A_6 = vector.broadcast %max3A : f32 to vector<632x1xf32>
    %max3A_7 = arith.maximumf %slice3A_5, %max3A_6 : vector<632x1xf32>
    %rsqrt3A = math.rsqrt %max3A_7 : vector<632x1xf32>
    %get3A_8 = arith.constant 0 : index
    %get3A_9 = arith.constant 0 : index
    %get3A_10 = vector.load %arg1[%get3A_8, %get3A_9] : memref<632x128xf32, #tpu.memory_space<vmem>>, vector<632x128xf32>
    %get3A_11 = arith.constant 0 : index
    %get3A_12 = arith.constant 0 : index
    %get3A_13 = vector.load %arg2[%get3A_11, %get3A_12] : memref<128x128xf32, #tpu.memory_space<vmem>>, vector<128x128xf32>
    %dot_general3A = arith.constant dense<0.000000e+00> : vector<632x128xf32>
    %dot_general3A_14 = tpu.matmul %get3A_10, %get3A_13, %dot_general3A {dimension_numbers = #tpu.dot_dimension_numbers<[1], [0], [0], [1], [0, 0, 1, 1], [], []>, transpose_lhs_hint = false} : vector<632x128xf32>, vector<128x128xf32>, vector<632x128xf32> -> vector<632x128xf32>
    %mul3A = vector.broadcast %rsqrt3A : vector<632x1xf32> to vector<632x128xf32>
    %mul3A_15 = arith.mulf %dot_general3A_14, %mul3A : vector<632x128xf32>
    %swap3A = arith.constant 0 : index
    %swap3A_16 = arith.constant 0 : index
    %swap3A_17 = vector.load %arg4[%swap3A, %swap3A_16] : memref<632x128xf32, #tpu.memory_space<vmem>>, vector<632x128xf32>
    tpu.vector_store %arg4[%swap3A, %swap3A_16], %mul3A_15 {strides = array<i32>} : memref<632x128xf32, #tpu.memory_space<vmem>>, vector<632x128xf32>,
    return
  }
  func.func @transform_0(%arg0: i32) -> (i32, i32) {
    %c0_i32 = arith.constant 0 : i32
    %c0_i32_0 = arith.constant 0 : i32
    return %arg0, %c0_i32 : i32, i32
  }
  func.func @transform_1(%arg0: i32) -> (i32, i32) {
    %c0_i32 = arith.constant 0 : i32
    %c0_i32_0 = arith.constant 0 : i32
    %c0_i32_1 = arith.constant 0 : i32
    return %c0_i32, %c0_i32_0 : i32, i32
  }
  func.func @transform_2(%arg0: i32) -> (i32, i32, i32) {
    %c0_i32 = arith.constant 0 : i32
    %c0_i32_0 = arith.constant 0 : i32
    %c0_i32_1 = arith.constant 0 : i32
    return %c0_i32, %arg0, %c0_i32_0 : i32, i32, i32
  }
  func.func @transform_3(%arg0: i32) -> (i32, i32) {
    %c0_i32 = arith.constant 0 : i32
    %c0_i32_0 = arith.constant 0 : i32
    return %arg0, %c0_i32 : i32, i32
  }
}

module attributes {stable_mosaic.version = 14 : i64} {
  func.func @body(%arg0: i32, %arg1: memref<2x632x128xf32, #tpu.memory_space<vmem>>, %arg2: memref<2x632x128xf32, #tpu.memory_space<vmem>>, %arg3: memref<1x128xf32, #tpu.memory_space<vmem>>, %arg4: memref<128x128xf32, #tpu.memory_space<vmem>>, %arg5: memref<632x128xf32, #tpu.memory_space<vmem>>) attributes {dimension_semantics = [#tpu.dimension_semantics<arbitrary>], iteration_bounds = array<i64: 16>, scalar_prefetch = 0 : i64, scratch_operands = 0 : i64, tpu.core_type = #tpu.core_type<tc>, window_params = [{transform_indices = @transform_0, window_bounds = array<i64: 2, 632, 128>}, {transform_indices = @transform_1, window_bounds = array<i64: 2, 632, 128>}, {pipeline_mode = #tpu.pipeline_mode<synchronous>, transform_indices = @transform_2, window_bounds = array<i64: 1, 128>}, {pipeline_mode = #tpu.pipeline_mode<synchronous>, transform_indices = @transform_3, window_bounds = array<i64: 128, 128>}, {transform_indices = @transform_4, window_bounds = array<i64: 632, 128>}]} {
    %get3A = arith.constant 0 : index
    %get3A_0 = arith.constant 0 : index
    %get3A_1 = arith.constant 0 : index
    %get3A_2 = vector.load %arg1[%get3A, %get3A_0, %get3A_1] : memref<2x632x128xf32, #tpu.memory_space<vmem>>, vector<1x632x128xf32>
    %get3A_3 = vector.shape_cast %get3A_2 : vector<1x632x128xf32> to vector<632x128xf32>
    %get3A_4 = arith.constant 1 : index
    %get3A_5 = arith.constant 0 : index
    %get3A_6 = arith.constant 0 : index
    %get3A_7 = vector.load %arg1[%get3A_4, %get3A_5, %get3A_6] : memref<2x632x128xf32, #tpu.memory_space<vmem>>, vector<1x632x128xf32>
    %get3A_8 = vector.shape_cast %get3A_7 : vector<1x632x128xf32> to vector<632x128xf32>
    %add3A = arith.addf %get3A_3, %get3A_8 : vector<632x128xf32>
    %get3A_9 = arith.constant 0 : index
    %get3A_10 = arith.constant 0 : index
    %get3A_11 = arith.constant 0 : index
    %get3A_12 = vector.load %arg2[%get3A_9, %get3A_10, %get3A_11] : memref<2x632x128xf32, #tpu.memory_space<vmem>>, vector<2x632x128xf32>
    %slice3A = vector.extract_strided_slice %get3A_12 {offsets = [0, 0, 0], sizes = [1, 632, 128], strides = [1, 1, 1]} : vector<2x632x128xf32> to vector<1x632x128xf32>
    %squeeze3A = vector.shape_cast %slice3A : vector<1x632x128xf32> to vector<632x128xf32>
    %slice3A_13 = vector.extract_strided_slice %get3A_12 {offsets = [1, 0, 0], sizes = [1, 632, 128], strides = [1, 1, 1]} : vector<2x632x128xf32> to vector<1x632x128xf32>
    %squeeze3A_14 = vector.shape_cast %slice3A_13 : vector<1x632x128xf32> to vector<632x128xf32>
    %add3A_15 = arith.addf %squeeze3A, %squeeze3A_14 : vector<632x128xf32>
    %slice3A_16 = vector.extract_strided_slice %add3A_15 {offsets = [0, 0], sizes = [632, 1], strides = [1, 1]} : vector<632x128xf32> to vector<632x1xf32>
    %max3A = arith.constant 1.000000e+00 : f32
    %max3A_17 = vector.broadcast %max3A : f32 to vector<632x1xf32>
    %max3A_18 = arith.maximumf %slice3A_16, %max3A_17 : vector<632x1xf32>
    %rsqrt3A = math.rsqrt %max3A_18 : vector<632x1xf32>
    %slice3A_19 = vector.extract_strided_slice %add3A_15 {offsets = [0, 64], sizes = [632, 1], strides = [1, 1]} : vector<632x128xf32> to vector<632x1xf32>
    %max3A_20 = arith.constant 1.000000e+00 : f32
    %max3A_21 = vector.broadcast %max3A_20 : f32 to vector<632x1xf32>
    %max3A_22 = arith.maximumf %slice3A_19, %max3A_21 : vector<632x1xf32>
    %rsqrt3A_23 = math.rsqrt %max3A_22 : vector<632x1xf32>
    %mul3A = vector.broadcast %rsqrt3A_23 : vector<632x1xf32> to vector<632x128xf32>
    %mul3A_24 = arith.mulf %add3A, %mul3A : vector<632x128xf32>
    %get3A_25 = arith.constant 0 : index
    %get3A_26 = arith.constant 0 : index
    %get3A_27 = vector.load %arg3[%get3A_25, %get3A_26] : memref<1x128xf32, #tpu.memory_space<vmem>>, vector<1x128xf32>
    %add3A_28 = vector.broadcast %get3A_27 : vector<1x128xf32> to vector<632x128xf32>
    %add3A_29 = arith.addf %mul3A_24, %add3A_28 : vector<632x128xf32>
    %max3A_30 = arith.constant 0.000000e+00 : f32
    %max3A_31 = vector.broadcast %max3A_30 : f32 to vector<632x128xf32>
    %max3A_32 = arith.maximumf %add3A_29, %max3A_31 : vector<632x128xf32>
    %get3A_33 = arith.constant 0 : index
    %get3A_34 = arith.constant 0 : index
    %get3A_35 = vector.load %arg4[%get3A_33, %get3A_34] : memref<128x128xf32, #tpu.memory_space<vmem>>, vector<128x128xf32>
    %dot_general3A = arith.constant dense<0.000000e+00> : vector<632x128xf32>
    %dot_general3A_36 = tpu.matmul %max3A_32, %get3A_35, %dot_general3A {dimension_numbers = #tpu.dot_dimension_numbers<[1], [0], [0], [1], [0, 0, 1, 1], [], []>, transpose_lhs_hint = false} : vector<632x128xf32>, vector<128x128xf32>, vector<632x128xf32> -> vector<632x128xf32>
    %mul3A_37 = vector.broadcast %rsqrt3A : vector<632x1xf32> to vector<632x128xf32>
    %mul3A_38 = arith.mulf %dot_general3A_36, %mul3A_37 : vector<632x128xf32>
    %swap3A = arith.constant 0 : index
    %swap3A_39 = arith.constant 0 : index
    %swap3A_40 = vector.load %arg5[%swap3A, %swap3A_39] : memref<632x128xf32, #tpu.memory_space<vmem>>, vector<632x128xf32>
    tpu.vector_store %arg5[%swap3A, %swap3A_39], %mul3A_38 {strides = array<i32>} : memref<632x128xf32, #tpu.memory_space<vmem>>, vector<632x128xf32>,
    return
  }
  func.func @transform_0(%arg0: i32) -> (i32, i32, i32) {
    %c0_i32 = arith.constant 0 : i32
    %c0_i32_0 = arith.constant 0 : i32
    %c0_i32_1 = arith.constant 0 : i32
    return %c0_i32, %arg0, %c0_i32_0 : i32, i32, i32
  }
  func.func @transform_1(%arg0: i32) -> (i32, i32, i32) {
    %c0_i32 = arith.constant 0 : i32
    %c0_i32_0 = arith.constant 0 : i32
    %c0_i32_1 = arith.constant 0 : i32
    return %c0_i32, %arg0, %c0_i32_0 : i32, i32, i32
  }
  func.func @transform_2(%arg0: i32) -> (i32, i32) {
    %c0_i32 = arith.constant 0 : i32
    %c0_i32_0 = arith.constant 0 : i32
    %c0_i32_1 = arith.constant 0 : i32
    return %c0_i32, %c0_i32_0 : i32, i32
  }
  func.func @transform_3(%arg0: i32) -> (i32, i32) {
    %c0_i32 = arith.constant 0 : i32
    %c0_i32_0 = arith.constant 0 : i32
    %c0_i32_1 = arith.constant 0 : i32
    return %c0_i32, %c0_i32_0 : i32, i32
  }
  func.func @transform_4(%arg0: i32) -> (i32, i32) {
    %c0_i32 = arith.constant 0 : i32
    %c0_i32_0 = arith.constant 0 : i32
    return %arg0, %c0_i32 : i32, i32
  }
}

module attributes {stable_mosaic.version = 14 : i64} {
  func.func @body(%arg0: i32, %arg1: memref<2x632x128xf32, #tpu.memory_space<vmem>>, %arg2: memref<2x632x128xf32, #tpu.memory_space<vmem>>, %arg3: memref<1x128xf32, #tpu.memory_space<vmem>>, %arg4: memref<128x128xf32, #tpu.memory_space<vmem>>, %arg5: memref<1x128xf32, #tpu.memory_space<vmem>>, %arg6: memref<1x128xf32, #tpu.memory_space<vmem>>, %arg7: memref<1x128xf32, #tpu.memory_space<vmem>>) attributes {dimension_semantics = [#tpu.dimension_semantics<arbitrary>], iteration_bounds = array<i64: 16>, scalar_prefetch = 0 : i64, scratch_operands = 1 : i64, tpu.core_type = #tpu.core_type<tc>, window_params = [{transform_indices = @transform_0, window_bounds = array<i64: 2, 632, 128>}, {transform_indices = @transform_1, window_bounds = array<i64: 2, 632, 128>}, {pipeline_mode = #tpu.pipeline_mode<synchronous>, transform_indices = @transform_2, window_bounds = array<i64: 1, 128>}, {pipeline_mode = #tpu.pipeline_mode<synchronous>, transform_indices = @transform_3, window_bounds = array<i64: 128, 128>}, {pipeline_mode = #tpu.pipeline_mode<synchronous>, transform_indices = @transform_4, window_bounds = array<i64: 1, 128>}, {pipeline_mode = #tpu.pipeline_mode<synchronous>, transform_indices = @transform_5, window_bounds = array<i64: 1, 128>}]} {
    %get3A = arith.constant 0 : index
    %get3A_0 = arith.constant 0 : index
    %get3A_1 = arith.constant 0 : index
    %get3A_2 = vector.load %arg1[%get3A, %get3A_0, %get3A_1] : memref<2x632x128xf32, #tpu.memory_space<vmem>>, vector<1x632x128xf32>
    %get3A_3 = vector.shape_cast %get3A_2 : vector<1x632x128xf32> to vector<632x128xf32>
    %get3A_4 = arith.constant 1 : index
    %get3A_5 = arith.constant 0 : index
    %get3A_6 = arith.constant 0 : index
    %get3A_7 = vector.load %arg1[%get3A_4, %get3A_5, %get3A_6] : memref<2x632x128xf32, #tpu.memory_space<vmem>>, vector<1x632x128xf32>
    %get3A_8 = vector.shape_cast %get3A_7 : vector<1x632x128xf32> to vector<632x128xf32>
    %add3A = arith.addf %get3A_3, %get3A_8 : vector<632x128xf32>
    %get3A_9 = arith.constant 0 : index
    %get3A_10 = arith.constant 0 : index
    %get3A_11 = arith.constant 0 : index
    %get3A_12 = vector.load %arg2[%get3A_9, %get3A_10, %get3A_11] : memref<2x632x128xf32, #tpu.memory_space<vmem>>, vector<2x632x128xf32>
    %slice3A = vector.extract_strided_slice %get3A_12 {offsets = [0, 0, 0], sizes = [1, 632, 128], strides = [1, 1, 1]} : vector<2x632x128xf32> to vector<1x632x128xf32>
    %squeeze3A = vector.shape_cast %slice3A : vector<1x632x128xf32> to vector<632x128xf32>
    %slice3A_13 = vector.extract_strided_slice %get3A_12 {offsets = [1, 0, 0], sizes = [1, 632, 128], strides = [1, 1, 1]} : vector<2x632x128xf32> to vector<1x632x128xf32>
    %squeeze3A_14 = vector.shape_cast %slice3A_13 : vector<1x632x128xf32> to vector<632x128xf32>
    %add3A_15 = arith.addf %squeeze3A, %squeeze3A_14 : vector<632x128xf32>
    %slice3A_16 = vector.extract_strided_slice %add3A_15 {offsets = [0, 64], sizes = [632, 1], strides = [1, 1]} : vector<632x128xf32> to vector<632x1xf32>
    %max3A = arith.constant 1.000000e+00 : f32
    %max3A_17 = vector.broadcast %max3A : f32 to vector<632x1xf32>
    %max3A_18 = arith.maximumf %slice3A_16, %max3A_17 : vector<632x1xf32>
    %rsqrt3A = math.rsqrt %max3A_18 : vector<632x1xf32>
    %mul3A = vector.broadcast %rsqrt3A : vector<632x1xf32> to vector<632x128xf32>
    %mul3A_19 = arith.mulf %add3A, %mul3A : vector<632x128xf32>
    %get3A_20 = arith.constant 0 : index
    %get3A_21 = arith.constant 0 : index
    %get3A_22 = vector.load %arg3[%get3A_20, %get3A_21] : memref<1x128xf32, #tpu.memory_space<vmem>>, vector<1x128xf32>
    %add3A_23 = vector.broadcast %get3A_22 : vector<1x128xf32> to vector<632x128xf32>
    %add3A_24 = arith.addf %mul3A_19, %add3A_23 : vector<632x128xf32>
    %max3A_25 = arith.constant 0.000000e+00 : f32
    %max3A_26 = vector.broadcast %max3A_25 : f32 to vector<632x128xf32>
    %max3A_27 = arith.maximumf %add3A_24, %max3A_26 : vector<632x128xf32>
    %mul3A_28 = arith.constant 632 : i32
    %mul3A_29 = arith.muli %arg0, %mul3A_28 : i32
    %iota3A = tpu.iota {dimensions = array<i32: 0>} : vector<632x1xi32>
    %add3A_30 = vector.broadcast %mul3A_29 : i32 to vector<632x1xi32>
    %add3A_31 = arith.addi %add3A_30, %iota3A : vector<632x1xi32>
    %lt3A = arith.constant 10000 : i32
    %lt3A_32 = vector.broadcast %lt3A : i32 to vector<632x1xi32>
    %lt3A_33 = arith.cmpi slt, %add3A_31, %lt3A_32 : vector<632x1xi32>
    %jit3A = arith.constant 0.000000e+00 : f32
    %broadcast_in_dim3A = vector.shape_cast %lt3A_33 : vector<632x1xi1> to vector<632x1xi1>
    %broadcast_in_dim3A_34 = vector.broadcast %broadcast_in_dim3A : vector<632x1xi1> to vector<632x128xi1>
    %broadcast_in_dim3A_35 = vector.broadcast %jit3A : f32 to vector<632x128xf32>
    %select_n3A = arith.select %broadcast_in_dim3A_34, %max3A_27, %broadcast_in_dim3A_35 : vector<632x128xi1>, vector<632x128xf32>
    %reduce_sum3A = arith.constant dense<0.000000e+00> : vector<128xf32>
    %reduce_sum3A_36 = vector.multi_reduction <add>, %select_n3A, %reduce_sum3A [0] : vector<632x128xf32> to vector<128xf32>
    %broadcast_in_dim3A_37 = vector.shape_cast %reduce_sum3A_36 : vector<128xf32> to vector<1x128xf32>
    %eq3A = arith.constant 0 : i32
    %eq3A_38 = arith.cmpi eq, %arg0, %eq3A : i32
    %convert_element_type3A = arith.extui %eq3A_38 : i1 to i32
    %cond3A = arith.constant 0 : i32
    %cond3A_39 = arith.cmpi ne, %convert_element_type3A, %cond3A : i32
    scf.if %cond3A_39 {
      %swap3A = arith.constant 0 : index
      %swap3A_49 = arith.constant 0 : index
      %swap3A_50 = vector.load %arg7[%swap3A, %swap3A_49] : memref<1x128xf32, #tpu.memory_space<vmem>>, vector<1x128xf32>
      tpu.vector_store %arg7[%swap3A, %swap3A_49], %broadcast_in_dim3A_37 {strides = array<i32>} : memref<1x128xf32, #tpu.memory_space<vmem>>, vector<1x128xf32>,
    } else {
    }
    %gt3A = arith.constant 0 : i32
    %gt3A_40 = arith.cmpi sgt, %arg0, %gt3A : i32
    %convert_element_type3A_41 = arith.extui %gt3A_40 : i1 to i32
    %cond3A_42 = arith.constant 0 : i32
    %cond3A_43 = arith.cmpi ne, %convert_element_type3A_41, %cond3A_42 : i32
    scf.if %cond3A_43 {
      %get3A_49 = arith.constant 0 : index
      %get3A_50 = arith.constant 0 : index
      %get3A_51 = vector.load %arg7[%get3A_49, %get3A_50] : memref<1x128xf32, #tpu.memory_space<vmem>>, vector<1x128xf32>
      %add3A_52 = arith.addf %get3A_51, %broadcast_in_dim3A_37 : vector<1x128xf32>
      %swap3A = arith.constant 0 : index
      %swap3A_53 = arith.constant 0 : index
      %swap3A_54 = vector.load %arg7[%swap3A, %swap3A_53] : memref<1x128xf32, #tpu.memory_space<vmem>>, vector<1x128xf32>
      tpu.vector_store %arg7[%swap3A, %swap3A_53], %add3A_52 {strides = array<i32>} : memref<1x128xf32, #tpu.memory_space<vmem>>, vector<1x128xf32>,
    } else {
    }
    %eq3A_44 = arith.constant 15 : i32
    %eq3A_45 = arith.cmpi eq, %arg0, %eq3A_44 : i32
    %convert_element_type3A_46 = arith.extui %eq3A_45 : i1 to i32
    %cond3A_47 = arith.constant 0 : i32
    %cond3A_48 = arith.cmpi ne, %convert_element_type3A_46, %cond3A_47 : i32
    scf.if %cond3A_48 {
      %get3A_49 = arith.constant 0 : index
      %get3A_50 = arith.constant 0 : index
      %get3A_51 = vector.load %arg7[%get3A_49, %get3A_50] : memref<1x128xf32, #tpu.memory_space<vmem>>, vector<1x128xf32>
      %mul3A_52 = arith.constant 9.99999974E-5 : f32
      %mul3A_53 = vector.broadcast %mul3A_52 : f32 to vector<1x128xf32>
      %mul3A_54 = arith.mulf %get3A_51, %mul3A_53 : vector<1x128xf32>
      %get3A_55 = arith.constant 0 : index
      %get3A_56 = arith.constant 0 : index
      %get3A_57 = vector.load %arg4[%get3A_55, %get3A_56] : memref<128x128xf32, #tpu.memory_space<vmem>>, vector<128x128xf32>
      %dot_general3A = arith.constant dense<0.000000e+00> : vector<1x128xf32>
      %dot_general3A_58 = tpu.matmul %mul3A_54, %get3A_57, %dot_general3A {dimension_numbers = #tpu.dot_dimension_numbers<[1], [0], [0], [1], [0, 0, 1, 1], [], []>, transpose_lhs_hint = false} : vector<1x128xf32>, vector<128x128xf32>, vector<1x128xf32> -> vector<1x128xf32>
      %get3A_59 = arith.constant 0 : index
      %get3A_60 = arith.constant 0 : index
      %get3A_61 = vector.load %arg5[%get3A_59, %get3A_60] : memref<1x128xf32, #tpu.memory_space<vmem>>, vector<1x128xf32>
      %add3A_62 = arith.addf %dot_general3A_58, %get3A_61 : vector<1x128xf32>
      %max3A_63 = arith.constant 0.000000e+00 : f32
      %max3A_64 = vector.broadcast %max3A_63 : f32 to vector<1x128xf32>
      %max3A_65 = arith.maximumf %add3A_62, %max3A_64 : vector<1x128xf32>
      %swap3A = arith.constant 0 : index
      %swap3A_66 = arith.constant 0 : index
      %swap3A_67 = vector.load %arg6[%swap3A, %swap3A_66] : memref<1x128xf32, #tpu.memory_space<vmem>>, vector<1x128xf32>
      tpu.vector_store %arg6[%swap3A, %swap3A_66], %max3A_65 {strides = array<i32>} : memref<1x128xf32, #tpu.memory_space<vmem>>, vector<1x128xf32>,
    } else {
    }
    return
  }
  func.func @transform_0(%arg0: i32) -> (i32, i32, i32) {
    %c0_i32 = arith.constant 0 : i32
    %c0_i32_0 = arith.constant 0 : i32
    %c0_i32_1 = arith.constant 0 : i32
    return %c0_i32, %arg0, %c0_i32_0 : i32, i32, i32
  }
  func.func @transform_1(%arg0: i32) -> (i32, i32, i32) {
    %c0_i32 = arith.constant 0 : i32
    %c0_i32_0 = arith.constant 0 : i32
    %c0_i32_1 = arith.constant 0 : i32
    return %c0_i32, %arg0, %c0_i32_0 : i32, i32, i32
  }
  func.func @transform_2(%arg0: i32) -> (i32, i32) {
    %c0_i32 = arith.constant 0 : i32
    %c0_i32_0 = arith.constant 0 : i32
    %c0_i32_1 = arith.constant 0 : i32
    return %c0_i32, %c0_i32_0 : i32, i32
  }
  func.func @transform_3(%arg0: i32) -> (i32, i32) {
    %c0_i32 = arith.constant 0 : i32
    %c0_i32_0 = arith.constant 0 : i32
    %c0_i32_1 = arith.constant 0 : i32
    return %c0_i32, %c0_i32_0 : i32, i32
  }
  func.func @transform_4(%arg0: i32) -> (i32, i32) {
    %c0_i32 = arith.constant 0 : i32
    %c0_i32_0 = arith.constant 0 : i32
    %c0_i32_1 = arith.constant 0 : i32
    return %c0_i32, %c0_i32_0 : i32, i32
  }
  func.func @transform_5(%arg0: i32) -> (i32, i32) {
    %c0_i32 = arith.constant 0 : i32
    %c0_i32_0 = arith.constant 0 : i32
    %c0_i32_1 = arith.constant 0 : i32
    return %c0_i32, %c0_i32_0 : i32, i32
  }
}

</mosaic_0001>

<sc_bundles>
// kernel: kernel.11.cloned.1.call-start
scs
__scs_entry_jumppad:
0x0: {  	(pc) =	sbr.rel $0x88, $3  }
0x1: {  	(tag) =	ssettag $0x0;
	lr =	simm.s32 $0x1  }
0x2: {  	[smem:$0x3F99] =	sst lr;
	_ =	strace $0xD0000000  }
0x3: {  	_ = 	snop  }
0x4: {  	_ = 	snop  }
0x5: {  	_ = 	snop  }
0x6: {  	_ = 	snop  }
0x7: {  	_ = 	snop  }
__scs_overlays_trampoline_lowered:
0x8: {  	[smem:$0x3FA8] =	sst s0  }
0x9: {  	[smem:$0x3FA9] =	sst s1  }
0xa: {  	[smem:$0x3FAA] =	sst s2  }
0xb: {  	[smem:$0x3FAB] =	sst s3  }
0xc: {  	[smem:$0x3FAC] =	sst s4  }
0xd: {  	[smem:$0x3FAD] =	sst s5  }
0xe: {  	[smem:$0x3FAE] =	sst s6  }
0xf: {  	[smem:$0x3FAF] =	sst s7  }
0x10: {  	[smem:$0x3FB0] =	sst s8  }
0x11: {  	[smem:$0x3FB1] =	sst s9;
	s0 =	simm.s32 @!p0 $0x0  }
0x12: {  	s1 =	sld [smem:$0x3F97];
	s0 =	simm.s32 @p0 $0x1  }
0x13: {  	[smem:$0x3FB2] =	sst s0;
	s0 =	simm.s32 @!p1 $0x0  }
0x14: {  	s2 =	sld [smem:$0x3F96];
	s0 =	simm.s32 @p1 $0x1  }
0x15: {  	[smem:$0x3FB3] =	sst s0;
	s0 =	simm.s32 @!p2 $0x0  }
0x16: {  	s3 =	sld [smem:$0x3FDB];
	s0 =	simm.s32 @p2 $0x1  }
0x17: {  	s4 =	simm.s32 $0x1BF5;
	[smem:$0x3FB5] =	sst s0  }
0x18: {  	s0 =	sld [smem:$0x3F98];
	_ =	swait.ge [sflag:s4], $0x0  }
0x19: {  	s7 =	sld [smem:$0x3F99]  }
0x1a: {  	s8 =	sadd.s32 $0xFFFFE003, lr  }
0x1b: {  	s9 =	sadd.s32 $0xFFFFFEF7, lr;
	s5 =	simm.s32 $0xFFFFFFFF;
	p2 =	slt.u32 s8, $0xFFFFF086  }
0x1c: {  	p1 =	slt.u32 s9, $0xF7A;
	s5 =	simm.s32 @!p2 $0x0  }
0x1d: {  	s5 =	simm.s32 @p1 $0x1;
	p0 =	seq.s32 s7, s2  }
0x1e: {  	s7 =	smul.u32 @!p0 $0xF7A, s2;
	p2 =	seq.s32 @!p0 s5, $0x0  }
0x1f: {  	s9 =	smul.u32 $0xF7A, s1;
	s8 =	simm.s32 @!p0 $0x1BF5;
	p2 =	por !p2, p0  }
0x20: {  	[sflag:s8] =	ssyncset.s32 @!p0 $0xFFFFF086;
	s6 =	sadd.s32 @!p0 s3, s7;
	s7 =	simm.s32 @!p0 $0x108  }
0x21: {  	s3 =	sadd.s32 s3, s9;
	s6 =	sadd.s32 @!p0 $0x88, s6;
	s7 =	simm.s32 @p2 $0x1082  }
0x22: {  	[simem:s7], [sflag:s8] =	dma.local @!p0 [hbm:s6], $0xF7A  }
0x23: {  	s9 =	sor.u32 $0xD0000000, s2;
	s6 =	simm.s32 $0x108;
	_ =	swait.ge @!p0 [sflag:s8], $0x0  }
0x24: {  	s3 =	sadd.s32 $0x88, s3;
	s6 =	simm.s32 @!p1 $0x1082;
	[sflag:s4] =	ssyncset.s32 $0xFFFFF086  }
0x25: {  	[simem:s6], [sflag:s4] =	dma.local [hbm:s3], $0xF7A  }
0x26: {  	[smem:$0x3F99] =	sst s1;
	(tag) =	ssettag s2;
	_ =	strace s9  }
0x27: {  	s1 =	sld [smem:$0x3FA9]  }
0x28: {  	s2 =	sld [smem:$0x3FAA]  }
0x29: {  	s4 =	sld [smem:$0x3FAC]  }
0x2a: {  	p0 =	seq.s32 s5, $0x0;
	s5 =	sld [smem:$0x3FAD]  }
0x2b: {  	s6 =	sld [smem:$0x3FAE]  }
0x2c: {  	s7 =	sld [smem:$0x3FAF]  }
0x2d: {  	s3 =	simm.s32 $0x108;
	s8 =	sld [smem:$0x3FB0]  }
0x2e: {  	s3 =	simm.s32 @!p0 $0x1082;
	s9 =	sld [smem:$0x3FB1]  }
0x2f: {  	lr =	sadd.s32 s0, s3;
	s0 =	sld [smem:$0x3FA8]  }
0x30: {  	s3 =	sld [smem:$0x3FAB]  }
0x31: {  	[smem:$0x3FB4] =	sst s10  }
0x32: {  	s10 =	sld [smem:$0x3FB2];
	_ =	sdelay $0x3  }
0x33: {  	p0 =	seq.s32 s10, $0x1;
	s10 =	sld [smem:$0x3FB4];
	_ =	sdelay $0x3  }
0x34: {  	[smem:$0x3FB4] =	sst s10  }
0x35: {  	s10 =	sld [smem:$0x3FB3];
	_ =	sdelay $0x3  }
0x36: {  	p1 =	seq.s32 s10, $0x1;
	s10 =	sld [smem:$0x3FB4];
	_ =	sdelay $0x3  }
0x37: {  	[smem:$0x3FB4] =	sst s10  }
0x38: {  	s10 =	sld [smem:$0x3FB5]  }
0x39: {  	_ = 	snop;
	(pc) =	sbr.ind lr, $3  }
0x3a: {  	_ = 	snop  }
0x3b: {  	_ = 	snop  }
0x3c: {  	p2 =	seq.s32 s10, $0x1;
	s10 =	sld [smem:$0x3FB4]  }
0x3d: {  	_ =	shalt  }
0x3e: {  	_ =	shalt  }
0x3f: {  	_ =	shalt  }
0x40: {  	_ =	shalt  }
0x41: {  	_ =	shalt  }
0x42: {  	_ =	shalt  }
0x43: {  	_ =	shalt  }
0x44: {  	_ =	shalt  }
0x45: {  	_ =	shalt  }
0x46: {  	_ =	shalt  }
0x47: {  	_ =	shalt  }
0x48: {  	_ =	shalt  }
0x49: {  	_ =	shalt  }
0x4a: {  	_ =	shalt  }
0x4b: {  	_ =	shalt  }
0x4c: {  	_ =	shalt  }
0x4d: {  	_ =	shalt  }
0x4e: {  	_ =	shalt  }
0x4f: {  	_ =	shalt  }
0x50: {  	_ =	shalt  }
0x51: {  	_ =	shalt  }
0x52: {  	_ =	shalt  }
0x53: {  	_ =	shalt  }
0x54: {  	_ =	shalt  }
0x55: {  	_ =	shalt  }
0x56: {  	_ =	shalt  }
0x57: {  	_ =	shalt  }
0x58: {  	_ =	shalt  }
0x59: {  	_ =	shalt  }
0x5a: {  	_ =	shalt  }
0x5b: {  	_ =	shalt  }
0x5c: {  	_ =	shalt  }
0x5d: {  	_ =	shalt  }
0x5e: {  	_ =	shalt  }
0x5f: {  	_ =	shalt  }
0x60: {  	_ =	shalt  }
0x61: {  	_ =	shalt  }
0x62: {  	_ =	shalt  }
0x63: {  	_ =	shalt  }
0x64: {  	_ =	shalt  }
0x65: {  	_ =	shalt  }
0x66: {  	_ =	shalt  }
0x67: {  	_ =	shalt  }
0x68: {  	_ =	shalt  }
0x69: {  	_ =	shalt  }
0x6a: {  	_ =	shalt  }
0x6b: {  	_ =	shalt  }
0x6c: {  	_ =	shalt  }
0x6d: {  	_ =	shalt  }
0x6e: {  	_ =	shalt  }
0x6f: {  	_ =	shalt  }
0x70: {  	_ =	shalt  }
0x71: {  	_ =	shalt  }
0x72: {  	_ =	shalt  }
0x73: {  	_ =	shalt  }
0x74: {  	_ =	shalt  }
0x75: {  	_ =	shalt  }
0x76: {  	_ =	shalt  }
0x77: {  	_ =	shalt  }
0x78: {  	_ =	shalt  }
0x79: {  	_ =	shalt  }
0x7a: {  	_ =	shalt  }
0x7b: {  	_ =	shalt  }
0x7c: {  	_ =	shalt  }
0x7d: {  	_ =	shalt  }
0x7e: {  	_ =	shalt  }
0x7f: {  	_ =	shalt  }
0x80: {  	_ =	shalt  }
0x81: {  	_ =	shalt  }
0x82: {  	_ =	shalt  }
0x83: {  	_ =	shalt  }
0x84: {  	_ =	shalt  }
0x85: {  	_ =	shalt  }
0x86: {  	_ =	shalt  }
0x87: {  	_ =	shalt  }
.Lfunc_end0:
.L_simem_size_0:
called_computation.1_lowered:
.L_overlay_start_0:
0x88: {  	s2 =	sld [smem:$0x3FD9]  }
0x89: {  	s3 =	sld [smem:$0x3FFE];
	_ =	sdelay $0x1  }
0x8a: {  	s1 =	srdreg.scid  }
0x8b: {  	s0 =	sand.u32 $0x1, s1  }
0x8c: {  	s16 =	sshll.u32 s0, $0xA;
	s2 =	sadd.s32 s3, s2  }
0x8d: {  	s2 =	sadd.s32 s2, s16  }
0x8e: {  	[smem:$0x3FC0] =	sst s2  }
0x8f: {  	_ = 	snop  }
0x90: {  	(tm) =	ssettm $0x1  }
0x91: {  	s17 =	sld [smem:$0x3FFB];
	_ =	sdelay $0x3  }
0x92: {  	_ =	strace s17  }
0x93: {  	s2 =	sld [smem:$0x3FFC];
	_ =	sdelay $0x3  }
0x94: {  	_ =	strace s2  }
0x95: {  	s2 =	sld [smem:$0x3FFD];
	_ =	sdelay $0x3  }
0x96: {  	_ =	strace s2  }
0x97: {  	_ =	strace $0x8FFFFFFF  }
0x98: {  	s18 =	sld [smem:$0x3FDB];
	_ =	sdelay $0x1  }
0x99: {  	s19 =	simm.s32 $_scs_section_size  }
0x9a: {  	s4 =	simm.s32 $_size__tile_overlayer_lowered;
	s5 =	simm.s32 $_tile_overlayer_lowered  }
0x9b: {  	s22 =	simm.s32 $0x1BFF;
	s21 =	sshll.u32 s5, $0x1;
	s2 =	sadd.s32 s19, s18  }
0x9c: {  	s6 =	simm.s32 $0x0;
	s20 =	sshll.u32 s4, $0x1;
	s4 =	sadd.s32 s21, s2  }
0x9d: {  	[timem:s6], [sflag:s22] =	dma.local [hbm:s4], s20  }
0x9e: {  	_ =	swait.ge [sflag:s22], s20  }
0x9f: {  	s3 =	ssub.s32 $0x0, s20;
	[sflag:s22] =	ssyncset.done $0x0  }
0xa0: {  	[sflag:s22] =	ssyncadd.s32 s3;
	_ =	sdelay $0x1  }
0xa1: {  	s23 =	simm.s32 $0x1B8B  }
0xa2: {  	_ =	swait.ge [sflag:s23], $0x1  }
0xa3: {  	[sflag:s23] =	ssyncset.done $0x0  }
0xa4: {  	s25 =	simm.s32 $0x1B8E;
	s24 =	sld [smem:$0x3FFE];
	[sflag:s23] =	ssyncadd.s32 $0xFFFFFFFF  }
0xa5: {  	s26 =	simm.s32 $execute0_lowered;
	[smem:$0x3FD2] =	sst s25  }
0xa6: {  	s4 =	sshll.u32 s26, $0x1;
	_ =	strace $0x80000049;
	[dreg:$0x1] =	wrdreg $0xFFFFFFFF  }
0xa7: {  	s28 =	simm.s32 $_size_execute0_lowered;
	s2 =	sadd.s32 s2, s4;
	[dreg:$0x0] =	wrdreg $0x0  }
0xa8: {  	s4 =	sshll.u32 s28, $0x1;
	[dreg:$0x2] =	wrdreg s2  }
0xa9: {  	[dreg:$0x3] =	wrdreg s4  }
0xaa: {  	[dreg:$0x4] =	wrdreg $0xC0  }
0xab: {  	_ =	task [dreg:s6], $0x5FFFF  }
0xac: {  	[dreg:$0x1] =	wrdreg $0xFFFFFFFF  }
0xad: {  	[dreg:$0x0] =	wrdreg $0x60  }
0xae: {  	[dreg:$0x2] =	wrdreg s24  }
0xaf: {  	[dreg:$0x3] =	wrdreg $0x52000  }
0xb0: {  	[dreg:$0x4] =	wrdreg $0x9  }
0xb1: {  	_ =	task.clear_ibuf [dreg:s6], $0x5FFFF;
	_ =	strace $0x90000049  }
0xb2: {  	s29 =	simm.s32 $0x9;
	_ =	strace $0x8000004B  }
0xb3: {  	_ =	swait.ge [sflag:s29], $0x1  }
0xb4: {  	[sflag:s29] =	ssyncadd.s32 $0xFFFFFFFF  }
0xb5: {  	_ =	strace $0x9000004B  }
0xb6: {  	_ =	sfence  }
0xb7: {  	s30 =	sld [smem:$0x0];
	_ =	sdelay $0x2  }
0xb8: {  	s31 =	sshll.u32 s1, $0xD;
	s1 =	sshrl.u32 s1, $0x2  }
0xb9: {  	s3 =	sand.u32 $0x4000, s31;
	s1 =	sadd.s32 s1, s30  }
0xba: {  	s0 =	sor.u32 s3, s0;
	s1 =	sshll.u32 s1, $0x11  }
0xbb: {  	s0 =	sor.u32 s1, s0  }
0xbc: {  	s0 =	sadd.s32 $0x8F2B, s0  }
0xbd: {  	[sflag:s0] =	ssyncadd.remote.s32 $0x1  }
0xbe: {  	_ =	sfence.sel $0xFFFF  }
0xbf: {  	[dreg:$0x0] =	wrdreg $0xFFFFFFFF;
	(pc) =	sbr.abs _section_cstart, $3  }
0xc0: {  	[dreg:$0x1] =	wrdreg $0xFFFFFFFF  }
0xc1: {  	_ =	task.clear_ibuf [dreg:s6], $0x2FFFF;
	_ =	strace $0x9FFFFFFF  }
0xc2: {  	(tm) =	ssettm $0x7FFFFFFF  }
0xc3: {  	_ =	shalt  }
tec
execute0_lowered:
.L_overlay_start_1:
0x0: {  	(tag) =	ssettag $0x1  }
0x1: {  	s0 =	rddreg [dreg:$0x0]  }
0x2: {  	s1 =	rddreg [dreg:$0x1]  }
0x3: {  	s2 =	srdreg.scid;
	s3 =	simm.s32 $0x0;
	s11 =	stileid.u32  }
0x4: {  	s28 =	simm.s32 $0x200;
	s29 =	simm.s32 $0x2;
	s30 =	simm.s32 $0x2A00  }
0x5: {  	s31 =	simm.s32 $0x3;
	s2 =	sand.u32 $0x1, s2;
	[smem:$0x7FF] =	sst s3  }
0x6: {  	s8 =	smul.u32 $0x13C00, s11;
	s4 =	sadd.s32 $0x68E00, s0;
	s5 =	sadd.s32 $0xCC00, s0  }
0x7: {  	s6 =	sadd.s32 $0x2E00, s0;
	s9 =	sadd.s32 $0x17600, s0;
	s18 =	smul.u32 $0x4F000, s11  }
0x8: {  	s17 =	sshll.u32 s11, $0x1;
	s20 =	smul.u32 $0x4E20, s11;
	s11 =	sshll.u32 s11, $0x6  }
0x9: {  	s7 =	smul.u32 $0x13C000, s2;
	_ =	strace $0x8000004A;
	s19 =	ssub.s32 $0x2, s2  }
0xa: {  	[dreg:$0x3] =	wrdreg s9;
	s10 =	sshrl.u32 s19, $0x1;
	s9 =	sshrl.u32 s18, $0x2  }
0xb: {  	s7 =	sadd.s32 s8, s7;
	s8 =	sor.u32 s2, s17;
	s2 =	smul.u32 $0x2710, s2  }
0xc: {  	s9 =	sadd.s32 s9, s1;
	s7 =	sshrl.u32 s7, $0x3;
	s8 =	smul.u32 $0x2710, s8  }
0xd: {  	s0 =	sadd.s32 s7, s0;
	s7 =	ssub.s32 s19, s10;
	s2 =	sadd.s32 s2, s20  }
0xe: {  	s20 =	sshrl.u32 s9, $0x3;
	s15 =	sshrl.u32 s8, $0x3;
	s8 =	sor.u32 $0x1C05, s11  }
0xf: {  	s13 =	sadd.s32 $0x90600, s0;
	s25 =	sadd.s32 $0xF0, s2;
	s14 =	smax.u32 s7, $0x1  }
0x10: {  	s19 =	sadd.s32 $0xA0, s2;
	s2 =	simm.s32 $0x0;
	s21 =	sadd.s32 s5, s15  }
0x11: {  	s12 =	sadd.s32 $0xA, s15;
	s22 =	sadd.s32 s6, s15;
	s26 =	sadd.s32 $0x4D8, s15  }
0x12: {  	s0 =	sshrl.u32 s25, $0x3;
	s25 =	simm.s32 $0x1;
	[dreg:$0x4] =	wrdreg s21  }
0x13: {  	[dreg:$0x5] =	wrdreg s22;
	s23 =	sadd.s32 s5, s12;
	s24 =	sadd.s32 s6, s12  }
0x14: {  	s15 =	sadd.s32 s5, s26;
	s16 =	sadd.s32 s6, s26;
	s17 =	sadd.s32 s0, s6  }
0x15: {  	s18 =	sadd.s32 s0, s5;
	s21 =	simm.s32 $0x5;
	s22 =	simm.s32 $0x100  }
0x16: {  	s26 =	simm.s32 $0x50;
	s0 =	simm.s32 $0x4;
	[dreg:$0x6] =	wrdreg s23  }
0x17: {  	[dreg:$0x7] =	wrdreg s24;
	s23 =	simm.s32 $0x80;
	s24 =	simm.s32 $0x180  }
.LBB2_1:
0x18: {  	s7 =	rddreg [dreg:$0x3]  }
0x19: {  	[spmem:s20], [sflag:s8] =	dma.local [hbm:s7], $0x2780  }
0x1a: {  	_ =	swait.ge [sflag:s21], $0x2780  }
0x1b: {  	[sflag:s21] =	ssyncset.done $0x0  }
0x1c: {  	[sflag:s21] =	ssyncadd.s32 $0xFFFFD880  }
0x1d: {  	[bflag:$0x0] =	sbarrier.arrive $0xFFFF  }
0x1e: {  	s11 =	rddreg [dreg:$0x4]  }
0x1f: {  	[tilespmem:s3], [sflag:$0x1] =	stream.linear.gather [hbm4b:s11+s3], $0x50, $0x38;
	[tilespmem:$0x18E00] =	vst v63  }
0x20: {  	s12 =	rddreg [dreg:$0x5]  }
0x21: {  	[tilespmem:s22], [sflag:$0x1] =	stream.linear.gather [hbm4b:s12+s3], $0x50, $0x38;
	[tilespmem:$0x18E00] =	vst v63  }
0x22: {  	s9 =	rddreg [dreg:$0x6]  }
0x23: {  	[tilespmem:s23], [sflag:$0x2] =	stream.linear.gather [hbm4b:s9+s3], $0x50, $0x38;
	[tilespmem:$0x18E00] =	vst v63  }
0x24: {  	s10 =	rddreg [dreg:$0x7]  }
0x25: {  	[tilespmem:s24], [sflag:$0x2] =	stream.linear.gather [hbm4b:s10+s3], $0x50, $0x38;
	[tilespmem:$0x18E00] =	vst v63  }
0x26: {  	_ =	swait.ge [sflag:s25], $0x50  }
0x27: {  	[sflag:s25] =	ssyncset.done $0x0  }
0x28: {  	[sflag:s25] =	ssyncadd.s32 $0xFFFFFFB0  }
0x29: {  	_ =	swait.ge [sflag:s25], $0x50  }
0x2a: {  	[sflag:s25] =	ssyncset.done $0x0  }
0x2b: {  	[sflag:s25] =	ssyncadd.s32 $0xFFFFFFB0  }
0x2c: {  	[tilespmem:s28], [sflag:$0x3] =	stream.indirect.gather [hbm4b:s4+s26], $0x80, s3, s26, $0xb8;
	[tilespmem:$0x18E00] =	vst v63  }
0x2d: {  	_ =	swait.ge [sflag:s29], $0x50  }
0x2e: {  	[sflag:s29] =	ssyncset.done $0x0  }
0x2f: {  	[sflag:s29] =	ssyncadd.s32 $0xFFFFFFB0  }
0x30: {  	_ =	swait.ge [sflag:s29], $0x50  }
0x31: {  	[sflag:s29] =	ssyncset.done $0x0  }
0x32: {  	[sflag:s29] =	ssyncadd.s32 $0xFFFFFFB0  }
0x33: {  	[tilespmem:s30], [sflag:$0x4] =	stream.indirect.gather [hbm4b:s4+s26], $0x80, s23, s26, $0xb8;
	[tilespmem:$0x18E00] =	vst v63  }
0x34: {  	_ =	swait.ge [sflag:s31], $0x2800  }
0x35: {  	[sflag:s31] =	ssyncset.done $0x0  }
0x36: {  	[sflag:s31] =	ssyncadd.s32 $0xFFFFD800  }
0x37: {  	[spmem:s1] =	stream.indirect.scatter.add.f32 [tilespmem:s28], [sflag:$0x5], $0x80, s22, s26, $0xb8;
	[tilespmem:$0x18E00] =	vst v63  }
0x38: {  	_ =	swait.ge [sflag:s21], $0x2800  }
0x39: {  	s11 =	sshrl.u32 s19, $0x3;
	[sflag:s21] =	ssyncset.done $0x0  }
0x3a: {  	s9 =	sadd.s32 s5, s11;
	[sflag:s21] =	ssyncadd.s32 $0xFFFFD800  }
0x3b: {  	[tilespmem:s3], [sflag:$0x1] =	stream.linear.gather [hbm4b:s9+s3], $0x50, $0x38;
	[tilespmem:$0x18E00] =	vst v63  }
0x3c: {  	s7 =	sadd.s32 s6, s11  }
0x3d: {  	[tilespmem:s22], [sflag:$0x1] =	stream.linear.gather [hbm4b:s7+s3], $0x50, $0x38;
	[tilespmem:$0x18E00] =	vst v63  }
0x3e: {  	_ =	swait.ge [sflag:s25], $0x50  }
0x3f: {  	[sflag:s25] =	ssyncset.done $0x0  }
0x40: {  	[sflag:s25] =	ssyncadd.s32 $0xFFFFFFB0  }
0x41: {  	_ =	swait.ge [sflag:s25], $0x50  }
0x42: {  	[sflag:s25] =	ssyncset.done $0x0  }
0x43: {  	[sflag:s25] =	ssyncadd.s32 $0xFFFFFFB0  }
0x44: {  	[tilespmem:s28], [sflag:$0x3] =	stream.indirect.gather [hbm4b:s4+s26], $0x80, s3, s26, $0xb8;
	[tilespmem:$0x18E00] =	vst v63  }
0x45: {  	_ =	swait.ge [sflag:s0], $0x2800  }
0x46: {  	[sflag:s0] =	ssyncset.done $0x0  }
0x47: {  	[sflag:s0] =	ssyncadd.s32 $0xFFFFD800  }
0x48: {  	[spmem:s1] =	stream.indirect.scatter.add.f32 [tilespmem:s30], [sflag:$0x5], $0x80, s24, s26, $0xb8;
	[tilespmem:$0x18E00] =	vst v63  }
0x49: {  	_ =	swait.ge [sflag:s21], $0x2800  }
0x4a: {  	s12 =	sadd.s32 $0x0, s18;
	s10 =	sadd.s32 $0x0, s17;
	[sflag:s21] =	ssyncset.done $0x0  }
0x4b: {  	s9 =	sadd.s32 $0xA0, s19;
	s7 =	simm.s32 $0x14;
	[sflag:s21] =	ssyncadd.s32 $0xFFFFD800  }
0x4c: {  	[tilespmem:s23], [sflag:$0x2] =	stream.linear.gather [hbm4b:s12+s3], $0x50, $0x38;
	[tilespmem:$0x18E00] =	vst v63  }
.LBB2_2:
0x4d: {  	[tilespmem:s24], [sflag:$0x2] =	stream.linear.gather [hbm4b:s10+s3], $0x50, $0x38;
	[tilespmem:$0x18E00] =	vst v63  }
0x4e: {  	s10 =	smov.u32 s7  }
0x4f: {  	p0 =	sne.s32 s7, $0x4B0;
	s7 =	sadd.s32 $0x14, s7;
	_ =	swait.ge [sflag:s29], $0x50  }
0x50: {  	[sflag:s29] =	ssyncset.done $0x0  }
0x51: {  	[sflag:s29] =	ssyncadd.s32 $0xFFFFFFB0  }
0x52: {  	_ =	swait.ge [sflag:s29], $0x50  }
0x53: {  	[sflag:s29] =	ssyncset.done $0x0  }
0x54: {  	[sflag:s29] =	ssyncadd.s32 $0xFFFFFFB0  }
0x55: {  	[tilespmem:s30], [sflag:$0x4] =	stream.indirect.gather [hbm4b:s4+s26], $0x80, s23, s26, $0xb8;
	[tilespmem:$0x18E00] =	vst v63  }
0x56: {  	_ =	swait.ge [sflag:s31], $0x2800  }
0x57: {  	[sflag:s31] =	ssyncset.done $0x0  }
0x58: {  	[sflag:s31] =	ssyncadd.s32 $0xFFFFD800  }
0x59: {  	[spmem:s1] =	stream.indirect.scatter.add.f32 [tilespmem:s28], [sflag:$0x5], $0x80, s22, s26, $0xb8;
	[tilespmem:$0x18E00] =	vst v63  }
0x5a: {  	_ =	swait.ge [sflag:s21], $0x2800  }
0x5b: {  	s11 =	sshrl.u32 s9, $0x3;
	[sflag:s21] =	ssyncset.done $0x0  }
0x5c: {  	s12 =	sadd.s32 s5, s11;
	[sflag:s21] =	ssyncadd.s32 $0xFFFFD800  }
0x5d: {  	[tilespmem:s3], [sflag:$0x1] =	stream.linear.gather [hbm4b:s12+s3], $0x50, $0x38;
	[tilespmem:$0x18E00] =	vst v63  }
0x5e: {  	s11 =	sadd.s32 s6, s11  }
0x5f: {  	[tilespmem:s22], [sflag:$0x1] =	stream.linear.gather [hbm4b:s11+s3], $0x50, $0x38;
	[tilespmem:$0x18E00] =	vst v63  }
0x60: {  	_ =	swait.ge [sflag:s25], $0x50  }
0x61: {  	[sflag:s25] =	ssyncset.done $0x0  }
0x62: {  	[sflag:s25] =	ssyncadd.s32 $0xFFFFFFB0  }
0x63: {  	_ =	swait.ge [sflag:s25], $0x50  }
0x64: {  	[sflag:s25] =	ssyncset.done $0x0  }
0x65: {  	[sflag:s25] =	ssyncadd.s32 $0xFFFFFFB0  }
0x66: {  	[tilespmem:s28], [sflag:$0x3] =	stream.indirect.gather [hbm4b:s4+s26], $0x80, s3, s26, $0xb8;
	[tilespmem:$0x18E00] =	vst v63  }
0x67: {  	_ =	swait.ge [sflag:s0], $0x2800  }
0x68: {  	[sflag:s0] =	ssyncset.done $0x0  }
0x69: {  	[sflag:s0] =	ssyncadd.s32 $0xFFFFD800  }
0x6a: {  	[spmem:s1] =	stream.indirect.scatter.add.f32 [tilespmem:s30], [sflag:$0x5], $0x80, s24, s26, $0xb8;
	[tilespmem:$0x18E00] =	vst v63  }
.Ltmp0:
0x6b: {  	_ =	swait.ge [sflag:s21], $0x2800;
	(pc) =	sbr.rel @p0 .LBB2_2-.Ltmp0, $4  }
0x6c: {  	[sflag:s21] =	ssyncset.done $0x0  }
0x6d: {  	s11 =	sadd.s32 s10, s18;
	[sflag:s21] =	ssyncadd.s32 $0xFFFFD800  }
0x6e: {  	[tilespmem:s23], [sflag:$0x2] =	stream.linear.gather [hbm4b:s11+s3], $0x50, $0x38;
	[tilespmem:$0x18E00] =	vst v63  }
0x6f: {  	s9 =	sadd.s32 $0xA0, s9;
	s10 =	sadd.s32 s10, s17  }
0x70: {  	[tilespmem:s24], [sflag:$0x2] =	stream.linear.gather [hbm4b:s10+s3], $0x50, $0x38;
	[tilespmem:$0x18E00] =	vst v63  }
0x71: {  	_ =	swait.ge [sflag:s29], $0x50  }
0x72: {  	[sflag:s29] =	ssyncset.done $0x0  }
0x73: {  	[sflag:s29] =	ssyncadd.s32 $0xFFFFFFB0  }
0x74: {  	_ =	swait.ge [sflag:s29], $0x50  }
0x75: {  	[sflag:s29] =	ssyncset.done $0x0  }
0x76: {  	[sflag:s29] =	ssyncadd.s32 $0xFFFFFFB0  }
0x77: {  	[tilespmem:s30], [sflag:$0x4] =	stream.indirect.gather [hbm4b:s4+s26], $0x80, s23, s26, $0xb8;
	[tilespmem:$0x18E00] =	vst v63  }
0x78: {  	_ =	swait.ge [sflag:s31], $0x2800  }
0x79: {  	[sflag:s31] =	ssyncset.done $0x0  }
0x7a: {  	[sflag:s31] =	ssyncadd.s32 $0xFFFFD800  }
0x7b: {  	[spmem:s1] =	stream.indirect.scatter.add.f32 [tilespmem:s28], [sflag:$0x5], $0x80, s22, s26, $0xb8;
	[tilespmem:$0x18E00] =	vst v63  }
0x7c: {  	_ =	swait.ge [sflag:s21], $0x2800  }
0x7d: {  	[sflag:s21] =	ssyncset.done $0x0  }
0x7e: {  	[sflag:s21] =	ssyncadd.s32 $0xFFFFD800  }
0x7f: {  	[tilespmem:s3], [sflag:$0x1] =	stream.linear.gather [hbm4b:s15+s3], $0x50, $0x38;
	[tilespmem:$0x18E00] =	vst v63  }
0x80: {  	_ = 	snop  }
0x81: {  	[tilespmem:s22], [sflag:$0x1] =	stream.linear.gather [hbm4b:s16+s3], $0x50, $0x38;
	[tilespmem:$0x18E00] =	vst v63  }
0x82: {  	_ =	swait.ge [sflag:s25], $0x50  }
0x83: {  	[sflag:s25] =	ssyncset.done $0x0  }
0x84: {  	[sflag:s25] =	ssyncadd.s32 $0xFFFFFFB0  }
0x85: {  	_ =	swait.ge [sflag:s25], $0x50  }
0x86: {  	[sflag:s25] =	ssyncset.done $0x0  }
0x87: {  	[sflag:s25] =	ssyncadd.s32 $0xFFFFFFB0  }
0x88: {  	[tilespmem:s28], [sflag:$0x3] =	stream.indirect.gather [hbm4b:s4+s26], $0x80, s3, s26, $0xb8;
	[tilespmem:$0x18E00] =	vst v63  }
0x89: {  	_ =	swait.ge [sflag:s0], $0x2800  }
0x8a: {  	[sflag:s0] =	ssyncset.done $0x0  }
0x8b: {  	[sflag:s0] =	ssyncadd.s32 $0xFFFFD800  }
0x8c: {  	[spmem:s1] =	stream.indirect.scatter.add.f32 [tilespmem:s30], [sflag:$0x5], $0x80, s24, s26, $0xb8;
	[tilespmem:$0x18E00] =	vst v63  }
0x8d: {  	_ =	swait.ge [sflag:s21], $0x2800  }
0x8e: {  	[sflag:s21] =	ssyncset.done $0x0  }
0x8f: {  	[sflag:s21] =	ssyncadd.s32 $0xFFFFD800  }
0x90: {  	_ =	swait.ge [sflag:s31], $0x2800  }
0x91: {  	[sflag:s31] =	ssyncset.done $0x0  }
0x92: {  	[sflag:s31] =	ssyncadd.s32 $0xFFFFD800  }
0x93: {  	[spmem:s1] =	stream.indirect.scatter.add.f32 [tilespmem:s28], [sflag:$0x5], $0x80, s22, s26, $0xb8;
	[tilespmem:$0x18E00] =	vst v63  }
0x94: {  	_ =	swait.ge [sflag:s21], $0x2800  }
0x95: {  	s2 =	sadd.s32 $0x1, s2;
	[sflag:s21] =	ssyncset.done $0x0  }
0x96: {  	p0 =	sne.s32 s2, s14;
	[sflag:s21] =	ssyncadd.s32 $0xFFFFD800  }
.Ltmp1:
0x97: {  	[bflag:$0x0] =	sbarrier.arrive $0xFFFF;
	(pc) =	sbr.rel @p0 .LBB2_1-.Ltmp1, $4  }
0x98: {  	[hbm:s13], [sflag:s8] =	dma.local [spmem:s20], $0x2780  }
0x99: {  	_ =	swait.ge [sflag:s21], $0x2780  }
0x9a: {  	[sflag:s21] =	ssyncset.done $0x0  }
0x9b: {  	[sflag:s21] =	ssyncadd.s32 $0xFFFFD880  }
0x9c: {  	_ =	sfence.sel $0x180000  }
0x9d: {  	[bflag:$0x0] =	sbarrier.arrive $0xFFFF  }
0x9e: {  	_ =	strace $0x9000004A  }
0x9f: {  	s0 =	stileid.u32;
	[bflag:$0x2] =	sbarrier.arrive $0xFFFF  }
0xa0: {  	p0 =	sne.s32 s0, $0x0;
	s0 =	rddreg [dreg:$0x2]  }
0xa1: {  	s0 =	sadd.s32 @!p0 $0x100000, s0  }
0xa2: {  	[sflag:s0] =	ssyncadd.tile.s32 @!p0 $0x1;
	_ =	shalt  }
.Lfunc_end2:
_tile_overlayer_lowered:
.L_overlay_start_2:
0xa3: {  	(tag) =	ssettag $0x2  }
0xa4: {  	s0 =	rddreg [dreg:$0x0];
	s2 =	stileid.u32  }
0xa5: {  	s1 =	rddreg [dreg:$0x1];
	p0 =	sne.s32 s2, $0x0  }
0xa6: {  	s3 =	rddreg [dreg:$0x2];
	[bflag:$0x3] =	sbarrier.arrive $0xFFFF;
	s2 =	simm.s32 @!p0 $0x1C05  }
0xa7: {  	[timem:s3], [sflag:s2] =	dma.local @!p0 [hbm:s0], s1  }
0xa8: {  	s0 =	simm.s32 @!p0 $0x5  }
0xa9: {  	_ =	swait.ge @!p0 [sflag:s0], s1  }
0xaa: {  	s1 =	ssub.s32 @!p0 $0x0, s1;
	[sflag:s0] =	ssyncset.done @!p0 $0x0  }
0xab: {  	[sflag:s0] =	ssyncadd.s32 @!p0 s1  }
0xac: {  	[bflag:$0x3] =	sbarrier.arrive $0xFFFF  }
0xad: {  	_ =	shalt  }

// kernel: kernel.14.cloned.1.call-start
scs
__scs_entry_jumppad:
0x0: {  	(pc) =	sbr.rel $0x88, $3  }
0x1: {  	(tag) =	ssettag $0x0;
	lr =	simm.s32 $0x1  }
0x2: {  	[smem:$0x3F99] =	sst lr;
	_ =	strace $0xD0000000  }
0x3: {  	_ = 	snop  }
0x4: {  	_ = 	snop  }
0x5: {  	_ = 	snop  }
0x6: {  	_ = 	snop  }
0x7: {  	_ = 	snop  }
__scs_overlays_trampoline_lowered:
0x8: {  	[smem:$0x3FA8] =	sst s0  }
0x9: {  	[smem:$0x3FA9] =	sst s1  }
0xa: {  	[smem:$0x3FAA] =	sst s2  }
0xb: {  	[smem:$0x3FAB] =	sst s3  }
0xc: {  	[smem:$0x3FAC] =	sst s4  }
0xd: {  	[smem:$0x3FAD] =	sst s5  }
0xe: {  	[smem:$0x3FAE] =	sst s6  }
0xf: {  	[smem:$0x3FAF] =	sst s7  }
0x10: {  	[smem:$0x3FB0] =	sst s8  }
0x11: {  	[smem:$0x3FB1] =	sst s9;
	s0 =	simm.s32 @!p0 $0x0  }
0x12: {  	s1 =	sld [smem:$0x3F97];
	s0 =	simm.s32 @p0 $0x1  }
0x13: {  	[smem:$0x3FB2] =	sst s0;
	s0 =	simm.s32 @!p1 $0x0  }
0x14: {  	s2 =	sld [smem:$0x3F96];
	s0 =	simm.s32 @p1 $0x1  }
0x15: {  	[smem:$0x3FB3] =	sst s0;
	s0 =	simm.s32 @!p2 $0x0  }
0x16: {  	s3 =	sld [smem:$0x3FDB];
	s0 =	simm.s32 @p2 $0x1  }
0x17: {  	s4 =	simm.s32 $0x1BF5;
	[smem:$0x3FB5] =	sst s0  }
0x18: {  	s0 =	sld [smem:$0x3F98];
	_ =	swait.ge [sflag:s4], $0x0  }
0x19: {  	s7 =	sld [smem:$0x3F99]  }
0x1a: {  	s8 =	sadd.s32 $0xFFFFE003, lr  }
0x1b: {  	s9 =	sadd.s32 $0xFFFFFEF7, lr;
	s5 =	simm.s32 $0xFFFFFFFF;
	p2 =	slt.u32 s8, $0xFFFFF086  }
0x1c: {  	p1 =	slt.u32 s9, $0xF7A;
	s5 =	simm.s32 @!p2 $0x0  }
0x1d: {  	s5 =	simm.s32 @p1 $0x1;
	p0 =	seq.s32 s7, s2  }
0x1e: {  	s7 =	smul.u32 @!p0 $0xF7A, s2;
	p2 =	seq.s32 @!p0 s5, $0x0  }
0x1f: {  	s9 =	smul.u32 $0xF7A, s1;
	s8 =	simm.s32 @!p0 $0x1BF5;
	p2 =	por !p2, p0  }
0x20: {  	[sflag:s8] =	ssyncset.s32 @!p0 $0xFFFFF086;
	s6 =	sadd.s32 @!p0 s3, s7;
	s7 =	simm.s32 @!p0 $0x108  }
0x21: {  	s3 =	sadd.s32 s3, s9;
	s6 =	sadd.s32 @!p0 $0x88, s6;
	s7 =	simm.s32 @p2 $0x1082  }
0x22: {  	[simem:s7], [sflag:s8] =	dma.local @!p0 [hbm:s6], $0xF7A  }
0x23: {  	s9 =	sor.u32 $0xD0000000, s2;
	s6 =	simm.s32 $0x108;
	_ =	swait.ge @!p0 [sflag:s8], $0x0  }
0x24: {  	s3 =	sadd.s32 $0x88, s3;
	s6 =	simm.s32 @!p1 $0x1082;
	[sflag:s4] =	ssyncset.s32 $0xFFFFF086  }
0x25: {  	[simem:s6], [sflag:s4] =	dma.local [hbm:s3], $0xF7A  }
0x26: {  	[smem:$0x3F99] =	sst s1;
	(tag) =	ssettag s2;
	_ =	strace s9  }
0x27: {  	s1 =	sld [smem:$0x3FA9]  }
0x28: {  	s2 =	sld [smem:$0x3FAA]  }
0x29: {  	s4 =	sld [smem:$0x3FAC]  }
0x2a: {  	p0 =	seq.s32 s5, $0x0;
	s5 =	sld [smem:$0x3FAD]  }
0x2b: {  	s6 =	sld [smem:$0x3FAE]  }
0x2c: {  	s7 =	sld [smem:$0x3FAF]  }
0x2d: {  	s3 =	simm.s32 $0x108;
	s8 =	sld [smem:$0x3FB0]  }
0x2e: {  	s3 =	simm.s32 @!p0 $0x1082;
	s9 =	sld [smem:$0x3FB1]  }
0x2f: {  	lr =	sadd.s32 s0, s3;
	s0 =	sld [smem:$0x3FA8]  }
0x30: {  	s3 =	sld [smem:$0x3FAB]  }
0x31: {  	[smem:$0x3FB4] =	sst s10  }
0x32: {  	s10 =	sld [smem:$0x3FB2];
	_ =	sdelay $0x3  }
0x33: {  	p0 =	seq.s32 s10, $0x1;
	s10 =	sld [smem:$0x3FB4];
	_ =	sdelay $0x3  }
0x34: {  	[smem:$0x3FB4] =	sst s10  }
0x35: {  	s10 =	sld [smem:$0x3FB3];
	_ =	sdelay $0x3  }
0x36: {  	p1 =	seq.s32 s10, $0x1;
	s10 =	sld [smem:$0x3FB4];
	_ =	sdelay $0x3  }
0x37: {  	[smem:$0x3FB4] =	sst s10  }
0x38: {  	s10 =	sld [smem:$0x3FB5]  }
0x39: {  	_ = 	snop;
	(pc) =	sbr.ind lr, $3  }
0x3a: {  	_ = 	snop  }
0x3b: {  	_ = 	snop  }
0x3c: {  	p2 =	seq.s32 s10, $0x1;
	s10 =	sld [smem:$0x3FB4]  }
0x3d: {  	_ =	shalt  }
0x3e: {  	_ =	shalt  }
0x3f: {  	_ =	shalt  }
0x40: {  	_ =	shalt  }
0x41: {  	_ =	shalt  }
0x42: {  	_ =	shalt  }
0x43: {  	_ =	shalt  }
0x44: {  	_ =	shalt  }
0x45: {  	_ =	shalt  }
0x46: {  	_ =	shalt  }
0x47: {  	_ =	shalt  }
0x48: {  	_ =	shalt  }
0x49: {  	_ =	shalt  }
0x4a: {  	_ =	shalt  }
0x4b: {  	_ =	shalt  }
0x4c: {  	_ =	shalt  }
0x4d: {  	_ =	shalt  }
0x4e: {  	_ =	shalt  }
0x4f: {  	_ =	shalt  }
0x50: {  	_ =	shalt  }
0x51: {  	_ =	shalt  }
0x52: {  	_ =	shalt  }
0x53: {  	_ =	shalt  }
0x54: {  	_ =	shalt  }
0x55: {  	_ =	shalt  }
0x56: {  	_ =	shalt  }
0x57: {  	_ =	shalt  }
0x58: {  	_ =	shalt  }
0x59: {  	_ =	shalt  }
0x5a: {  	_ =	shalt  }
0x5b: {  	_ =	shalt  }
0x5c: {  	_ =	shalt  }
0x5d: {  	_ =	shalt  }
0x5e: {  	_ =	shalt  }
0x5f: {  	_ =	shalt  }
0x60: {  	_ =	shalt  }
0x61: {  	_ =	shalt  }
0x62: {  	_ =	shalt  }
0x63: {  	_ =	shalt  }
0x64: {  	_ =	shalt  }
0x65: {  	_ =	shalt  }
0x66: {  	_ =	shalt  }
0x67: {  	_ =	shalt  }
0x68: {  	_ =	shalt  }
0x69: {  	_ =	shalt  }
0x6a: {  	_ =	shalt  }
0x6b: {  	_ =	shalt  }
0x6c: {  	_ =	shalt  }
0x6d: {  	_ =	shalt  }
0x6e: {  	_ =	shalt  }
0x6f: {  	_ =	shalt  }
0x70: {  	_ =	shalt  }
0x71: {  	_ =	shalt  }
0x72: {  	_ =	shalt  }
0x73: {  	_ =	shalt  }
0x74: {  	_ =	shalt  }
0x75: {  	_ =	shalt  }
0x76: {  	_ =	shalt  }
0x77: {  	_ =	shalt  }
0x78: {  	_ =	shalt  }
0x79: {  	_ =	shalt  }
0x7a: {  	_ =	shalt  }
0x7b: {  	_ =	shalt  }
0x7c: {  	_ =	shalt  }
0x7d: {  	_ =	shalt  }
0x7e: {  	_ =	shalt  }
0x7f: {  	_ =	shalt  }
0x80: {  	_ =	shalt  }
0x81: {  	_ =	shalt  }
0x82: {  	_ =	shalt  }
0x83: {  	_ =	shalt  }
0x84: {  	_ =	shalt  }
0x85: {  	_ =	shalt  }
0x86: {  	_ =	shalt  }
0x87: {  	_ =	shalt  }
.Lfunc_end0:
.L_simem_size_0:
called_computation.2_lowered:
.L_overlay_start_0:
0x88: {  	s2 =	sld [smem:$0x3FD9]  }
0x89: {  	s3 =	sld [smem:$0x3FFE];
	_ =	sdelay $0x1  }
0x8a: {  	s1 =	srdreg.scid  }
0x8b: {  	s0 =	sand.u32 $0x1, s1  }
0x8c: {  	s16 =	sshll.u32 s0, $0xA;
	s2 =	sadd.s32 s3, s2  }
0x8d: {  	s2 =	sadd.s32 s2, s16  }
0x8e: {  	[smem:$0x3FC0] =	sst s2  }
0x8f: {  	_ = 	snop  }
0x90: {  	(tm) =	ssettm $0x1  }
0x91: {  	s17 =	sld [smem:$0x3FFB];
	_ =	sdelay $0x3  }
0x92: {  	_ =	strace s17  }
0x93: {  	s2 =	sld [smem:$0x3FFC];
	_ =	sdelay $0x3  }
0x94: {  	_ =	strace s2  }
0x95: {  	s2 =	sld [smem:$0x3FFD];
	_ =	sdelay $0x3  }
0x96: {  	_ =	strace s2  }
0x97: {  	_ =	strace $0x8FFFFFFF  }
0x98: {  	s18 =	sld [smem:$0x3FDB];
	_ =	sdelay $0x1  }
0x99: {  	s19 =	simm.s32 $_scs_section_size  }
0x9a: {  	s4 =	simm.s32 $_size__tile_overlayer_lowered;
	s5 =	simm.s32 $_tile_overlayer_lowered  }
0x9b: {  	s22 =	simm.s32 $0x1BFF;
	s21 =	sshll.u32 s5, $0x1;
	s2 =	sadd.s32 s19, s18  }
0x9c: {  	s6 =	simm.s32 $0x0;
	s20 =	sshll.u32 s4, $0x1;
	s4 =	sadd.s32 s21, s2  }
0x9d: {  	[timem:s6], [sflag:s22] =	dma.local [hbm:s4], s20  }
0x9e: {  	_ =	swait.ge [sflag:s22], s20  }
0x9f: {  	s3 =	ssub.s32 $0x0, s20;
	[sflag:s22] =	ssyncset.done $0x0  }
0xa0: {  	[sflag:s22] =	ssyncadd.s32 s3;
	_ =	sdelay $0x1  }
0xa1: {  	s23 =	simm.s32 $0x1B8B  }
0xa2: {  	_ =	swait.ge [sflag:s23], $0x1  }
0xa3: {  	[sflag:s23] =	ssyncset.done $0x0  }
0xa4: {  	s25 =	simm.s32 $0x1B8E;
	s24 =	sld [smem:$0x3FFE];
	[sflag:s23] =	ssyncadd.s32 $0xFFFFFFFF  }
0xa5: {  	s26 =	simm.s32 $execute0_lowered;
	[smem:$0x3FD2] =	sst s25  }
0xa6: {  	s4 =	sshll.u32 s26, $0x1;
	_ =	strace $0x8000004C;
	[dreg:$0x1] =	wrdreg $0xFFFFFFFF  }
0xa7: {  	s28 =	simm.s32 $_size_execute0_lowered;
	s2 =	sadd.s32 s2, s4;
	[dreg:$0x0] =	wrdreg $0x0  }
0xa8: {  	s4 =	sshll.u32 s28, $0x1;
	[dreg:$0x2] =	wrdreg s2  }
0xa9: {  	[dreg:$0x3] =	wrdreg s4  }
0xaa: {  	[dreg:$0x4] =	wrdreg $0xC0  }
0xab: {  	_ =	task [dreg:s6], $0x5FFFF  }
0xac: {  	[dreg:$0x1] =	wrdreg $0xFFFFFFFF  }
0xad: {  	[dreg:$0x0] =	wrdreg $0x60  }
0xae: {  	[dreg:$0x2] =	wrdreg s24  }
0xaf: {  	[dreg:$0x3] =	wrdreg $0x52000  }
0xb0: {  	[dreg:$0x4] =	wrdreg $0x9  }
0xb1: {  	_ =	task.clear_ibuf [dreg:s6], $0x5FFFF;
	_ =	strace $0x9000004C  }
0xb2: {  	s29 =	simm.s32 $0x9;
	_ =	strace $0x8000004E  }
0xb3: {  	_ =	swait.ge [sflag:s29], $0x1  }
0xb4: {  	[sflag:s29] =	ssyncadd.s32 $0xFFFFFFFF  }
0xb5: {  	_ =	strace $0x9000004E  }
0xb6: {  	_ =	sfence  }
0xb7: {  	s30 =	sld [smem:$0x0];
	_ =	sdelay $0x2  }
0xb8: {  	s31 =	sshll.u32 s1, $0xD;
	s1 =	sshrl.u32 s1, $0x2  }
0xb9: {  	s3 =	sand.u32 $0x4000, s31;
	s1 =	sadd.s32 s1, s30  }
0xba: {  	s0 =	sor.u32 s3, s0;
	s1 =	sshll.u32 s1, $0x11  }
0xbb: {  	s0 =	sor.u32 s1, s0  }
0xbc: {  	s0 =	sadd.s32 $0x8F2B, s0  }
0xbd: {  	[sflag:s0] =	ssyncadd.remote.s32 $0x1  }
0xbe: {  	_ =	sfence.sel $0xFFFF  }
0xbf: {  	[dreg:$0x0] =	wrdreg $0xFFFFFFFF;
	(pc) =	sbr.abs _section_cstart, $3  }
0xc0: {  	[dreg:$0x1] =	wrdreg $0xFFFFFFFF  }
0xc1: {  	_ =	task.clear_ibuf [dreg:s6], $0x2FFFF;
	_ =	strace $0x9FFFFFFF  }
0xc2: {  	(tm) =	ssettm $0x7FFFFFFF  }
0xc3: {  	_ =	shalt  }
tec
execute0_lowered:
.L_overlay_start_1:
0x0: {  	(tag) =	ssettag $0x1  }
0x1: {  	s0 =	rddreg [dreg:$0x0]  }
0x2: {  	s1 =	rddreg [dreg:$0x1]  }
0x3: {  	s2 =	srdreg.scid;
	s3 =	simm.s32 $0x0;
	s11 =	stileid.u32  }
0x4: {  	s28 =	simm.s32 $0x200;
	s29 =	simm.s32 $0x2;
	s30 =	simm.s32 $0x2A00  }
0x5: {  	s31 =	simm.s32 $0x3;
	s2 =	sand.u32 $0x1, s2;
	[smem:$0x7FF] =	sst s3  }
0x6: {  	s8 =	smul.u32 $0x13C00, s11;
	s4 =	sadd.s32 $0x68E00, s0;
	s5 =	sadd.s32 $0xCC00, s0  }
0x7: {  	s6 =	sadd.s32 $0x2E00, s0;
	s9 =	sadd.s32 $0x17600, s0;
	s18 =	smul.u32 $0x4F000, s11  }
0x8: {  	s17 =	sshll.u32 s11, $0x1;
	s20 =	smul.u32 $0x4E20, s11;
	s11 =	sshll.u32 s11, $0x6  }
0x9: {  	s7 =	smul.u32 $0x13C000, s2;
	_ =	strace $0x8000004D;
	s19 =	ssub.s32 $0x2, s2  }
0xa: {  	[dreg:$0x3] =	wrdreg s9;
	s10 =	sshrl.u32 s19, $0x1;
	s9 =	sshrl.u32 s18, $0x2  }
0xb: {  	s7 =	sadd.s32 s8, s7;
	s8 =	sor.u32 s2, s17;
	s2 =	smul.u32 $0x2710, s2  }
0xc: {  	s9 =	sadd.s32 s9, s1;
	s7 =	sshrl.u32 s7, $0x3;
	s8 =	smul.u32 $0x2710, s8  }
0xd: {  	s0 =	sadd.s32 s7, s0;
	s7 =	ssub.s32 s19, s10;
	s2 =	sadd.s32 s2, s20  }
0xe: {  	s20 =	sshrl.u32 s9, $0x3;
	s15 =	sshrl.u32 s8, $0x3;
	s8 =	sor.u32 $0x1C05, s11  }
0xf: {  	s13 =	sadd.s32 $0x90600, s0;
	s25 =	sadd.s32 $0xF0, s2;
	s14 =	smax.u32 s7, $0x1  }
0x10: {  	s19 =	sadd.s32 $0xA0, s2;
	s2 =	simm.s32 $0x0;
	s21 =	sadd.s32 s5, s15  }
0x11: {  	s12 =	sadd.s32 $0xA, s15;
	s22 =	sadd.s32 s6, s15;
	s26 =	sadd.s32 $0x4D8, s15  }
0x12: {  	s0 =	sshrl.u32 s25, $0x3;
	s25 =	simm.s32 $0x1;
	[dreg:$0x4] =	wrdreg s21  }
0x13: {  	[dreg:$0x5] =	wrdreg s22;
	s23 =	sadd.s32 s5, s12;
	s24 =	sadd.s32 s6, s12  }
0x14: {  	s15 =	sadd.s32 s5, s26;
	s16 =	sadd.s32 s6, s26;
	s17 =	sadd.s32 s0, s6  }
0x15: {  	s18 =	sadd.s32 s0, s5;
	s21 =	simm.s32 $0x5;
	s22 =	simm.s32 $0x100  }
0x16: {  	s26 =	simm.s32 $0x50;
	s0 =	simm.s32 $0x4;
	[dreg:$0x6] =	wrdreg s23  }
0x17: {  	[dreg:$0x7] =	wrdreg s24;
	s23 =	simm.s32 $0x80;
	s24 =	simm.s32 $0x180  }
.LBB2_1:
0x18: {  	s7 =	rddreg [dreg:$0x3]  }
0x19: {  	[spmem:s20], [sflag:s8] =	dma.local [hbm:s7], $0x2780  }
0x1a: {  	_ =	swait.ge [sflag:s21], $0x2780  }
0x1b: {  	[sflag:s21] =	ssyncset.done $0x0  }
0x1c: {  	[sflag:s21] =	ssyncadd.s32 $0xFFFFD880  }
0x1d: {  	[bflag:$0x0] =	sbarrier.arrive $0xFFFF  }
0x1e: {  	s11 =	rddreg [dreg:$0x4]  }
0x1f: {  	[tilespmem:s3], [sflag:$0x1] =	stream.linear.gather [hbm4b:s11+s3], $0x50, $0x38;
	[tilespmem:$0x18E00] =	vst v63  }
0x20: {  	s12 =	rddreg [dreg:$0x5]  }
0x21: {  	[tilespmem:s22], [sflag:$0x1] =	stream.linear.gather [hbm4b:s12+s3], $0x50, $0x38;
	[tilespmem:$0x18E00] =	vst v63  }
0x22: {  	s9 =	rddreg [dreg:$0x6]  }
0x23: {  	[tilespmem:s23], [sflag:$0x2] =	stream.linear.gather [hbm4b:s9+s3], $0x50, $0x38;
	[tilespmem:$0x18E00] =	vst v63  }
0x24: {  	s10 =	rddreg [dreg:$0x7]  }
0x25: {  	[tilespmem:s24], [sflag:$0x2] =	stream.linear.gather [hbm4b:s10+s3], $0x50, $0x38;
	[tilespmem:$0x18E00] =	vst v63  }
0x26: {  	_ =	swait.ge [sflag:s25], $0x50  }
0x27: {  	[sflag:s25] =	ssyncset.done $0x0  }
0x28: {  	[sflag:s25] =	ssyncadd.s32 $0xFFFFFFB0  }
0x29: {  	_ =	swait.ge [sflag:s25], $0x50  }
0x2a: {  	[sflag:s25] =	ssyncset.done $0x0  }
0x2b: {  	[sflag:s25] =	ssyncadd.s32 $0xFFFFFFB0  }
0x2c: {  	[tilespmem:s28], [sflag:$0x3] =	stream.indirect.gather [hbm4b:s4+s26], $0x80, s3, s26, $0xb8;
	[tilespmem:$0x18E00] =	vst v63  }
0x2d: {  	_ =	swait.ge [sflag:s29], $0x50  }
0x2e: {  	[sflag:s29] =	ssyncset.done $0x0  }
0x2f: {  	[sflag:s29] =	ssyncadd.s32 $0xFFFFFFB0  }
0x30: {  	_ =	swait.ge [sflag:s29], $0x50  }
0x31: {  	[sflag:s29] =	ssyncset.done $0x0  }
0x32: {  	[sflag:s29] =	ssyncadd.s32 $0xFFFFFFB0  }
0x33: {  	[tilespmem:s30], [sflag:$0x4] =	stream.indirect.gather [hbm4b:s4+s26], $0x80, s23, s26, $0xb8;
	[tilespmem:$0x18E00] =	vst v63  }
0x34: {  	_ =	swait.ge [sflag:s31], $0x2800  }
0x35: {  	[sflag:s31] =	ssyncset.done $0x0  }
0x36: {  	[sflag:s31] =	ssyncadd.s32 $0xFFFFD800  }
0x37: {  	[spmem:s1] =	stream.indirect.scatter.add.f32 [tilespmem:s28], [sflag:$0x5], $0x80, s22, s26, $0xb8;
	[tilespmem:$0x18E00] =	vst v63  }
0x38: {  	_ =	swait.ge [sflag:s21], $0x2800  }
0x39: {  	s11 =	sshrl.u32 s19, $0x3;
	[sflag:s21] =	ssyncset.done $0x0  }
0x3a: {  	s9 =	sadd.s32 s5, s11;
	[sflag:s21] =	ssyncadd.s32 $0xFFFFD800  }
0x3b: {  	[tilespmem:s3], [sflag:$0x1] =	stream.linear.gather [hbm4b:s9+s3], $0x50, $0x38;
	[tilespmem:$0x18E00] =	vst v63  }
0x3c: {  	s7 =	sadd.s32 s6, s11  }
0x3d: {  	[tilespmem:s22], [sflag:$0x1] =	stream.linear.gather [hbm4b:s7+s3], $0x50, $0x38;
	[tilespmem:$0x18E00] =	vst v63  }
0x3e: {  	_ =	swait.ge [sflag:s25], $0x50  }
0x3f: {  	[sflag:s25] =	ssyncset.done $0x0  }
0x40: {  	[sflag:s25] =	ssyncadd.s32 $0xFFFFFFB0  }
0x41: {  	_ =	swait.ge [sflag:s25], $0x50  }
0x42: {  	[sflag:s25] =	ssyncset.done $0x0  }
0x43: {  	[sflag:s25] =	ssyncadd.s32 $0xFFFFFFB0  }
0x44: {  	[tilespmem:s28], [sflag:$0x3] =	stream.indirect.gather [hbm4b:s4+s26], $0x80, s3, s26, $0xb8;
	[tilespmem:$0x18E00] =	vst v63  }
0x45: {  	_ =	swait.ge [sflag:s0], $0x2800  }
0x46: {  	[sflag:s0] =	ssyncset.done $0x0  }
0x47: {  	[sflag:s0] =	ssyncadd.s32 $0xFFFFD800  }
0x48: {  	[spmem:s1] =	stream.indirect.scatter.add.f32 [tilespmem:s30], [sflag:$0x5], $0x80, s24, s26, $0xb8;
	[tilespmem:$0x18E00] =	vst v63  }
0x49: {  	_ =	swait.ge [sflag:s21], $0x2800  }
0x4a: {  	s12 =	sadd.s32 $0x0, s18;
	s10 =	sadd.s32 $0x0, s17;
	[sflag:s21] =	ssyncset.done $0x0  }
0x4b: {  	s9 =	sadd.s32 $0xA0, s19;
	s7 =	simm.s32 $0x14;
	[sflag:s21] =	ssyncadd.s32 $0xFFFFD800  }
0x4c: {  	[tilespmem:s23], [sflag:$0x2] =	stream.linear.gather [hbm4b:s12+s3], $0x50, $0x38;
	[tilespmem:$0x18E00] =	vst v63  }
.LBB2_2:
0x4d: {  	[tilespmem:s24], [sflag:$0x2] =	stream.linear.gather [hbm4b:s10+s3], $0x50, $0x38;
	[tilespmem:$0x18E00] =	vst v63  }
0x4e: {  	s10 =	smov.u32 s7  }
0x4f: {  	p0 =	sne.s32 s7, $0x4B0;
	s7 =	sadd.s32 $0x14, s7;
	_ =	swait.ge [sflag:s29], $0x50  }
0x50: {  	[sflag:s29] =	ssyncset.done $0x0  }
0x51: {  	[sflag:s29] =	ssyncadd.s32 $0xFFFFFFB0  }
0x52: {  	_ =	swait.ge [sflag:s29], $0x50  }
0x53: {  	[sflag:s29] =	ssyncset.done $0x0  }
0x54: {  	[sflag:s29] =	ssyncadd.s32 $0xFFFFFFB0  }
0x55: {  	[tilespmem:s30], [sflag:$0x4] =	stream.indirect.gather [hbm4b:s4+s26], $0x80, s23, s26, $0xb8;
	[tilespmem:$0x18E00] =	vst v63  }
0x56: {  	_ =	swait.ge [sflag:s31], $0x2800  }
0x57: {  	[sflag:s31] =	ssyncset.done $0x0  }
0x58: {  	[sflag:s31] =	ssyncadd.s32 $0xFFFFD800  }
0x59: {  	[spmem:s1] =	stream.indirect.scatter.add.f32 [tilespmem:s28], [sflag:$0x5], $0x80, s22, s26, $0xb8;
	[tilespmem:$0x18E00] =	vst v63  }
0x5a: {  	_ =	swait.ge [sflag:s21], $0x2800  }
0x5b: {  	s11 =	sshrl.u32 s9, $0x3;
	[sflag:s21] =	ssyncset.done $0x0  }
0x5c: {  	s12 =	sadd.s32 s5, s11;
	[sflag:s21] =	ssyncadd.s32 $0xFFFFD800  }
0x5d: {  	[tilespmem:s3], [sflag:$0x1] =	stream.linear.gather [hbm4b:s12+s3], $0x50, $0x38;
	[tilespmem:$0x18E00] =	vst v63  }
0x5e: {  	s11 =	sadd.s32 s6, s11  }
0x5f: {  	[tilespmem:s22], [sflag:$0x1] =	stream.linear.gather [hbm4b:s11+s3], $0x50, $0x38;
	[tilespmem:$0x18E00] =	vst v63  }
0x60: {  	_ =	swait.ge [sflag:s25], $0x50  }
0x61: {  	[sflag:s25] =	ssyncset.done $0x0  }
0x62: {  	[sflag:s25] =	ssyncadd.s32 $0xFFFFFFB0  }
0x63: {  	_ =	swait.ge [sflag:s25], $0x50  }
0x64: {  	[sflag:s25] =	ssyncset.done $0x0  }
0x65: {  	[sflag:s25] =	ssyncadd.s32 $0xFFFFFFB0  }
0x66: {  	[tilespmem:s28], [sflag:$0x3] =	stream.indirect.gather [hbm4b:s4+s26], $0x80, s3, s26, $0xb8;
	[tilespmem:$0x18E00] =	vst v63  }
0x67: {  	_ =	swait.ge [sflag:s0], $0x2800  }
0x68: {  	[sflag:s0] =	ssyncset.done $0x0  }
0x69: {  	[sflag:s0] =	ssyncadd.s32 $0xFFFFD800  }
0x6a: {  	[spmem:s1] =	stream.indirect.scatter.add.f32 [tilespmem:s30], [sflag:$0x5], $0x80, s24, s26, $0xb8;
	[tilespmem:$0x18E00] =	vst v63  }
.Ltmp0:
0x6b: {  	_ =	swait.ge [sflag:s21], $0x2800;
	(pc) =	sbr.rel @p0 .LBB2_2-.Ltmp0, $4  }
0x6c: {  	[sflag:s21] =	ssyncset.done $0x0  }
0x6d: {  	s11 =	sadd.s32 s10, s18;
	[sflag:s21] =	ssyncadd.s32 $0xFFFFD800  }
0x6e: {  	[tilespmem:s23], [sflag:$0x2] =	stream.linear.gather [hbm4b:s11+s3], $0x50, $0x38;
	[tilespmem:$0x18E00] =	vst v63  }
0x6f: {  	s9 =	sadd.s32 $0xA0, s9;
	s10 =	sadd.s32 s10, s17  }
0x70: {  	[tilespmem:s24], [sflag:$0x2] =	stream.linear.gather [hbm4b:s10+s3], $0x50, $0x38;
	[tilespmem:$0x18E00] =	vst v63  }
0x71: {  	_ =	swait.ge [sflag:s29], $0x50  }
0x72: {  	[sflag:s29] =	ssyncset.done $0x0  }
0x73: {  	[sflag:s29] =	ssyncadd.s32 $0xFFFFFFB0  }
0x74: {  	_ =	swait.ge [sflag:s29], $0x50  }
0x75: {  	[sflag:s29] =	ssyncset.done $0x0  }
0x76: {  	[sflag:s29] =	ssyncadd.s32 $0xFFFFFFB0  }
0x77: {  	[tilespmem:s30], [sflag:$0x4] =	stream.indirect.gather [hbm4b:s4+s26], $0x80, s23, s26, $0xb8;
	[tilespmem:$0x18E00] =	vst v63  }
0x78: {  	_ =	swait.ge [sflag:s31], $0x2800  }
0x79: {  	[sflag:s31] =	ssyncset.done $0x0  }
0x7a: {  	[sflag:s31] =	ssyncadd.s32 $0xFFFFD800  }
0x7b: {  	[spmem:s1] =	stream.indirect.scatter.add.f32 [tilespmem:s28], [sflag:$0x5], $0x80, s22, s26, $0xb8;
	[tilespmem:$0x18E00] =	vst v63  }
0x7c: {  	_ =	swait.ge [sflag:s21], $0x2800  }
0x7d: {  	[sflag:s21] =	ssyncset.done $0x0  }
0x7e: {  	[sflag:s21] =	ssyncadd.s32 $0xFFFFD800  }
0x7f: {  	[tilespmem:s3], [sflag:$0x1] =	stream.linear.gather [hbm4b:s15+s3], $0x50, $0x38;
	[tilespmem:$0x18E00] =	vst v63  }
0x80: {  	_ = 	snop  }
0x81: {  	[tilespmem:s22], [sflag:$0x1] =	stream.linear.gather [hbm4b:s16+s3], $0x50, $0x38;
	[tilespmem:$0x18E00] =	vst v63  }
0x82: {  	_ =	swait.ge [sflag:s25], $0x50  }
0x83: {  	[sflag:s25] =	ssyncset.done $0x0  }
0x84: {  	[sflag:s25] =	ssyncadd.s32 $0xFFFFFFB0  }
0x85: {  	_ =	swait.ge [sflag:s25], $0x50  }
0x86: {  	[sflag:s25] =	ssyncset.done $0x0  }
0x87: {  	[sflag:s25] =	ssyncadd.s32 $0xFFFFFFB0  }
0x88: {  	[tilespmem:s28], [sflag:$0x3] =	stream.indirect.gather [hbm4b:s4+s26], $0x80, s3, s26, $0xb8;
	[tilespmem:$0x18E00] =	vst v63  }
0x89: {  	_ =	swait.ge [sflag:s0], $0x2800  }
0x8a: {  	[sflag:s0] =	ssyncset.done $0x0  }
0x8b: {  	[sflag:s0] =	ssyncadd.s32 $0xFFFFD800  }
0x8c: {  	[spmem:s1] =	stream.indirect.scatter.add.f32 [tilespmem:s30], [sflag:$0x5], $0x80, s24, s26, $0xb8;
	[tilespmem:$0x18E00] =	vst v63  }
0x8d: {  	_ =	swait.ge [sflag:s21], $0x2800  }
0x8e: {  	[sflag:s21] =	ssyncset.done $0x0  }
0x8f: {  	[sflag:s21] =	ssyncadd.s32 $0xFFFFD800  }
0x90: {  	_ =	swait.ge [sflag:s31], $0x2800  }
0x91: {  	[sflag:s31] =	ssyncset.done $0x0  }
0x92: {  	[sflag:s31] =	ssyncadd.s32 $0xFFFFD800  }
0x93: {  	[spmem:s1] =	stream.indirect.scatter.add.f32 [tilespmem:s28], [sflag:$0x5], $0x80, s22, s26, $0xb8;
	[tilespmem:$0x18E00] =	vst v63  }
0x94: {  	_ =	swait.ge [sflag:s21], $0x2800  }
0x95: {  	s2 =	sadd.s32 $0x1, s2;
	[sflag:s21] =	ssyncset.done $0x0  }
0x96: {  	p0 =	sne.s32 s2, s14;
	[sflag:s21] =	ssyncadd.s32 $0xFFFFD800  }
.Ltmp1:
0x97: {  	[bflag:$0x0] =	sbarrier.arrive $0xFFFF;
	(pc) =	sbr.rel @p0 .LBB2_1-.Ltmp1, $4  }
0x98: {  	[hbm:s13], [sflag:s8] =	dma.local [spmem:s20], $0x2780  }
0x99: {  	_ =	swait.ge [sflag:s21], $0x2780  }
0x9a: {  	[sflag:s21] =	ssyncset.done $0x0  }
0x9b: {  	[sflag:s21] =	ssyncadd.s32 $0xFFFFD880  }
0x9c: {  	_ =	sfence.sel $0x180000  }
0x9d: {  	[bflag:$0x0] =	sbarrier.arrive $0xFFFF  }
0x9e: {  	_ =	strace $0x9000004D  }
0x9f: {  	s0 =	stileid.u32;
	[bflag:$0x2] =	sbarrier.arrive $0xFFFF  }
0xa0: {  	p0 =	sne.s32 s0, $0x0;
	s0 =	rddreg [dreg:$0x2]  }
0xa1: {  	s0 =	sadd.s32 @!p0 $0x100000, s0  }
0xa2: {  	[sflag:s0] =	ssyncadd.tile.s32 @!p0 $0x1;
	_ =	shalt  }
.Lfunc_end2:
_tile_overlayer_lowered:
.L_overlay_start_2:
0xa3: {  	(tag) =	ssettag $0x2  }
0xa4: {  	s0 =	rddreg [dreg:$0x0];
	s2 =	stileid.u32  }
0xa5: {  	s1 =	rddreg [dreg:$0x1];
	p0 =	sne.s32 s2, $0x0  }
0xa6: {  	s3 =	rddreg [dreg:$0x2];
	[bflag:$0x3] =	sbarrier.arrive $0xFFFF;
	s2 =	simm.s32 @!p0 $0x1C05  }
0xa7: {  	[timem:s3], [sflag:s2] =	dma.local @!p0 [hbm:s0], s1  }
0xa8: {  	s0 =	simm.s32 @!p0 $0x5  }
0xa9: {  	_ =	swait.ge @!p0 [sflag:s0], s1  }
0xaa: {  	s1 =	ssub.s32 @!p0 $0x0, s1;
	[sflag:s0] =	ssyncset.done @!p0 $0x0  }
0xab: {  	[sflag:s0] =	ssyncadd.s32 @!p0 s1  }
0xac: {  	[bflag:$0x3] =	sbarrier.arrive $0xFFFF  }
0xad: {  	_ =	shalt  }

// kernel: kernel.8.cloned.1.call-start
scs
__scs_entry_jumppad:
0x0: {  	(pc) =	sbr.rel $0x88, $3  }
0x1: {  	(tag) =	ssettag $0x0;
	lr =	simm.s32 $0x1  }
0x2: {  	[smem:$0x3F99] =	sst lr;
	_ =	strace $0xD0000000  }
0x3: {  	_ = 	snop  }
0x4: {  	_ = 	snop  }
0x5: {  	_ = 	snop  }
0x6: {  	_ = 	snop  }
0x7: {  	_ = 	snop  }
__scs_overlays_trampoline_lowered:
0x8: {  	[smem:$0x3FA8] =	sst s0  }
0x9: {  	[smem:$0x3FA9] =	sst s1  }
0xa: {  	[smem:$0x3FAA] =	sst s2  }
0xb: {  	[smem:$0x3FAB] =	sst s3  }
0xc: {  	[smem:$0x3FAC] =	sst s4  }
0xd: {  	[smem:$0x3FAD] =	sst s5  }
0xe: {  	[smem:$0x3FAE] =	sst s6  }
0xf: {  	[smem:$0x3FAF] =	sst s7  }
0x10: {  	[smem:$0x3FB0] =	sst s8  }
0x11: {  	[smem:$0x3FB1] =	sst s9;
	s0 =	simm.s32 @!p0 $0x0  }
0x12: {  	s1 =	sld [smem:$0x3F97];
	s0 =	simm.s32 @p0 $0x1  }
0x13: {  	[smem:$0x3FB2] =	sst s0;
	s0 =	simm.s32 @!p1 $0x0  }
0x14: {  	s2 =	sld [smem:$0x3F96];
	s0 =	simm.s32 @p1 $0x1  }
0x15: {  	[smem:$0x3FB3] =	sst s0;
	s0 =	simm.s32 @!p2 $0x0  }
0x16: {  	s3 =	sld [smem:$0x3FDB];
	s0 =	simm.s32 @p2 $0x1  }
0x17: {  	s4 =	simm.s32 $0x1BF5;
	[smem:$0x3FB5] =	sst s0  }
0x18: {  	s0 =	sld [smem:$0x3F98];
	_ =	swait.ge [sflag:s4], $0x0  }
0x19: {  	s7 =	sld [smem:$0x3F99]  }
0x1a: {  	s8 =	sadd.s32 $0xFFFFE003, lr  }
0x1b: {  	s9 =	sadd.s32 $0xFFFFFEF7, lr;
	s5 =	simm.s32 $0xFFFFFFFF;
	p2 =	slt.u32 s8, $0xFFFFF086  }
0x1c: {  	p1 =	slt.u32 s9, $0xF7A;
	s5 =	simm.s32 @!p2 $0x0  }
0x1d: {  	s5 =	simm.s32 @p1 $0x1;
	p0 =	seq.s32 s7, s2  }
0x1e: {  	s7 =	smul.u32 @!p0 $0xF7A, s2;
	p2 =	seq.s32 @!p0 s5, $0x0  }
0x1f: {  	s9 =	smul.u32 $0xF7A, s1;
	s8 =	simm.s32 @!p0 $0x1BF5;
	p2 =	por !p2, p0  }
0x20: {  	[sflag:s8] =	ssyncset.s32 @!p0 $0xFFFFF086;
	s6 =	sadd.s32 @!p0 s3, s7;
	s7 =	simm.s32 @!p0 $0x108  }
0x21: {  	s3 =	sadd.s32 s3, s9;
	s6 =	sadd.s32 @!p0 $0x88, s6;
	s7 =	simm.s32 @p2 $0x1082  }
0x22: {  	[simem:s7], [sflag:s8] =	dma.local @!p0 [hbm:s6], $0xF7A  }
0x23: {  	s9 =	sor.u32 $0xD0000000, s2;
	s6 =	simm.s32 $0x108;
	_ =	swait.ge @!p0 [sflag:s8], $0x0  }
0x24: {  	s3 =	sadd.s32 $0x88, s3;
	s6 =	simm.s32 @!p1 $0x1082;
	[sflag:s4] =	ssyncset.s32 $0xFFFFF086  }
0x25: {  	[simem:s6], [sflag:s4] =	dma.local [hbm:s3], $0xF7A  }
0x26: {  	[smem:$0x3F99] =	sst s1;
	(tag) =	ssettag s2;
	_ =	strace s9  }
0x27: {  	s1 =	sld [smem:$0x3FA9]  }
0x28: {  	s2 =	sld [smem:$0x3FAA]  }
0x29: {  	s4 =	sld [smem:$0x3FAC]  }
0x2a: {  	p0 =	seq.s32 s5, $0x0;
	s5 =	sld [smem:$0x3FAD]  }
0x2b: {  	s6 =	sld [smem:$0x3FAE]  }
0x2c: {  	s7 =	sld [smem:$0x3FAF]  }
0x2d: {  	s3 =	simm.s32 $0x108;
	s8 =	sld [smem:$0x3FB0]  }
0x2e: {  	s3 =	simm.s32 @!p0 $0x1082;
	s9 =	sld [smem:$0x3FB1]  }
0x2f: {  	lr =	sadd.s32 s0, s3;
	s0 =	sld [smem:$0x3FA8]  }
0x30: {  	s3 =	sld [smem:$0x3FAB]  }
0x31: {  	[smem:$0x3FB4] =	sst s10  }
0x32: {  	s10 =	sld [smem:$0x3FB2];
	_ =	sdelay $0x3  }
0x33: {  	p0 =	seq.s32 s10, $0x1;
	s10 =	sld [smem:$0x3FB4];
	_ =	sdelay $0x3  }
0x34: {  	[smem:$0x3FB4] =	sst s10  }
0x35: {  	s10 =	sld [smem:$0x3FB3];
	_ =	sdelay $0x3  }
0x36: {  	p1 =	seq.s32 s10, $0x1;
	s10 =	sld [smem:$0x3FB4];
	_ =	sdelay $0x3  }
0x37: {  	[smem:$0x3FB4] =	sst s10  }
0x38: {  	s10 =	sld [smem:$0x3FB5]  }
0x39: {  	_ = 	snop;
	(pc) =	sbr.ind lr, $3  }
0x3a: {  	_ = 	snop  }
0x3b: {  	_ = 	snop  }
0x3c: {  	p2 =	seq.s32 s10, $0x1;
	s10 =	sld [smem:$0x3FB4]  }
0x3d: {  	_ =	shalt  }
0x3e: {  	_ =	shalt  }
0x3f: {  	_ =	shalt  }
0x40: {  	_ =	shalt  }
0x41: {  	_ =	shalt  }
0x42: {  	_ =	shalt  }
0x43: {  	_ =	shalt  }
0x44: {  	_ =	shalt  }
0x45: {  	_ =	shalt  }
0x46: {  	_ =	shalt  }
0x47: {  	_ =	shalt  }
0x48: {  	_ =	shalt  }
0x49: {  	_ =	shalt  }
0x4a: {  	_ =	shalt  }
0x4b: {  	_ =	shalt  }
0x4c: {  	_ =	shalt  }
0x4d: {  	_ =	shalt  }
0x4e: {  	_ =	shalt  }
0x4f: {  	_ =	shalt  }
0x50: {  	_ =	shalt  }
0x51: {  	_ =	shalt  }
0x52: {  	_ =	shalt  }
0x53: {  	_ =	shalt  }
0x54: {  	_ =	shalt  }
0x55: {  	_ =	shalt  }
0x56: {  	_ =	shalt  }
0x57: {  	_ =	shalt  }
0x58: {  	_ =	shalt  }
0x59: {  	_ =	shalt  }
0x5a: {  	_ =	shalt  }
0x5b: {  	_ =	shalt  }
0x5c: {  	_ =	shalt  }
0x5d: {  	_ =	shalt  }
0x5e: {  	_ =	shalt  }
0x5f: {  	_ =	shalt  }
0x60: {  	_ =	shalt  }
0x61: {  	_ =	shalt  }
0x62: {  	_ =	shalt  }
0x63: {  	_ =	shalt  }
0x64: {  	_ =	shalt  }
0x65: {  	_ =	shalt  }
0x66: {  	_ =	shalt  }
0x67: {  	_ =	shalt  }
0x68: {  	_ =	shalt  }
0x69: {  	_ =	shalt  }
0x6a: {  	_ =	shalt  }
0x6b: {  	_ =	shalt  }
0x6c: {  	_ =	shalt  }
0x6d: {  	_ =	shalt  }
0x6e: {  	_ =	shalt  }
0x6f: {  	_ =	shalt  }
0x70: {  	_ =	shalt  }
0x71: {  	_ =	shalt  }
0x72: {  	_ =	shalt  }
0x73: {  	_ =	shalt  }
0x74: {  	_ =	shalt  }
0x75: {  	_ =	shalt  }
0x76: {  	_ =	shalt  }
0x77: {  	_ =	shalt  }
0x78: {  	_ =	shalt  }
0x79: {  	_ =	shalt  }
0x7a: {  	_ =	shalt  }
0x7b: {  	_ =	shalt  }
0x7c: {  	_ =	shalt  }
0x7d: {  	_ =	shalt  }
0x7e: {  	_ =	shalt  }
0x7f: {  	_ =	shalt  }
0x80: {  	_ =	shalt  }
0x81: {  	_ =	shalt  }
0x82: {  	_ =	shalt  }
0x83: {  	_ =	shalt  }
0x84: {  	_ =	shalt  }
0x85: {  	_ =	shalt  }
0x86: {  	_ =	shalt  }
0x87: {  	_ =	shalt  }
.Lfunc_end0:
.L_simem_size_0:
called_computation_lowered:
.L_overlay_start_0:
0x88: {  	s2 =	sld [smem:$0x3FD9]  }
0x89: {  	s3 =	sld [smem:$0x3FFE];
	_ =	sdelay $0x1  }
0x8a: {  	s1 =	srdreg.scid  }
0x8b: {  	s0 =	sand.u32 $0x1, s1  }
0x8c: {  	s16 =	sshll.u32 s0, $0xA;
	s2 =	sadd.s32 s3, s2  }
0x8d: {  	s2 =	sadd.s32 s2, s16  }
0x8e: {  	[smem:$0x3FC0] =	sst s2  }
0x8f: {  	_ = 	snop  }
0x90: {  	(tm) =	ssettm $0x1  }
0x91: {  	s17 =	sld [smem:$0x3FFB];
	_ =	sdelay $0x3  }
0x92: {  	_ =	strace s17  }
0x93: {  	s2 =	sld [smem:$0x3FFC];
	_ =	sdelay $0x3  }
0x94: {  	_ =	strace s2  }
0x95: {  	s2 =	sld [smem:$0x3FFD];
	_ =	sdelay $0x3  }
0x96: {  	_ =	strace s2  }
0x97: {  	_ =	strace $0x8FFFFFFF  }
0x98: {  	s18 =	sld [smem:$0x3FDB];
	_ =	sdelay $0x1  }
0x99: {  	s19 =	simm.s32 $_scs_section_size  }
0x9a: {  	s4 =	simm.s32 $_size__tile_overlayer_lowered;
	s5 =	simm.s32 $_tile_overlayer_lowered  }
0x9b: {  	s22 =	simm.s32 $0x1BFF;
	s21 =	sshll.u32 s5, $0x1;
	s2 =	sadd.s32 s19, s18  }
0x9c: {  	s6 =	simm.s32 $0x0;
	s20 =	sshll.u32 s4, $0x1;
	s4 =	sadd.s32 s21, s2  }
0x9d: {  	[timem:s6], [sflag:s22] =	dma.local [hbm:s4], s20  }
0x9e: {  	_ =	swait.ge [sflag:s22], s20  }
0x9f: {  	s3 =	ssub.s32 $0x0, s20;
	[sflag:s22] =	ssyncset.done $0x0  }
0xa0: {  	[sflag:s22] =	ssyncadd.s32 s3;
	_ =	sdelay $0x1  }
0xa1: {  	s23 =	simm.s32 $0x1B8B  }
0xa2: {  	_ =	swait.ge [sflag:s23], $0x1  }
0xa3: {  	[sflag:s23] =	ssyncset.done $0x0  }
0xa4: {  	s25 =	simm.s32 $0x1B8E;
	s24 =	sld [smem:$0x3FFE];
	[sflag:s23] =	ssyncadd.s32 $0xFFFFFFFF  }
0xa5: {  	s26 =	simm.s32 $execute0_lowered;
	[smem:$0x3FD2] =	sst s25  }
0xa6: {  	s4 =	sshll.u32 s26, $0x1;
	_ =	strace $0x80000046;
	[dreg:$0x1] =	wrdreg $0xFFFFFFFF  }
0xa7: {  	s28 =	simm.s32 $_size_execute0_lowered;
	s2 =	sadd.s32 s2, s4;
	[dreg:$0x0] =	wrdreg $0x0  }
0xa8: {  	s4 =	sshll.u32 s28, $0x1;
	[dreg:$0x2] =	wrdreg s2  }
0xa9: {  	[dreg:$0x3] =	wrdreg s4  }
0xaa: {  	[dreg:$0x4] =	wrdreg $0xC0  }
0xab: {  	_ =	task [dreg:s6], $0x5FFFF  }
0xac: {  	[dreg:$0x1] =	wrdreg $0xFFFFFFFF  }
0xad: {  	[dreg:$0x0] =	wrdreg $0x60  }
0xae: {  	[dreg:$0x2] =	wrdreg s24  }
0xaf: {  	[dreg:$0x3] =	wrdreg $0x52000  }
0xb0: {  	[dreg:$0x4] =	wrdreg $0x9  }
0xb1: {  	_ =	task.clear_ibuf [dreg:s6], $0x5FFFF;
	_ =	strace $0x90000046  }
0xb2: {  	s29 =	simm.s32 $0x9;
	_ =	strace $0x80000048  }
0xb3: {  	_ =	swait.ge [sflag:s29], $0x1  }
0xb4: {  	[sflag:s29] =	ssyncadd.s32 $0xFFFFFFFF  }
0xb5: {  	_ =	strace $0x90000048  }
0xb6: {  	_ =	sfence  }
0xb7: {  	s30 =	sld [smem:$0x0];
	_ =	sdelay $0x2  }
0xb8: {  	s31 =	sshll.u32 s1, $0xD;
	s1 =	sshrl.u32 s1, $0x2  }
0xb9: {  	s3 =	sand.u32 $0x4000, s31;
	s1 =	sadd.s32 s1, s30  }
0xba: {  	s0 =	sor.u32 s3, s0;
	s1 =	sshll.u32 s1, $0x11  }
0xbb: {  	s0 =	sor.u32 s1, s0  }
0xbc: {  	s0 =	sadd.s32 $0x8F2B, s0  }
0xbd: {  	[sflag:s0] =	ssyncadd.remote.s32 $0x1  }
0xbe: {  	_ =	sfence.sel $0xFFFF  }
0xbf: {  	[dreg:$0x0] =	wrdreg $0xFFFFFFFF;
	(pc) =	sbr.abs _section_cstart, $3  }
0xc0: {  	[dreg:$0x1] =	wrdreg $0xFFFFFFFF  }
0xc1: {  	_ =	task.clear_ibuf [dreg:s6], $0x2FFFF;
	_ =	strace $0x9FFFFFFF  }
0xc2: {  	(tm) =	ssettm $0x7FFFFFFF  }
0xc3: {  	_ =	shalt  }
tec
execute0_lowered:
.L_overlay_start_1:
0x0: {  	(tag) =	ssettag $0x1  }
0x1: {  	s0 =	rddreg [dreg:$0x0]  }
0x2: {  	s1 =	rddreg [dreg:$0x1];
	s2 =	srdreg.scid  }
0x3: {  	s3 =	simm.s32 $0x0;
	s8 =	stileid.u32;
	s28 =	simm.s32 $0x180  }
0x4: {  	s29 =	simm.s32 $0x1;
	s30 =	simm.s32 $0x50;
	s31 =	simm.s32 $0x2  }
0x5: {  	s2 =	sand.u32 $0x1, s2;
	[smem:$0x7FF] =	sst s3;
	s7 =	smul.u32 $0x13C00, s8  }
0x6: {  	s4 =	sadd.s32 $0xCC00, s0;
	s5 =	sadd.s32 $0x2E00, s0;
	s9 =	sadd.s32 $0x17000, s0  }
0x7: {  	s16 =	sadd.s32 $0x16A00, s0;
	s17 =	sadd.s32 $0x17600, s0;
	s19 =	sshll.u32 s8, $0x1  }
0x8: {  	s10 =	smul.u32 $0x4F000, s8;
	_ =	strace $0x80000047;
	[dreg:$0x3] =	wrdreg s9  }
0x9: {  	s23 =	sshll.u32 s8, $0x6;
	s14 =	smul.u32 $0x4E20, s8;
	[dreg:$0x4] =	wrdreg s16  }
0xa: {  	s6 =	smul.u32 $0x13C000, s2;
	[dreg:$0x5] =	wrdreg s17;
	s18 =	ssub.s32 $0x2, s2  }
0xb: {  	s9 =	sor.u32 s2, s19;
	s2 =	smul.u32 $0x2710, s2;
	s20 =	sshrl.u32 s18, $0x1  }
0xc: {  	s21 =	sshrl.u32 s10, $0x2;
	s22 =	smul.u32 $0x2710, s9;
	s9 =	sor.u32 $0x1C03, s23  }
0xd: {  	s23 =	simm.s32 $0x200;
	s6 =	sadd.s32 s7, s6;
	s7 =	sadd.s32 s21, s1  }
0xe: {  	s2 =	sadd.s32 s2, s14;
	s6 =	sshrl.u32 s6, $0x3;
	s15 =	sshrl.u32 s22, $0x3  }
0xf: {  	s17 =	sadd.s32 $0xF0, s2;
	s21 =	sshrl.u32 s7, $0x3;
	s22 =	simm.s32 $0x3  }
0x10: {  	s0 =	sadd.s32 s6, s0;
	s6 =	ssub.s32 s18, s20;
	s24 =	sadd.s32 s4, s15  }
0x11: {  	s11 =	sadd.s32 s5, s15;
	s13 =	sadd.s32 $0xA, s15;
	s25 =	sadd.s32 $0x4D8, s15  }
0x12: {  	s26 =	sshrl.u32 s17, $0x3;
	s20 =	sadd.s32 $0xA0, s2;
	[dreg:$0x6] =	wrdreg s24  }
0x13: {  	s12 =	sadd.s32 s4, s13;
	s13 =	sadd.s32 s5, s13;
	s14 =	sadd.s32 $0x19E00, s0  }
0x14: {  	s15 =	smax.u32 s6, $0x1;
	s16 =	sadd.s32 s4, s25;
	s17 =	sadd.s32 s5, s25  }
0x15: {  	s18 =	sadd.s32 s26, s5;
	s19 =	sadd.s32 s26, s4;
	s24 =	simm.s32 $0x2A00  }
0x16: {  	s25 =	simm.s32 $0x100;
	s26 =	simm.s32 $0x80;
	s0 =	simm.s32 $0x0  }
.LBB2_1:
0x17: {  	s2 =	rddreg [dreg:$0x5]  }
0x18: {  	[spmem:s21], [sflag:s9] =	dma.local [hbm:s2], $0x2780  }
0x19: {  	_ =	swait.ge [sflag:s22], $0x2780  }
0x1a: {  	[sflag:s22] =	ssyncset.done $0x0  }
0x1b: {  	s10 =	rddreg [dreg:$0x3];
	[sflag:s22] =	ssyncadd.s32 $0xFFFFD880  }
0x1c: {  	[tilespmem:s23], [sflag:$0x3] =	stream.linear.gather [hbm4b:s10+s3], $0x2800, $0x38;
	[tilespmem:$0x18E00] =	vst v63  }
0x1d: {  	_ =	swait.ge [sflag:s22], $0x2800  }
0x1e: {  	[sflag:s22] =	ssyncset.done $0x0  }
0x1f: {  	s6 =	rddreg [dreg:$0x4];
	[sflag:s22] =	ssyncadd.s32 $0xFFFFD800  }
0x20: {  	[tilespmem:s24], [sflag:$0x3] =	stream.linear.gather [hbm4b:s6+s3], $0x2800, $0x38;
	[tilespmem:$0x18E00] =	vst v63  }
0x21: {  	_ =	swait.ge [sflag:s22], $0x2800  }
0x22: {  	[sflag:s22] =	ssyncset.done $0x0  }
0x23: {  	[sflag:s22] =	ssyncadd.s32 $0xFFFFD800  }
0x24: {  	[bflag:$0x0] =	sbarrier.arrive $0xFFFF  }
0x25: {  	s7 =	rddreg [dreg:$0x6]  }
0x26: {  	[tilespmem:s3], [sflag:$0x1] =	stream.linear.gather [hbm4b:s7+s3], $0x50, $0x38;
	[tilespmem:$0x18E00] =	vst v63  }
0x27: {  	_ = 	snop  }
0x28: {  	[tilespmem:s25], [sflag:$0x1] =	stream.linear.gather [hbm4b:s11+s3], $0x50, $0x38;
	[tilespmem:$0x18E00] =	vst v63  }
0x29: {  	_ = 	snop  }
0x2a: {  	[tilespmem:s26], [sflag:$0x2] =	stream.linear.gather [hbm4b:s12+s3], $0x50, $0x38;
	[tilespmem:$0x18E00] =	vst v63  }
0x2b: {  	_ = 	snop  }
0x2c: {  	[tilespmem:s28], [sflag:$0x2] =	stream.linear.gather [hbm4b:s13+s3], $0x50, $0x38;
	[tilespmem:$0x18E00] =	vst v63  }
0x2d: {  	_ =	swait.ge [sflag:s29], $0x50  }
0x2e: {  	[sflag:s29] =	ssyncset.done $0x0  }
0x2f: {  	[sflag:s29] =	ssyncadd.s32 $0xFFFFFFB0  }
0x30: {  	_ =	swait.ge [sflag:s29], $0x50  }
0x31: {  	[sflag:s29] =	ssyncset.done $0x0  }
0x32: {  	[sflag:s29] =	ssyncadd.s32 $0xFFFFFFB0  }
0x33: {  	[spmem:s1] =	stream.indirect.scatter.add.f32 [tilespmem:s23], [sflag:$0x3], $0x80, s3, s30, $0xb8;
	[tilespmem:$0x18E00] =	vst v63  }
0x34: {  	_ =	swait.ge [sflag:s22], $0x2800  }
0x35: {  	[sflag:s22] =	ssyncset.done $0x0  }
0x36: {  	[sflag:s22] =	ssyncadd.s32 $0xFFFFD800  }
0x37: {  	[spmem:s1] =	stream.indirect.scatter.add.f32 [tilespmem:s24], [sflag:$0x3], $0x80, s25, s30, $0xb8;
	[tilespmem:$0x18E00] =	vst v63  }
0x38: {  	_ =	swait.ge [sflag:s22], $0x2800  }
0x39: {  	s8 =	sshrl.u32 s20, $0x3;
	[sflag:s22] =	ssyncset.done $0x0  }
0x3a: {  	s6 =	sadd.s32 s4, s8;
	[sflag:s22] =	ssyncadd.s32 $0xFFFFD800  }
0x3b: {  	[tilespmem:s3], [sflag:$0x1] =	stream.linear.gather [hbm4b:s6+s3], $0x50, $0x38;
	[tilespmem:$0x18E00] =	vst v63  }
0x3c: {  	s2 =	sadd.s32 s5, s8  }
0x3d: {  	[tilespmem:s25], [sflag:$0x1] =	stream.linear.gather [hbm4b:s2+s3], $0x50, $0x38;
	[tilespmem:$0x18E00] =	vst v63  }
0x3e: {  	_ =	swait.ge [sflag:s31], $0x50  }
0x3f: {  	[sflag:s31] =	ssyncset.done $0x0  }
0x40: {  	[sflag:s31] =	ssyncadd.s32 $0xFFFFFFB0  }
0x41: {  	_ =	swait.ge [sflag:s31], $0x50  }
0x42: {  	[sflag:s31] =	ssyncset.done $0x0  }
0x43: {  	[sflag:s31] =	ssyncadd.s32 $0xFFFFFFB0  }
0x44: {  	[spmem:s1] =	stream.indirect.scatter.add.f32 [tilespmem:s23], [sflag:$0x3], $0x80, s26, s30, $0xb8;
	[tilespmem:$0x18E00] =	vst v63  }
0x45: {  	_ =	swait.ge [sflag:s22], $0x2800  }
0x46: {  	[sflag:s22] =	ssyncset.done $0x0  }
0x47: {  	[sflag:s22] =	ssyncadd.s32 $0xFFFFD800  }
0x48: {  	[spmem:s1] =	stream.indirect.scatter.add.f32 [tilespmem:s24], [sflag:$0x3], $0x80, s28, s30, $0xb8;
	[tilespmem:$0x18E00] =	vst v63  }
0x49: {  	_ =	swait.ge [sflag:s22], $0x2800  }
0x4a: {  	s10 =	sadd.s32 $0x0, s19;
	s7 =	sadd.s32 $0x0, s18;
	[sflag:s22] =	ssyncset.done $0x0  }
0x4b: {  	s6 =	sadd.s32 $0xA0, s20;
	s2 =	simm.s32 $0x14;
	[sflag:s22] =	ssyncadd.s32 $0xFFFFD800  }
0x4c: {  	[tilespmem:s26], [sflag:$0x2] =	stream.linear.gather [hbm4b:s10+s3], $0x50, $0x38;
	[tilespmem:$0x18E00] =	vst v63  }
.LBB2_2:
0x4d: {  	[tilespmem:s28], [sflag:$0x2] =	stream.linear.gather [hbm4b:s7+s3], $0x50, $0x38;
	[tilespmem:$0x18E00] =	vst v63  }
0x4e: {  	s7 =	smov.u32 s2  }
0x4f: {  	p0 =	sne.s32 s2, $0x4B0;
	s2 =	sadd.s32 $0x14, s2;
	_ =	swait.ge [sflag:s29], $0x50  }
0x50: {  	[sflag:s29] =	ssyncset.done $0x0  }
0x51: {  	[sflag:s29] =	ssyncadd.s32 $0xFFFFFFB0  }
0x52: {  	_ =	swait.ge [sflag:s29], $0x50  }
0x53: {  	[sflag:s29] =	ssyncset.done $0x0  }
0x54: {  	[sflag:s29] =	ssyncadd.s32 $0xFFFFFFB0  }
0x55: {  	[spmem:s1] =	stream.indirect.scatter.add.f32 [tilespmem:s23], [sflag:$0x3], $0x80, s3, s30, $0xb8;
	[tilespmem:$0x18E00] =	vst v63  }
0x56: {  	_ =	swait.ge [sflag:s22], $0x2800  }
0x57: {  	[sflag:s22] =	ssyncset.done $0x0  }
0x58: {  	[sflag:s22] =	ssyncadd.s32 $0xFFFFD800  }
0x59: {  	[spmem:s1] =	stream.indirect.scatter.add.f32 [tilespmem:s24], [sflag:$0x3], $0x80, s25, s30, $0xb8;
	[tilespmem:$0x18E00] =	vst v63  }
0x5a: {  	_ =	swait.ge [sflag:s22], $0x2800  }
0x5b: {  	s8 =	sshrl.u32 s6, $0x3;
	[sflag:s22] =	ssyncset.done $0x0  }
0x5c: {  	s10 =	sadd.s32 s4, s8;
	[sflag:s22] =	ssyncadd.s32 $0xFFFFD800  }
0x5d: {  	[tilespmem:s3], [sflag:$0x1] =	stream.linear.gather [hbm4b:s10+s3], $0x50, $0x38;
	[tilespmem:$0x18E00] =	vst v63  }
0x5e: {  	s8 =	sadd.s32 s5, s8  }
0x5f: {  	[tilespmem:s25], [sflag:$0x1] =	stream.linear.gather [hbm4b:s8+s3], $0x50, $0x38;
	[tilespmem:$0x18E00] =	vst v63  }
0x60: {  	_ =	swait.ge [sflag:s31], $0x50  }
0x61: {  	[sflag:s31] =	ssyncset.done $0x0  }
0x62: {  	[sflag:s31] =	ssyncadd.s32 $0xFFFFFFB0  }
0x63: {  	_ =	swait.ge [sflag:s31], $0x50  }
0x64: {  	[sflag:s31] =	ssyncset.done $0x0  }
0x65: {  	[sflag:s31] =	ssyncadd.s32 $0xFFFFFFB0  }
0x66: {  	[spmem:s1] =	stream.indirect.scatter.add.f32 [tilespmem:s23], [sflag:$0x3], $0x80, s26, s30, $0xb8;
	[tilespmem:$0x18E00] =	vst v63  }
0x67: {  	_ =	swait.ge [sflag:s22], $0x2800  }
0x68: {  	[sflag:s22] =	ssyncset.done $0x0  }
0x69: {  	[sflag:s22] =	ssyncadd.s32 $0xFFFFD800  }
0x6a: {  	[spmem:s1] =	stream.indirect.scatter.add.f32 [tilespmem:s24], [sflag:$0x3], $0x80, s28, s30, $0xb8;
	[tilespmem:$0x18E00] =	vst v63  }
.Ltmp0:
0x6b: {  	_ =	swait.ge [sflag:s22], $0x2800;
	(pc) =	sbr.rel @p0 .LBB2_2-.Ltmp0, $4  }
0x6c: {  	[sflag:s22] =	ssyncset.done $0x0  }
0x6d: {  	s8 =	sadd.s32 s7, s19;
	[sflag:s22] =	ssyncadd.s32 $0xFFFFD800  }
0x6e: {  	[tilespmem:s26], [sflag:$0x2] =	stream.linear.gather [hbm4b:s8+s3], $0x50, $0x38;
	[tilespmem:$0x18E00] =	vst v63  }
0x6f: {  	s6 =	sadd.s32 $0xA0, s6;
	s7 =	sadd.s32 s7, s18  }
0x70: {  	[tilespmem:s28], [sflag:$0x2] =	stream.linear.gather [hbm4b:s7+s3], $0x50, $0x38;
	[tilespmem:$0x18E00] =	vst v63  }
0x71: {  	_ =	swait.ge [sflag:s29], $0x50  }
0x72: {  	[sflag:s29] =	ssyncset.done $0x0  }
0x73: {  	[sflag:s29] =	ssyncadd.s32 $0xFFFFFFB0  }
0x74: {  	_ =	swait.ge [sflag:s29], $0x50  }
0x75: {  	[sflag:s29] =	ssyncset.done $0x0  }
0x76: {  	[sflag:s29] =	ssyncadd.s32 $0xFFFFFFB0  }
0x77: {  	[spmem:s1] =	stream.indirect.scatter.add.f32 [tilespmem:s23], [sflag:$0x3], $0x80, s3, s30, $0xb8;
	[tilespmem:$0x18E00] =	vst v63  }
0x78: {  	_ =	swait.ge [sflag:s22], $0x2800  }
0x79: {  	[sflag:s22] =	ssyncset.done $0x0  }
0x7a: {  	[sflag:s22] =	ssyncadd.s32 $0xFFFFD800  }
0x7b: {  	[spmem:s1] =	stream.indirect.scatter.add.f32 [tilespmem:s24], [sflag:$0x3], $0x80, s25, s30, $0xb8;
	[tilespmem:$0x18E00] =	vst v63  }
0x7c: {  	_ =	swait.ge [sflag:s22], $0x2800  }
0x7d: {  	[sflag:s22] =	ssyncset.done $0x0  }
0x7e: {  	[sflag:s22] =	ssyncadd.s32 $0xFFFFD800  }
0x7f: {  	[tilespmem:s3], [sflag:$0x1] =	stream.linear.gather [hbm4b:s16+s3], $0x50, $0x38;
	[tilespmem:$0x18E00] =	vst v63  }
0x80: {  	_ = 	snop  }
0x81: {  	[tilespmem:s25], [sflag:$0x1] =	stream.linear.gather [hbm4b:s17+s3], $0x50, $0x38;
	[tilespmem:$0x18E00] =	vst v63  }
0x82: {  	_ =	swait.ge [sflag:s31], $0x50  }
0x83: {  	[sflag:s31] =	ssyncset.done $0x0  }
0x84: {  	[sflag:s31] =	ssyncadd.s32 $0xFFFFFFB0  }
0x85: {  	_ =	swait.ge [sflag:s31], $0x50  }
0x86: {  	[sflag:s31] =	ssyncset.done $0x0  }
0x87: {  	[sflag:s31] =	ssyncadd.s32 $0xFFFFFFB0  }
0x88: {  	[spmem:s1] =	stream.indirect.scatter.add.f32 [tilespmem:s23], [sflag:$0x3], $0x80, s26, s30, $0xb8;
	[tilespmem:$0x18E00] =	vst v63  }
0x89: {  	_ =	swait.ge [sflag:s22], $0x2800  }
0x8a: {  	[sflag:s22] =	ssyncset.done $0x0  }
0x8b: {  	[sflag:s22] =	ssyncadd.s32 $0xFFFFD800  }
0x8c: {  	[spmem:s1] =	stream.indirect.scatter.add.f32 [tilespmem:s24], [sflag:$0x3], $0x80, s28, s30, $0xb8;
	[tilespmem:$0x18E00] =	vst v63  }
0x8d: {  	_ =	swait.ge [sflag:s22], $0x2800  }
0x8e: {  	[sflag:s22] =	ssyncset.done $0x0  }
0x8f: {  	[sflag:s22] =	ssyncadd.s32 $0xFFFFD800  }
0x90: {  	_ =	swait.ge [sflag:s29], $0x50  }
0x91: {  	[sflag:s29] =	ssyncset.done $0x0  }
0x92: {  	[sflag:s29] =	ssyncadd.s32 $0xFFFFFFB0  }
0x93: {  	_ =	swait.ge [sflag:s29], $0x50  }
0x94: {  	[sflag:s29] =	ssyncset.done $0x0  }
0x95: {  	[sflag:s29] =	ssyncadd.s32 $0xFFFFFFB0  }
0x96: {  	[spmem:s1] =	stream.indirect.scatter.add.f32 [tilespmem:s23], [sflag:$0x3], $0x80, s3, s30, $0xb8;
	[tilespmem:$0x18E00] =	vst v63  }
0x97: {  	_ =	swait.ge [sflag:s22], $0x2800  }
0x98: {  	[sflag:s22] =	ssyncset.done $0x0  }
0x99: {  	[sflag:s22] =	ssyncadd.s32 $0xFFFFD800  }
0x9a: {  	[spmem:s1] =	stream.indirect.scatter.add.f32 [tilespmem:s24], [sflag:$0x3], $0x80, s25, s30, $0xb8;
	[tilespmem:$0x18E00] =	vst v63  }
0x9b: {  	_ =	swait.ge [sflag:s22], $0x2800  }
0x9c: {  	s0 =	sadd.s32 $0x1, s0;
	[sflag:s22] =	ssyncset.done $0x0  }
0x9d: {  	p0 =	sne.s32 s0, s15;
	[sflag:s22] =	ssyncadd.s32 $0xFFFFD800  }
.Ltmp1:
0x9e: {  	[bflag:$0x0] =	sbarrier.arrive $0xFFFF;
	(pc) =	sbr.rel @p0 .LBB2_1-.Ltmp1, $4  }
0x9f: {  	[hbm:s14], [sflag:s9] =	dma.local [spmem:s21], $0x2780  }
0xa0: {  	_ =	swait.ge [sflag:s22], $0x2780  }
0xa1: {  	[sflag:s22] =	ssyncset.done $0x0  }
0xa2: {  	[sflag:s22] =	ssyncadd.s32 $0xFFFFD880  }
0xa3: {  	_ =	sfence.sel $0x180000  }
0xa4: {  	[bflag:$0x0] =	sbarrier.arrive $0xFFFF  }
0xa5: {  	_ =	strace $0x90000047  }
0xa6: {  	s0 =	stileid.u32;
	[bflag:$0x2] =	sbarrier.arrive $0xFFFF  }
0xa7: {  	p0 =	sne.s32 s0, $0x0;
	s0 =	rddreg [dreg:$0x2]  }
0xa8: {  	s0 =	sadd.s32 @!p0 $0x100000, s0  }
0xa9: {  	[sflag:s0] =	ssyncadd.tile.s32 @!p0 $0x1;
	_ =	shalt  }
.Lfunc_end2:
_tile_overlayer_lowered:
.L_overlay_start_2:
0xaa: {  	(tag) =	ssettag $0x2  }
0xab: {  	s0 =	rddreg [dreg:$0x0];
	s2 =	stileid.u32  }
0xac: {  	s1 =	rddreg [dreg:$0x1];
	p0 =	sne.s32 s2, $0x0  }
0xad: {  	s3 =	rddreg [dreg:$0x2];
	[bflag:$0x3] =	sbarrier.arrive $0xFFFF;
	s2 =	simm.s32 @!p0 $0x1C03  }
0xae: {  	[timem:s3], [sflag:s2] =	dma.local @!p0 [hbm:s0], s1  }
0xaf: {  	s0 =	simm.s32 @!p0 $0x3  }
0xb0: {  	_ =	swait.ge @!p0 [sflag:s0], s1  }
0xb1: {  	s1 =	ssub.s32 @!p0 $0x0, s1;
	[sflag:s0] =	ssyncset.done @!p0 $0x0  }
0xb2: {  	[sflag:s0] =	ssyncadd.s32 @!p0 s1  }
0xb3: {  	[bflag:$0x3] =	sbarrier.arrive $0xFFFF  }
0xb4: {  	_ =	shalt  }

</sc_bundles>
